<compile_context>
chip_gen: v7x
topology: tpu7x:2x2x1
jax: 0.10.2.dev20260603
libtpu: 0.0.44.dev20260713+nightly
codegen_flags: <defaults>
</compile_context>

<pallas_src>
import functools
import math

import jax
import jax.numpy as jnp
import numpy as np
from jax import lax
from jax.experimental import pallas as pl
from jax.experimental.pallas import tpu as pltpu
from jax.experimental.pallas import tpu_sc as plsc

D = 128
B = 4
L = 2048
BL = B * L
SCALE = math.sqrt(float(D))

_NC = 2
_NS = 16
_NW = _NC * _NS
_PPW = L // _NW
_HALF = _PPW // 2
_LANES = 16


def _pos_encoding(length, depth):
    half = depth // 2
    positions = np.arange(length)[:, None]
    depths = np.arange(half)[None, :] / half
    angle_rates = 1 / 10000 ** depths
    angle_rads = positions * angle_rates
    enc = np.concatenate([np.sin(angle_rads), np.cos(angle_rads)], axis=-1)
    return enc.astype(np.float32)


_PE = _pos_encoding(L, D)


def _make_sc_embed():
    mesh = plsc.VectorSubcoreMesh(
        core_axis_name="c", subcore_axis_name="s", num_cores=_NC
    )

    @functools.partial(
        pl.kernel,
        mesh=mesh,
        out_type=jax.ShapeDtypeStruct((BL, D), jnp.float32),
        scratch_types=[
            pltpu.VMEM((B, _PPW), jnp.int32),
            pltpu.VMEM((B, _PPW, D), jnp.float32),
            pltpu.VMEM((_PPW, D), jnp.float32),
            pltpu.SemaphoreType.DMA,
            pltpu.SemaphoreType.DMA,
            pltpu.SemaphoreType.DMA,
            pltpu.SemaphoreType.DMA,
            pltpu.SemaphoreType.DMA,
            pltpu.SemaphoreType.DMA,
            pltpu.SemaphoreType.DMA,
            pltpu.SemaphoreType.DMA,
            pltpu.SemaphoreType.DMA,
            pltpu.SemaphoreType.DMA,
            pltpu.SemaphoreType.DMA,
        ],
    )
    def sc_embed(idx_hbm, table_hbm, pe_hbm, out_hbm, idx_v, rows_v, pe_v,
                 isem, psem, g00, g01, g10, g11, g20, g21, g30, g31, osem):
        wid = lax.axis_index("s") * _NC + lax.axis_index("c")
        pos0 = wid * _PPW
        gsems = ((g00, g01), (g10, g11), (g20, g21), (g30, g31))

        idx_cps = [
            pltpu.async_copy(idx_hbm.at[pl.ds(b * L + pos0, _PPW)],
                             idx_v.at[b], isem)
            for b in range(B)
        ]

        def gather(b, h):
            return pltpu.async_copy(
                table_hbm.at[idx_v.at[b, pl.ds(h * _HALF, _HALF)]],
                rows_v.at[b, pl.ds(h * _HALF, _HALF)],
                gsems[b][h])

        gathers = {}
        idx_cps[0].wait()
        gathers[(0, 0)] = gather(0, 0)
        idx_cps[1].wait()
        gathers[(1, 0)] = gather(1, 0)
        pe_cp = pltpu.async_copy(pe_hbm.at[pl.ds(pos0, _PPW)], pe_v, psem)
        idx_cps[2].wait()
        idx_cps[3].wait()
        for b, h in ((2, 0), (3, 0), (0, 1), (1, 1), (2, 1), (3, 1)):
            gathers[(b, h)] = gather(b, h)
        pe_cp.wait()

        out_cps = []
        for h in range(2):
            for b0 in range(0, B, 2):
                gathers[(b0, h)].wait()
                gathers[(b0 + 1, h)].wait()

                def body(i, carry, b0=b0, h=h):
                    i = i + h * _HALF
                    for j in range(D // _LANES):
                        sl = pl.ds(j * _LANES, _LANES)
                        p = pe_v[i, sl]
                        for b in (b0, b0 + 1):
                            rows_v[b, i, sl] = rows_v[b, i, sl] * SCALE + p
                    return carry

                lax.fori_loop(0, _HALF, body, 0)
                for b in (b0, b0 + 1):
                    out_cps.append(pltpu.async_copy(
                        rows_v.at[b, pl.ds(h * _HALF, _HALF)],
                        out_hbm.at[pl.ds(b * L + pos0 + h * _HALF, _HALF)],
                        osem))
        for cp in out_cps:
            cp.wait()

    return sc_embed


_sc_embed = _make_sc_embed()


def kernel(x, table):
    idx = x.reshape(-1)
    pe = jnp.asarray(_PE)
    out = _sc_embed(idx, table, pe)
    return out.reshape(B, L, D)

# --- scband reference (transcript-rebuilt; emitter-appended) ---
"""Pipeline reference for scband-positional-embedding-31911607009459 (READ-ONLY COPY).

The authoritative reference and input builder live on the scoring server;
editing this copy changes nothing except your own understanding.
"""

import jax, jax.numpy as jnp
import numpy as np

VOCAB = 1000000
D_MODEL = 128
B = 4
L = 2048
PE_LEN = 2048


def positional_encoding(length, depth):
    depth = depth / 2
    positions = np.arange(length)[:, np.newaxis]
    depths = np.arange(depth)[np.newaxis, :] / depth
    angle_rates = 1 / 10000 ** depths
    angle_rads = positions * angle_rates
    pos_encoding = np.concatenate([np.sin(angle_rads), np.cos(angle_rads)], axis=-1)
    return jnp.asarray(pos_encoding, dtype=jnp.float32)


def setup_inputs(seed: int = 0) -> dict:
    key = jax.random.key(seed)
    k1, k2 = jax.random.split(key)
    x = jax.random.randint(k1, (B, L), 0, VOCAB, dtype=jnp.int32)
    table = jax.random.normal(k2, (VOCAB, D_MODEL), dtype=jnp.float32) * 0.02
    return {"x": x, "table": table}


def reference(x, table):
    length = x.shape[1]
    # embedding lookup (gather) -- SparseCore-friendly
    emb = jnp.take(table, x, axis=0)
    emb = emb * jnp.sqrt(jnp.asarray(D_MODEL, dtype=jnp.float32))
    pe = positional_encoding(PE_LEN, D_MODEL)
    out = emb + pe[jnp.newaxis, :length, :emb.shape[-1]]
    return out

if __name__ == "__main__":
    import jax
    _d = setup_inputs()
    print(jax.jit(kernel)(*tuple(_d.values())))

</pallas_src>

<mosaic_0001>
#map = affine_map<(d0, d1) -> (0)>
#map1 = affine_map<(d0, d1) -> (0, 0)>
module attributes {stable_mosaic.version = 14 : i64} {
  func.func @sc_embed(%arg0: i32, %arg1: i32, %arg2: memref<8192xi32, #tpu.memory_space<hbm>>, %arg3: memref<1000000x128xf32, #tpu.memory_space<hbm>>, %arg4: memref<2048x128xf32, #tpu.memory_space<hbm>>, %arg5: memref<8192x128xf32, #tpu.memory_space<hbm>>, %arg6: memref<4x64xi32, #tpu.memory_space<vmem>>, %arg7: memref<4x64x128xf32, #tpu.memory_space<vmem>>, %arg8: memref<64x128xf32, #tpu.memory_space<vmem>>, %arg9: memref<!tpu.dma_semaphore, #tpu.memory_space<semaphore_mem>>, %arg10: memref<!tpu.dma_semaphore, #tpu.memory_space<semaphore_mem>>, %arg11: memref<!tpu.dma_semaphore, #tpu.memory_space<semaphore_mem>>, %arg12: memref<!tpu.dma_semaphore, #tpu.memory_space<semaphore_mem>>, %arg13: memref<!tpu.dma_semaphore, #tpu.memory_space<semaphore_mem>>, %arg14: memref<!tpu.dma_semaphore, #tpu.memory_space<semaphore_mem>>, %arg15: memref<!tpu.dma_semaphore, #tpu.memory_space<semaphore_mem>>, %arg16: memref<!tpu.dma_semaphore, #tpu.memory_space<semaphore_mem>>, %arg17: memref<!tpu.dma_semaphore, #tpu.memory_space<semaphore_mem>>, %arg18: memref<!tpu.dma_semaphore, #tpu.memory_space<semaphore_mem>>, %arg19: memref<!tpu.dma_semaphore, #tpu.memory_space<semaphore_mem>>) attributes {dimension_semantics = [#tpu.dimension_semantics<core_parallel>, #tpu.dimension_semantics<subcore_parallel>], iteration_bounds = array<i64: 2, 16>, scalar_prefetch = 0 : i64, scratch_operands = 14 : i64, tpu.core_type = #tpu.core_type<sc_vector_subcore>, window_params = [{transform_indices = #map}, {transform_indices = #map1}, {transform_indices = #map1}, {transform_indices = #map1}]} {
    %mul3A = arith.constant 2 : i32
    %mul3A_0 = arith.muli %arg1, %mul3A : i32
    %add3A = arith.addi %mul3A_0, %arg0 : i32
    %mul3A_1 = arith.constant 64 : i32
    %mul3A_2 = arith.muli %add3A, %mul3A_1 : i32
    %add3A_3 = arith.constant 0 : i32
    %add3A_4 = arith.addi %add3A_3, %mul3A_2 : i32
    %dma_start3A = arith.constant 0 : i32
    %dma_start3A_5 = arith.constant 0 : i32
    %dma_start3A_6 = tpu.memref_slice %arg6[%dma_start3A, %dma_start3A_5] : memref<4x64xi32, #tpu.memory_space<vmem>> -> memref<1x64xi32, #tpu.memory_space<vmem>>
    %dma_start3A_7 = tpu.memref_squeeze %dma_start3A_6 : memref<1x64xi32, #tpu.memory_space<vmem>> -> memref<64xi32, #tpu.memory_space<vmem>>
    %dma_start3A_8 = tpu.memref_slice %arg2[%add3A_4] : memref<8192xi32, #tpu.memory_space<hbm>> -> memref<64xi32, #tpu.memory_space<hbm>>
    %dma_start3A_9 = arith.constant 0 : i32
    %dma_start3A_10 = tpu.memref_slice %arg6[%dma_start3A, %dma_start3A_9] : memref<4x64xi32, #tpu.memory_space<vmem>> -> memref<1x64xi32, #tpu.memory_space<vmem>>
    %dma_start3A_11 = tpu.memref_squeeze %dma_start3A_10 : memref<1x64xi32, #tpu.memory_space<vmem>> -> memref<64xi32, #tpu.memory_space<vmem>>
    %dma_start3A_12 = tpu.memref_slice %arg2[%add3A_4] : memref<8192xi32, #tpu.memory_space<hbm>> -> memref<64xi32, #tpu.memory_space<hbm>>
    tpu.enqueue_dma source(%dma_start3A_12 : memref<64xi32, #tpu.memory_space<hbm>>) target(%dma_start3A_11 : memref<64xi32, #tpu.memory_space<vmem>>) target_semaphore(%arg9 : memref<!tpu.dma_semaphore, #tpu.memory_space<semaphore_mem>>)
    %add3A_13 = arith.constant 2048 : i32
    %add3A_14 = arith.addi %add3A_13, %mul3A_2 : i32
    %dma_start3A_15 = arith.constant 1 : i32
    %dma_start3A_16 = arith.constant 0 : i32
    %dma_start3A_17 = tpu.memref_slice %arg6[%dma_start3A_15, %dma_start3A_16] : memref<4x64xi32, #tpu.memory_space<vmem>> -> memref<1x64xi32, #tpu.memory_space<vmem>>
    %dma_start3A_18 = tpu.memref_squeeze %dma_start3A_17 : memref<1x64xi32, #tpu.memory_space<vmem>> -> memref<64xi32, #tpu.memory_space<vmem>>
    %dma_start3A_19 = tpu.memref_slice %arg2[%add3A_14] : memref<8192xi32, #tpu.memory_space<hbm>> -> memref<64xi32, #tpu.memory_space<hbm>>
    %dma_start3A_20 = arith.constant 0 : i32
    %dma_start3A_21 = tpu.memref_slice %arg6[%dma_start3A_15, %dma_start3A_20] : memref<4x64xi32, #tpu.memory_space<vmem>> -> memref<1x64xi32, #tpu.memory_space<vmem>>
    %dma_start3A_22 = tpu.memref_squeeze %dma_start3A_21 : memref<1x64xi32, #tpu.memory_space<vmem>> -> memref<64xi32, #tpu.memory_space<vmem>>
    %dma_start3A_23 = tpu.memref_slice %arg2[%add3A_14] : memref<8192xi32, #tpu.memory_space<hbm>> -> memref<64xi32, #tpu.memory_space<hbm>>
    tpu.enqueue_dma source(%dma_start3A_23 : memref<64xi32, #tpu.memory_space<hbm>>) target(%dma_start3A_22 : memref<64xi32, #tpu.memory_space<vmem>>) target_semaphore(%arg9 : memref<!tpu.dma_semaphore, #tpu.memory_space<semaphore_mem>>)
    %add3A_24 = arith.constant 4096 : i32
    %add3A_25 = arith.addi %add3A_24, %mul3A_2 : i32
    %dma_start3A_26 = arith.constant 2 : i32
    %dma_start3A_27 = arith.constant 0 : i32
    %dma_start3A_28 = tpu.memref_slice %arg6[%dma_start3A_26, %dma_start3A_27] : memref<4x64xi32, #tpu.memory_space<vmem>> -> memref<1x64xi32, #tpu.memory_space<vmem>>
    %dma_start3A_29 = tpu.memref_squeeze %dma_start3A_28 : memref<1x64xi32, #tpu.memory_space<vmem>> -> memref<64xi32, #tpu.memory_space<vmem>>
    %dma_start3A_30 = tpu.memref_slice %arg2[%add3A_25] : memref<8192xi32, #tpu.memory_space<hbm>> -> memref<64xi32, #tpu.memory_space<hbm>>
    %dma_start3A_31 = arith.constant 0 : i32
    %dma_start3A_32 = tpu.memref_slice %arg6[%dma_start3A_26, %dma_start3A_31] : memref<4x64xi32, #tpu.memory_space<vmem>> -> memref<1x64xi32, #tpu.memory_space<vmem>>
    %dma_start3A_33 = tpu.memref_squeeze %dma_start3A_32 : memref<1x64xi32, #tpu.memory_space<vmem>> -> memref<64xi32, #tpu.memory_space<vmem>>
    %dma_start3A_34 = tpu.memref_slice %arg2[%add3A_25] : memref<8192xi32, #tpu.memory_space<hbm>> -> memref<64xi32, #tpu.memory_space<hbm>>
    tpu.enqueue_dma source(%dma_start3A_34 : memref<64xi32, #tpu.memory_space<hbm>>) target(%dma_start3A_33 : memref<64xi32, #tpu.memory_space<vmem>>) target_semaphore(%arg9 : memref<!tpu.dma_semaphore, #tpu.memory_space<semaphore_mem>>)
    %add3A_35 = arith.constant 6144 : i32
    %add3A_36 = arith.addi %add3A_35, %mul3A_2 : i32
    %dma_start3A_37 = arith.constant 3 : i32
    %dma_start3A_38 = arith.constant 0 : i32
    %dma_start3A_39 = tpu.memref_slice %arg6[%dma_start3A_37, %dma_start3A_38] : memref<4x64xi32, #tpu.memory_space<vmem>> -> memref<1x64xi32, #tpu.memory_space<vmem>>
    %dma_start3A_40 = tpu.memref_squeeze %dma_start3A_39 : memref<1x64xi32, #tpu.memory_space<vmem>> -> memref<64xi32, #tpu.memory_space<vmem>>
    %dma_start3A_41 = tpu.memref_slice %arg2[%add3A_36] : memref<8192xi32, #tpu.memory_space<hbm>> -> memref<64xi32, #tpu.memory_space<hbm>>
    %dma_start3A_42 = arith.constant 0 : i32
    %dma_start3A_43 = tpu.memref_slice %arg6[%dma_start3A_37, %dma_start3A_42] : memref<4x64xi32, #tpu.memory_space<vmem>> -> memref<1x64xi32, #tpu.memory_space<vmem>>
    %dma_start3A_44 = tpu.memref_squeeze %dma_start3A_43 : memref<1x64xi32, #tpu.memory_space<vmem>> -> memref<64xi32, #tpu.memory_space<vmem>>
    %dma_start3A_45 = tpu.memref_slice %arg2[%add3A_36] : memref<8192xi32, #tpu.memory_space<hbm>> -> memref<64xi32, #tpu.memory_space<hbm>>
    tpu.enqueue_dma source(%dma_start3A_45 : memref<64xi32, #tpu.memory_space<hbm>>) target(%dma_start3A_44 : memref<64xi32, #tpu.memory_space<vmem>>) target_semaphore(%arg9 : memref<!tpu.dma_semaphore, #tpu.memory_space<semaphore_mem>>)
    %dma_wait3A = arith.constant 0 : i32
    %dma_wait3A_46 = arith.constant 0 : i32
    %dma_wait3A_47 = tpu.memref_slice %arg6[%dma_wait3A, %dma_wait3A_46] : memref<4x64xi32, #tpu.memory_space<vmem>> -> memref<1x64xi32, #tpu.memory_space<vmem>>
    %dma_wait3A_48 = tpu.memref_squeeze %dma_wait3A_47 : memref<1x64xi32, #tpu.memory_space<vmem>> -> memref<64xi32, #tpu.memory_space<vmem>>
    %dma_wait3A_49 = tpu.memref_slice %arg2[%add3A_4] : memref<8192xi32, #tpu.memory_space<hbm>> -> memref<64xi32, #tpu.memory_space<hbm>>
    %dma_wait3A_50 = arith.constant 0 : i32
    %dma_wait3A_51 = tpu.memref_slice %arg6[%dma_wait3A, %dma_wait3A_50] : memref<4x64xi32, #tpu.memory_space<vmem>> -> memref<1x64xi32, #tpu.memory_space<vmem>>
    %dma_wait3A_52 = tpu.memref_squeeze %dma_wait3A_51 : memref<1x64xi32, #tpu.memory_space<vmem>> -> memref<64xi32, #tpu.memory_space<vmem>>
    %dma_wait3A_53 = tpu.memref_slice %arg2[%add3A_4] : memref<8192xi32, #tpu.memory_space<hbm>> -> memref<64xi32, #tpu.memory_space<hbm>>
    tpu.wait_dma2 semaphore(%arg9 : memref<!tpu.dma_semaphore, #tpu.memory_space<semaphore_mem>>) src(%dma_wait3A_53 : memref<64xi32, #tpu.memory_space<hbm>>) dst(%dma_wait3A_52 : memref<64xi32, #tpu.memory_space<vmem>>)
    %dma_start3A_54 = arith.constant 0 : i32
    %dma_start3A_55 = arith.constant 0 : i32
    %dma_start3A_56 = arith.constant 0 : i32
    %dma_start3A_57 = arith.constant 0 : i32
    %dma_start3A_58 = tpu.memref_slice %arg7[%dma_start3A_55, %dma_start3A_56, %dma_start3A_57] : memref<4x64x128xf32, #tpu.memory_space<vmem>> -> memref<1x32x128xf32, #tpu.memory_space<vmem>>
    %dma_start3A_59 = tpu.memref_squeeze %dma_start3A_58 : memref<1x32x128xf32, #tpu.memory_space<vmem>> -> memref<32x128xf32, #tpu.memory_space<vmem>>
    %dma_start3A_60 = arith.constant 0 : i32
    %dma_start3A_61 = tpu.memref_slice %arg6[%dma_start3A_54, %dma_start3A_60] : memref<4x64xi32, #tpu.memory_space<vmem>> -> memref<1x32xi32, #tpu.memory_space<vmem>>
    %dma_start3A_62 = tpu.memref_squeeze %dma_start3A_61 : memref<1x32xi32, #tpu.memory_space<vmem>> -> memref<32xi32, #tpu.memory_space<vmem>>
    %dma_start3A_63 = arith.constant 0 : i32
    %dma_start3A_64 = arith.constant 0 : i32
    %dma_start3A_65 = tpu.memref_slice %arg3[%dma_start3A_63, %dma_start3A_64] : memref<1000000x128xf32, #tpu.memory_space<hbm>> -> memref<1000000x128xf32, #tpu.memory_space<hbm>>
    tpu.enqueue_indirect_dma source(%dma_start3A_65 : memref<1000000x128xf32, #tpu.memory_space<hbm>>) target(%dma_start3A_59 : memref<32x128xf32, #tpu.memory_space<vmem>>) offsets(%dma_start3A_62 : memref<32xi32, #tpu.memory_space<vmem>>) semaphore(%arg11 : memref<!tpu.dma_semaphore, #tpu.memory_space<semaphore_mem>>)
    %dma_wait3A_66 = arith.constant 1 : i32
    %dma_wait3A_67 = arith.constant 0 : i32
    %dma_wait3A_68 = tpu.memref_slice %arg6[%dma_wait3A_66, %dma_wait3A_67] : memref<4x64xi32, #tpu.memory_space<vmem>> -> memref<1x64xi32, #tpu.memory_space<vmem>>
    %dma_wait3A_69 = tpu.memref_squeeze %dma_wait3A_68 : memref<1x64xi32, #tpu.memory_space<vmem>> -> memref<64xi32, #tpu.memory_space<vmem>>
    %dma_wait3A_70 = tpu.memref_slice %arg2[%add3A_14] : memref<8192xi32, #tpu.memory_space<hbm>> -> memref<64xi32, #tpu.memory_space<hbm>>
    %dma_wait3A_71 = arith.constant 0 : i32
    %dma_wait3A_72 = tpu.memref_slice %arg6[%dma_wait3A_66, %dma_wait3A_71] : memref<4x64xi32, #tpu.memory_space<vmem>> -> memref<1x64xi32, #tpu.memory_space<vmem>>
    %dma_wait3A_73 = tpu.memref_squeeze %dma_wait3A_72 : memref<1x64xi32, #tpu.memory_space<vmem>> -> memref<64xi32, #tpu.memory_space<vmem>>
    %dma_wait3A_74 = tpu.memref_slice %arg2[%add3A_14] : memref<8192xi32, #tpu.memory_space<hbm>> -> memref<64xi32, #tpu.memory_space<hbm>>
    tpu.wait_dma2 semaphore(%arg9 : memref<!tpu.dma_semaphore, #tpu.memory_space<semaphore_mem>>) src(%dma_wait3A_74 : memref<64xi32, #tpu.memory_space<hbm>>) dst(%dma_wait3A_73 : memref<64xi32, #tpu.memory_space<vmem>>)
    %dma_start3A_75 = arith.constant 1 : i32
    %dma_start3A_76 = arith.constant 1 : i32
    %dma_start3A_77 = arith.constant 0 : i32
    %dma_start3A_78 = arith.constant 0 : i32
    %dma_start3A_79 = tpu.memref_slice %arg7[%dma_start3A_76, %dma_start3A_77, %dma_start3A_78] : memref<4x64x128xf32, #tpu.memory_space<vmem>> -> memref<1x32x128xf32, #tpu.memory_space<vmem>>
    %dma_start3A_80 = tpu.memref_squeeze %dma_start3A_79 : memref<1x32x128xf32, #tpu.memory_space<vmem>> -> memref<32x128xf32, #tpu.memory_space<vmem>>
    %dma_start3A_81 = arith.constant 0 : i32
    %dma_start3A_82 = tpu.memref_slice %arg6[%dma_start3A_75, %dma_start3A_81] : memref<4x64xi32, #tpu.memory_space<vmem>> -> memref<1x32xi32, #tpu.memory_space<vmem>>
    %dma_start3A_83 = tpu.memref_squeeze %dma_start3A_82 : memref<1x32xi32, #tpu.memory_space<vmem>> -> memref<32xi32, #tpu.memory_space<vmem>>
    %dma_start3A_84 = arith.constant 0 : i32
    %dma_start3A_85 = arith.constant 0 : i32
    %dma_start3A_86 = tpu.memref_slice %arg3[%dma_start3A_84, %dma_start3A_85] : memref<1000000x128xf32, #tpu.memory_space<hbm>> -> memref<1000000x128xf32, #tpu.memory_space<hbm>>
    tpu.enqueue_indirect_dma source(%dma_start3A_86 : memref<1000000x128xf32, #tpu.memory_space<hbm>>) target(%dma_start3A_80 : memref<32x128xf32, #tpu.memory_space<vmem>>) offsets(%dma_start3A_83 : memref<32xi32, #tpu.memory_space<vmem>>) semaphore(%arg13 : memref<!tpu.dma_semaphore, #tpu.memory_space<semaphore_mem>>)
    %dma_start3A_87 = arith.constant 0 : i32
    %dma_start3A_88 = tpu.memref_slice %arg4[%mul3A_2, %dma_start3A_87] : memref<2048x128xf32, #tpu.memory_space<hbm>> -> memref<64x128xf32, #tpu.memory_space<hbm>>
    %dma_start3A_89 = arith.constant 0 : i32
    %dma_start3A_90 = tpu.memref_slice %arg4[%mul3A_2, %dma_start3A_89] : memref<2048x128xf32, #tpu.memory_space<hbm>> -> memref<64x128xf32, #tpu.memory_space<hbm>>
    tpu.enqueue_dma source(%dma_start3A_90 : memref<64x128xf32, #tpu.memory_space<hbm>>) target(%arg8 : memref<64x128xf32, #tpu.memory_space<vmem>>) target_semaphore(%arg10 : memref<!tpu.dma_semaphore, #tpu.memory_space<semaphore_mem>>)
    %dma_wait3A_91 = arith.constant 2 : i32
    %dma_wait3A_92 = arith.constant 0 : i32
    %dma_wait3A_93 = tpu.memref_slice %arg6[%dma_wait3A_91, %dma_wait3A_92] : memref<4x64xi32, #tpu.memory_space<vmem>> -> memref<1x64xi32, #tpu.memory_space<vmem>>
    %dma_wait3A_94 = tpu.memref_squeeze %dma_wait3A_93 : memref<1x64xi32, #tpu.memory_space<vmem>> -> memref<64xi32, #tpu.memory_space<vmem>>
    %dma_wait3A_95 = tpu.memref_slice %arg2[%add3A_25] : memref<8192xi32, #tpu.memory_space<hbm>> -> memref<64xi32, #tpu.memory_space<hbm>>
    %dma_wait3A_96 = arith.constant 0 : i32
    %dma_wait3A_97 = tpu.memref_slice %arg6[%dma_wait3A_91, %dma_wait3A_96] : memref<4x64xi32, #tpu.memory_space<vmem>> -> memref<1x64xi32, #tpu.memory_space<vmem>>
    %dma_wait3A_98 = tpu.memref_squeeze %dma_wait3A_97 : memref<1x64xi32, #tpu.memory_space<vmem>> -> memref<64xi32, #tpu.memory_space<vmem>>
    %dma_wait3A_99 = tpu.memref_slice %arg2[%add3A_25] : memref<8192xi32, #tpu.memory_space<hbm>> -> memref<64xi32, #tpu.memory_space<hbm>>
    tpu.wait_dma2 semaphore(%arg9 : memref<!tpu.dma_semaphore, #tpu.memory_space<semaphore_mem>>) src(%dma_wait3A_99 : memref<64xi32, #tpu.memory_space<hbm>>) dst(%dma_wait3A_98 : memref<64xi32, #tpu.memory_space<vmem>>)
    %dma_wait3A_100 = arith.constant 3 : i32
    %dma_wait3A_101 = arith.constant 0 : i32
    %dma_wait3A_102 = tpu.memref_slice %arg6[%dma_wait3A_100, %dma_wait3A_101] : memref<4x64xi32, #tpu.memory_space<vmem>> -> memref<1x64xi32, #tpu.memory_space<vmem>>
    %dma_wait3A_103 = tpu.memref_squeeze %dma_wait3A_102 : memref<1x64xi32, #tpu.memory_space<vmem>> -> memref<64xi32, #tpu.memory_space<vmem>>
    %dma_wait3A_104 = tpu.memref_slice %arg2[%add3A_36] : memref<8192xi32, #tpu.memory_space<hbm>> -> memref<64xi32, #tpu.memory_space<hbm>>
    %dma_wait3A_105 = arith.constant 0 : i32
    %dma_wait3A_106 = tpu.memref_slice %arg6[%dma_wait3A_100, %dma_wait3A_105] : memref<4x64xi32, #tpu.memory_space<vmem>> -> memref<1x64xi32, #tpu.memory_space<vmem>>
    %dma_wait3A_107 = tpu.memref_squeeze %dma_wait3A_106 : memref<1x64xi32, #tpu.memory_space<vmem>> -> memref<64xi32, #tpu.memory_space<vmem>>
    %dma_wait3A_108 = tpu.memref_slice %arg2[%add3A_36] : memref<8192xi32, #tpu.memory_space<hbm>> -> memref<64xi32, #tpu.memory_space<hbm>>
    tpu.wait_dma2 semaphore(%arg9 : memref<!tpu.dma_semaphore, #tpu.memory_space<semaphore_mem>>) src(%dma_wait3A_108 : memref<64xi32, #tpu.memory_space<hbm>>) dst(%dma_wait3A_107 : memref<64xi32, #tpu.memory_space<vmem>>)
    %dma_start3A_109 = arith.constant 2 : i32
    %dma_start3A_110 = arith.constant 2 : i32
    %dma_start3A_111 = arith.constant 0 : i32
    %dma_start3A_112 = arith.constant 0 : i32
    %dma_start3A_113 = tpu.memref_slice %arg7[%dma_start3A_110, %dma_start3A_111, %dma_start3A_112] : memref<4x64x128xf32, #tpu.memory_space<vmem>> -> memref<1x32x128xf32, #tpu.memory_space<vmem>>
    %dma_start3A_114 = tpu.memref_squeeze %dma_start3A_113 : memref<1x32x128xf32, #tpu.memory_space<vmem>> -> memref<32x128xf32, #tpu.memory_space<vmem>>
    %dma_start3A_115 = arith.constant 0 : i32
    %dma_start3A_116 = tpu.memref_slice %arg6[%dma_start3A_109, %dma_start3A_115] : memref<4x64xi32, #tpu.memory_space<vmem>> -> memref<1x32xi32, #tpu.memory_space<vmem>>
    %dma_start3A_117 = tpu.memref_squeeze %dma_start3A_116 : memref<1x32xi32, #tpu.memory_space<vmem>> -> memref<32xi32, #tpu.memory_space<vmem>>
    %dma_start3A_118 = arith.constant 0 : i32
    %dma_start3A_119 = arith.constant 0 : i32
    %dma_start3A_120 = tpu.memref_slice %arg3[%dma_start3A_118, %dma_start3A_119] : memref<1000000x128xf32, #tpu.memory_space<hbm>> -> memref<1000000x128xf32, #tpu.memory_space<hbm>>
    tpu.enqueue_indirect_dma source(%dma_start3A_120 : memref<1000000x128xf32, #tpu.memory_space<hbm>>) target(%dma_start3A_114 : memref<32x128xf32, #tpu.memory_space<vmem>>) offsets(%dma_start3A_117 : memref<32xi32, #tpu.memory_space<vmem>>) semaphore(%arg15 : memref<!tpu.dma_semaphore, #tpu.memory_space<semaphore_mem>>)
    %dma_start3A_121 = arith.constant 3 : i32
    %dma_start3A_122 = arith.constant 3 : i32
    %dma_start3A_123 = arith.constant 0 : i32
    %dma_start3A_124 = arith.constant 0 : i32
    %dma_start3A_125 = tpu.memref_slice %arg7[%dma_start3A_122, %dma_start3A_123, %dma_start3A_124] : memref<4x64x128xf32, #tpu.memory_space<vmem>> -> memref<1x32x128xf32, #tpu.memory_space<vmem>>
    %dma_start3A_126 = tpu.memref_squeeze %dma_start3A_125 : memref<1x32x128xf32, #tpu.memory_space<vmem>> -> memref<32x128xf32, #tpu.memory_space<vmem>>
    %dma_start3A_127 = arith.constant 0 : i32
    %dma_start3A_128 = tpu.memref_slice %arg6[%dma_start3A_121, %dma_start3A_127] : memref<4x64xi32, #tpu.memory_space<vmem>> -> memref<1x32xi32, #tpu.memory_space<vmem>>
    %dma_start3A_129 = tpu.memref_squeeze %dma_start3A_128 : memref<1x32xi32, #tpu.memory_space<vmem>> -> memref<32xi32, #tpu.memory_space<vmem>>
    %dma_start3A_130 = arith.constant 0 : i32
    %dma_start3A_131 = arith.constant 0 : i32
    %dma_start3A_132 = tpu.memref_slice %arg3[%dma_start3A_130, %dma_start3A_131] : memref<1000000x128xf32, #tpu.memory_space<hbm>> -> memref<1000000x128xf32, #tpu.memory_space<hbm>>
    tpu.enqueue_indirect_dma source(%dma_start3A_132 : memref<1000000x128xf32, #tpu.memory_space<hbm>>) target(%dma_start3A_126 : memref<32x128xf32, #tpu.memory_space<vmem>>) offsets(%dma_start3A_129 : memref<32xi32, #tpu.memory_space<vmem>>) semaphore(%arg17 : memref<!tpu.dma_semaphore, #tpu.memory_space<semaphore_mem>>)
    %dma_start3A_133 = arith.constant 0 : i32
    %dma_start3A_134 = arith.constant 0 : i32
    %dma_start3A_135 = arith.constant 32 : i32
    %dma_start3A_136 = arith.constant 0 : i32
    %dma_start3A_137 = tpu.memref_slice %arg7[%dma_start3A_134, %dma_start3A_135, %dma_start3A_136] : memref<4x64x128xf32, #tpu.memory_space<vmem>> -> memref<1x32x128xf32, #tpu.memory_space<vmem>>
    %dma_start3A_138 = tpu.memref_squeeze %dma_start3A_137 : memref<1x32x128xf32, #tpu.memory_space<vmem>> -> memref<32x128xf32, #tpu.memory_space<vmem>>
    %dma_start3A_139 = arith.constant 32 : i32
    %dma_start3A_140 = tpu.memref_slice %arg6[%dma_start3A_133, %dma_start3A_139] : memref<4x64xi32, #tpu.memory_space<vmem>> -> memref<1x32xi32, #tpu.memory_space<vmem>>
    %dma_start3A_141 = tpu.memref_squeeze %dma_start3A_140 : memref<1x32xi32, #tpu.memory_space<vmem>> -> memref<32xi32, #tpu.memory_space<vmem>>
    %dma_start3A_142 = arith.constant 0 : i32
    %dma_start3A_143 = arith.constant 0 : i32
    %dma_start3A_144 = tpu.memref_slice %arg3[%dma_start3A_142, %dma_start3A_143] : memref<1000000x128xf32, #tpu.memory_space<hbm>> -> memref<1000000x128xf32, #tpu.memory_space<hbm>>
    tpu.enqueue_indirect_dma source(%dma_start3A_144 : memref<1000000x128xf32, #tpu.memory_space<hbm>>) target(%dma_start3A_138 : memref<32x128xf32, #tpu.memory_space<vmem>>) offsets(%dma_start3A_141 : memref<32xi32, #tpu.memory_space<vmem>>) semaphore(%arg12 : memref<!tpu.dma_semaphore, #tpu.memory_space<semaphore_mem>>)
    %dma_start3A_145 = arith.constant 1 : i32
    %dma_start3A_146 = arith.constant 1 : i32
    %dma_start3A_147 = arith.constant 32 : i32
    %dma_start3A_148 = arith.constant 0 : i32
    %dma_start3A_149 = tpu.memref_slice %arg7[%dma_start3A_146, %dma_start3A_147, %dma_start3A_148] : memref<4x64x128xf32, #tpu.memory_space<vmem>> -> memref<1x32x128xf32, #tpu.memory_space<vmem>>
    %dma_start3A_150 = tpu.memref_squeeze %dma_start3A_149 : memref<1x32x128xf32, #tpu.memory_space<vmem>> -> memref<32x128xf32, #tpu.memory_space<vmem>>
    %dma_start3A_151 = arith.constant 32 : i32
    %dma_start3A_152 = tpu.memref_slice %arg6[%dma_start3A_145, %dma_start3A_151] : memref<4x64xi32, #tpu.memory_space<vmem>> -> memref<1x32xi32, #tpu.memory_space<vmem>>
    %dma_start3A_153 = tpu.memref_squeeze %dma_start3A_152 : memref<1x32xi32, #tpu.memory_space<vmem>> -> memref<32xi32, #tpu.memory_space<vmem>>
    %dma_start3A_154 = arith.constant 0 : i32
    %dma_start3A_155 = arith.constant 0 : i32
    %dma_start3A_156 = tpu.memref_slice %arg3[%dma_start3A_154, %dma_start3A_155] : memref<1000000x128xf32, #tpu.memory_space<hbm>> -> memref<1000000x128xf32, #tpu.memory_space<hbm>>
    tpu.enqueue_indirect_dma source(%dma_start3A_156 : memref<1000000x128xf32, #tpu.memory_space<hbm>>) target(%dma_start3A_150 : memref<32x128xf32, #tpu.memory_space<vmem>>) offsets(%dma_start3A_153 : memref<32xi32, #tpu.memory_space<vmem>>) semaphore(%arg14 : memref<!tpu.dma_semaphore, #tpu.memory_space<semaphore_mem>>)
    %dma_start3A_157 = arith.constant 2 : i32
    %dma_start3A_158 = arith.constant 2 : i32
    %dma_start3A_159 = arith.constant 32 : i32
    %dma_start3A_160 = arith.constant 0 : i32
    %dma_start3A_161 = tpu.memref_slice %arg7[%dma_start3A_158, %dma_start3A_159, %dma_start3A_160] : memref<4x64x128xf32, #tpu.memory_space<vmem>> -> memref<1x32x128xf32, #tpu.memory_space<vmem>>
    %dma_start3A_162 = tpu.memref_squeeze %dma_start3A_161 : memref<1x32x128xf32, #tpu.memory_space<vmem>> -> memref<32x128xf32, #tpu.memory_space<vmem>>
    %dma_start3A_163 = arith.constant 32 : i32
    %dma_start3A_164 = tpu.memref_slice %arg6[%dma_start3A_157, %dma_start3A_163] : memref<4x64xi32, #tpu.memory_space<vmem>> -> memref<1x32xi32, #tpu.memory_space<vmem>>
    %dma_start3A_165 = tpu.memref_squeeze %dma_start3A_164 : memref<1x32xi32, #tpu.memory_space<vmem>> -> memref<32xi32, #tpu.memory_space<vmem>>
    %dma_start3A_166 = arith.constant 0 : i32
    %dma_start3A_167 = arith.constant 0 : i32
    %dma_start3A_168 = tpu.memref_slice %arg3[%dma_start3A_166, %dma_start3A_167] : memref<1000000x128xf32, #tpu.memory_space<hbm>> -> memref<1000000x128xf32, #tpu.memory_space<hbm>>
    tpu.enqueue_indirect_dma source(%dma_start3A_168 : memref<1000000x128xf32, #tpu.memory_space<hbm>>) target(%dma_start3A_162 : memref<32x128xf32, #tpu.memory_space<vmem>>) offsets(%dma_start3A_165 : memref<32xi32, #tpu.memory_space<vmem>>) semaphore(%arg16 : memref<!tpu.dma_semaphore, #tpu.memory_space<semaphore_mem>>)
    %dma_start3A_169 = arith.constant 3 : i32
    %dma_start3A_170 = arith.constant 3 : i32
    %dma_start3A_171 = arith.constant 32 : i32
    %dma_start3A_172 = arith.constant 0 : i32
    %dma_start3A_173 = tpu.memref_slice %arg7[%dma_start3A_170, %dma_start3A_171, %dma_start3A_172] : memref<4x64x128xf32, #tpu.memory_space<vmem>> -> memref<1x32x128xf32, #tpu.memory_space<vmem>>
    %dma_start3A_174 = tpu.memref_squeeze %dma_start3A_173 : memref<1x32x128xf32, #tpu.memory_space<vmem>> -> memref<32x128xf32, #tpu.memory_space<vmem>>
    %dma_start3A_175 = arith.constant 32 : i32
    %dma_start3A_176 = tpu.memref_slice %arg6[%dma_start3A_169, %dma_start3A_175] : memref<4x64xi32, #tpu.memory_space<vmem>> -> memref<1x32xi32, #tpu.memory_space<vmem>>
    %dma_start3A_177 = tpu.memref_squeeze %dma_start3A_176 : memref<1x32xi32, #tpu.memory_space<vmem>> -> memref<32xi32, #tpu.memory_space<vmem>>
    %dma_start3A_178 = arith.constant 0 : i32
    %dma_start3A_179 = arith.constant 0 : i32
    %dma_start3A_180 = tpu.memref_slice %arg3[%dma_start3A_178, %dma_start3A_179] : memref<1000000x128xf32, #tpu.memory_space<hbm>> -> memref<1000000x128xf32, #tpu.memory_space<hbm>>
    tpu.enqueue_indirect_dma source(%dma_start3A_180 : memref<1000000x128xf32, #tpu.memory_space<hbm>>) target(%dma_start3A_174 : memref<32x128xf32, #tpu.memory_space<vmem>>) offsets(%dma_start3A_177 : memref<32xi32, #tpu.memory_space<vmem>>) semaphore(%arg18 : memref<!tpu.dma_semaphore, #tpu.memory_space<semaphore_mem>>)
    %dma_wait3A_181 = arith.constant 0 : i32
    %dma_wait3A_182 = tpu.memref_slice %arg4[%mul3A_2, %dma_wait3A_181] : memref<2048x128xf32, #tpu.memory_space<hbm>> -> memref<64x128xf32, #tpu.memory_space<hbm>>
    %dma_wait3A_183 = arith.constant 0 : i32
    %dma_wait3A_184 = tpu.memref_slice %arg4[%mul3A_2, %dma_wait3A_183] : memref<2048x128xf32, #tpu.memory_space<hbm>> -> memref<64x128xf32, #tpu.memory_space<hbm>>
    tpu.wait_dma2 semaphore(%arg10 : memref<!tpu.dma_semaphore, #tpu.memory_space<semaphore_mem>>) src(%dma_wait3A_184 : memref<64x128xf32, #tpu.memory_space<hbm>>) dst(%arg8 : memref<64x128xf32, #tpu.memory_space<vmem>>)
    %dma_wait3A_185 = arith.constant 0 : i32
    %dma_wait3A_186 = arith.constant 0 : i32
    %dma_wait3A_187 = arith.constant 0 : i32
    %dma_wait3A_188 = arith.constant 0 : i32
    %dma_wait3A_189 = tpu.memref_slice %arg7[%dma_wait3A_186, %dma_wait3A_187, %dma_wait3A_188] : memref<4x64x128xf32, #tpu.memory_space<vmem>> -> memref<1x32x128xf32, #tpu.memory_space<vmem>>
    %dma_wait3A_190 = tpu.memref_squeeze %dma_wait3A_189 : memref<1x32x128xf32, #tpu.memory_space<vmem>> -> memref<32x128xf32, #tpu.memory_space<vmem>>
    %dma_wait3A_191 = arith.constant 0 : i32
    %dma_wait3A_192 = tpu.memref_slice %arg6[%dma_wait3A_185, %dma_wait3A_191] : memref<4x64xi32, #tpu.memory_space<vmem>> -> memref<1x32xi32, #tpu.memory_space<vmem>>
    %dma_wait3A_193 = tpu.memref_squeeze %dma_wait3A_192 : memref<1x32xi32, #tpu.memory_space<vmem>> -> memref<32xi32, #tpu.memory_space<vmem>>
    %dma_wait3A_194 = arith.constant 0 : i32
    %dma_wait3A_195 = arith.constant 0 : i32
    %dma_wait3A_196 = tpu.memref_slice %arg3[%dma_wait3A_194, %dma_wait3A_195] : memref<1000000x128xf32, #tpu.memory_space<hbm>> -> memref<1000000x128xf32, #tpu.memory_space<hbm>>
    tpu.wait_indirect_dma semaphore(%arg11 : memref<!tpu.dma_semaphore, #tpu.memory_space<semaphore_mem>>) src(%dma_wait3A_196 : memref<1000000x128xf32, #tpu.memory_space<hbm>>) dst(%dma_wait3A_190 : memref<32x128xf32, #tpu.memory_space<vmem>>)
    %dma_wait3A_197 = arith.constant 1 : i32
    %dma_wait3A_198 = arith.constant 1 : i32
    %dma_wait3A_199 = arith.constant 0 : i32
    %dma_wait3A_200 = arith.constant 0 : i32
    %dma_wait3A_201 = tpu.memref_slice %arg7[%dma_wait3A_198, %dma_wait3A_199, %dma_wait3A_200] : memref<4x64x128xf32, #tpu.memory_space<vmem>> -> memref<1x32x128xf32, #tpu.memory_space<vmem>>
    %dma_wait3A_202 = tpu.memref_squeeze %dma_wait3A_201 : memref<1x32x128xf32, #tpu.memory_space<vmem>> -> memref<32x128xf32, #tpu.memory_space<vmem>>
    %dma_wait3A_203 = arith.constant 0 : i32
    %dma_wait3A_204 = tpu.memref_slice %arg6[%dma_wait3A_197, %dma_wait3A_203] : memref<4x64xi32, #tpu.memory_space<vmem>> -> memref<1x32xi32, #tpu.memory_space<vmem>>
    %dma_wait3A_205 = tpu.memref_squeeze %dma_wait3A_204 : memref<1x32xi32, #tpu.memory_space<vmem>> -> memref<32xi32, #tpu.memory_space<vmem>>
    %dma_wait3A_206 = arith.constant 0 : i32
    %dma_wait3A_207 = arith.constant 0 : i32
    %dma_wait3A_208 = tpu.memref_slice %arg3[%dma_wait3A_206, %dma_wait3A_207] : memref<1000000x128xf32, #tpu.memory_space<hbm>> -> memref<1000000x128xf32, #tpu.memory_space<hbm>>
    tpu.wait_indirect_dma semaphore(%arg13 : memref<!tpu.dma_semaphore, #tpu.memory_space<semaphore_mem>>) src(%dma_wait3A_208 : memref<1000000x128xf32, #tpu.memory_space<hbm>>) dst(%dma_wait3A_202 : memref<32x128xf32, #tpu.memory_space<vmem>>)
    %scan3A = arith.constant 0 : i32
    %scan3A_209 = arith.constant 0 : i32
    %scan3A_210 = arith.constant 32 : i32
    %scan3A_211 = arith.addi %scan3A_209, %scan3A_210 : i32
    %scan3A_212 = arith.constant 1 : i32
    scf.for %scan3A_544 = %scan3A_209 to %scan3A_211 step %scan3A_212  : i32 {
      %add3A_545 = arith.constant 0 : i32
      %add3A_546 = arith.addi %scan3A_544, %add3A_545 : i32
      %get3A = arith.index_cast %add3A_546 : i32 to index
      %get3A_547 = arith.constant 0 : index
      %get3A_548 = tpu.vector_load %arg8[%get3A, %get3A_547] {strides = array<i32>} : memref<64x128xf32, #tpu.memory_space<vmem>>, vector<1x16xf32>,
      %get3A_549 = vector.shape_cast %get3A_548 : vector<1x16xf32> to vector<16xf32>
      %get3A_550 = arith.constant 0 : i32
      %get3A_551 = arith.index_cast %get3A_550 : i32 to index
      %get3A_552 = arith.index_cast %add3A_546 : i32 to index
      %get3A_553 = arith.constant 0 : index
      %get3A_554 = tpu.vector_load %arg7[%get3A_551, %get3A_552, %get3A_553] {strides = array<i32>} : memref<4x64x128xf32, #tpu.memory_space<vmem>>, vector<1x1x16xf32>,
      %get3A_555 = vector.shape_cast %get3A_554 : vector<1x1x16xf32> to vector<16xf32>
      %mul3A_556 = arith.constant 11.3137083 : f32
      %mul3A_557 = vector.broadcast %mul3A_556 : f32 to vector<16xf32>
      %mul3A_558 = arith.mulf %get3A_555, %mul3A_557 : vector<16xf32>
      %add3A_559 = arith.addf %mul3A_558, %get3A_549 : vector<16xf32>
      %swap3A = arith.constant 0 : i32
      %swap3A_560 = arith.index_cast %swap3A : i32 to index
      %swap3A_561 = arith.index_cast %add3A_546 : i32 to index
      %swap3A_562 = arith.constant 0 : index
      %swap3A_563 = tpu.vector_load %arg7[%swap3A_560, %swap3A_561, %swap3A_562] {strides = array<i32>} : memref<4x64x128xf32, #tpu.memory_space<vmem>>, vector<1x1x16xf32>,
      %swap3A_564 = vector.shape_cast %swap3A_563 : vector<1x1x16xf32> to vector<16xf32>
      %swap3A_565 = vector.shape_cast %add3A_559 : vector<16xf32> to vector<1x1x16xf32>
      tpu.vector_store %arg7[%swap3A_560, %swap3A_561, %swap3A_562], %swap3A_565 {strides = array<i32>} : memref<4x64x128xf32, #tpu.memory_space<vmem>>, vector<1x1x16xf32>,
      %get3A_566 = arith.constant 1 : i32
      %get3A_567 = arith.index_cast %get3A_566 : i32 to index
      %get3A_568 = arith.index_cast %add3A_546 : i32 to index
      %get3A_569 = arith.constant 0 : index
      %get3A_570 = tpu.vector_load %arg7[%get3A_567, %get3A_568, %get3A_569] {strides = array<i32>} : memref<4x64x128xf32, #tpu.memory_space<vmem>>, vector<1x1x16xf32>,
      %get3A_571 = vector.shape_cast %get3A_570 : vector<1x1x16xf32> to vector<16xf32>
      %mul3A_572 = arith.constant 11.3137083 : f32
      %mul3A_573 = vector.broadcast %mul3A_572 : f32 to vector<16xf32>
      %mul3A_574 = arith.mulf %get3A_571, %mul3A_573 : vector<16xf32>
      %add3A_575 = arith.addf %mul3A_574, %get3A_549 : vector<16xf32>
      %swap3A_576 = arith.constant 1 : i32
      %swap3A_577 = arith.index_cast %swap3A_576 : i32 to index
      %swap3A_578 = arith.index_cast %add3A_546 : i32 to index
      %swap3A_579 = arith.constant 0 : index
      %swap3A_580 = tpu.vector_load %arg7[%swap3A_577, %swap3A_578, %swap3A_579] {strides = array<i32>} : memref<4x64x128xf32, #tpu.memory_space<vmem>>, vector<1x1x16xf32>,
      %swap3A_581 = vector.shape_cast %swap3A_580 : vector<1x1x16xf32> to vector<16xf32>
      %swap3A_582 = vector.shape_cast %add3A_575 : vector<16xf32> to vector<1x1x16xf32>
      tpu.vector_store %arg7[%swap3A_577, %swap3A_578, %swap3A_579], %swap3A_582 {strides = array<i32>} : memref<4x64x128xf32, #tpu.memory_space<vmem>>, vector<1x1x16xf32>,
      %get3A_583 = arith.index_cast %add3A_546 : i32 to index
      %get3A_584 = arith.constant 16 : index
      %get3A_585 = tpu.vector_load %arg8[%get3A_583, %get3A_584] {strides = array<i32>} : memref<64x128xf32, #tpu.memory_space<vmem>>, vector<1x16xf32>,
      %get3A_586 = vector.shape_cast %get3A_585 : vector<1x16xf32> to vector<16xf32>
      %get3A_587 = arith.constant 0 : i32
      %get3A_588 = arith.index_cast %get3A_587 : i32 to index
      %get3A_589 = arith.index_cast %add3A_546 : i32 to index
      %get3A_590 = arith.constant 16 : index
      %get3A_591 = tpu.vector_load %arg7[%get3A_588, %get3A_589, %get3A_590] {strides = array<i32>} : memref<4x64x128xf32, #tpu.memory_space<vmem>>, vector<1x1x16xf32>,
      %get3A_592 = vector.shape_cast %get3A_591 : vector<1x1x16xf32> to vector<16xf32>
      %mul3A_593 = arith.constant 11.3137083 : f32
      %mul3A_594 = vector.broadcast %mul3A_593 : f32 to vector<16xf32>
      %mul3A_595 = arith.mulf %get3A_592, %mul3A_594 : vector<16xf32>
      %add3A_596 = arith.addf %mul3A_595, %get3A_586 : vector<16xf32>
      %swap3A_597 = arith.constant 0 : i32
      %swap3A_598 = arith.index_cast %swap3A_597 : i32 to index
      %swap3A_599 = arith.index_cast %add3A_546 : i32 to index
      %swap3A_600 = arith.constant 16 : index
      %swap3A_601 = tpu.vector_load %arg7[%swap3A_598, %swap3A_599, %swap3A_600] {strides = array<i32>} : memref<4x64x128xf32, #tpu.memory_space<vmem>>, vector<1x1x16xf32>,
      %swap3A_602 = vector.shape_cast %swap3A_601 : vector<1x1x16xf32> to vector<16xf32>
      %swap3A_603 = vector.shape_cast %add3A_596 : vector<16xf32> to vector<1x1x16xf32>
      tpu.vector_store %arg7[%swap3A_598, %swap3A_599, %swap3A_600], %swap3A_603 {strides = array<i32>} : memref<4x64x128xf32, #tpu.memory_space<vmem>>, vector<1x1x16xf32>,
      %get3A_604 = arith.constant 1 : i32
      %get3A_605 = arith.index_cast %get3A_604 : i32 to index
      %get3A_606 = arith.index_cast %add3A_546 : i32 to index
      %get3A_607 = arith.constant 16 : index
      %get3A_608 = tpu.vector_load %arg7[%get3A_605, %get3A_606, %get3A_607] {strides = array<i32>} : memref<4x64x128xf32, #tpu.memory_space<vmem>>, vector<1x1x16xf32>,
      %get3A_609 = vector.shape_cast %get3A_608 : vector<1x1x16xf32> to vector<16xf32>
      %mul3A_610 = arith.constant 11.3137083 : f32
      %mul3A_611 = vector.broadcast %mul3A_610 : f32 to vector<16xf32>
      %mul3A_612 = arith.mulf %get3A_609, %mul3A_611 : vector<16xf32>
      %add3A_613 = arith.addf %mul3A_612, %get3A_586 : vector<16xf32>
      %swap3A_614 = arith.constant 1 : i32
      %swap3A_615 = arith.index_cast %swap3A_614 : i32 to index
      %swap3A_616 = arith.index_cast %add3A_546 : i32 to index
      %swap3A_617 = arith.constant 16 : index
      %swap3A_618 = tpu.vector_load %arg7[%swap3A_615, %swap3A_616, %swap3A_617] {strides = array<i32>} : memref<4x64x128xf32, #tpu.memory_space<vmem>>, vector<1x1x16xf32>,
      %swap3A_619 = vector.shape_cast %swap3A_618 : vector<1x1x16xf32> to vector<16xf32>
      %swap3A_620 = vector.shape_cast %add3A_613 : vector<16xf32> to vector<1x1x16xf32>
      tpu.vector_store %arg7[%swap3A_615, %swap3A_616, %swap3A_617], %swap3A_620 {strides = array<i32>} : memref<4x64x128xf32, #tpu.memory_space<vmem>>, vector<1x1x16xf32>,
      %get3A_621 = arith.index_cast %add3A_546 : i32 to index
      %get3A_622 = arith.constant 32 : index
      %get3A_623 = tpu.vector_load %arg8[%get3A_621, %get3A_622] {strides = array<i32>} : memref<64x128xf32, #tpu.memory_space<vmem>>, vector<1x16xf32>,
      %get3A_624 = vector.shape_cast %get3A_623 : vector<1x16xf32> to vector<16xf32>
      %get3A_625 = arith.constant 0 : i32
      %get3A_626 = arith.index_cast %get3A_625 : i32 to index
      %get3A_627 = arith.index_cast %add3A_546 : i32 to index
      %get3A_628 = arith.constant 32 : index
      %get3A_629 = tpu.vector_load %arg7[%get3A_626, %get3A_627, %get3A_628] {strides = array<i32>} : memref<4x64x128xf32, #tpu.memory_space<vmem>>, vector<1x1x16xf32>,
      %get3A_630 = vector.shape_cast %get3A_629 : vector<1x1x16xf32> to vector<16xf32>
      %mul3A_631 = arith.constant 11.3137083 : f32
      %mul3A_632 = vector.broadcast %mul3A_631 : f32 to vector<16xf32>
      %mul3A_633 = arith.mulf %get3A_630, %mul3A_632 : vector<16xf32>
      %add3A_634 = arith.addf %mul3A_633, %get3A_624 : vector<16xf32>
      %swap3A_635 = arith.constant 0 : i32
      %swap3A_636 = arith.index_cast %swap3A_635 : i32 to index
      %swap3A_637 = arith.index_cast %add3A_546 : i32 to index
      %swap3A_638 = arith.constant 32 : index
      %swap3A_639 = tpu.vector_load %arg7[%swap3A_636, %swap3A_637, %swap3A_638] {strides = array<i32>} : memref<4x64x128xf32, #tpu.memory_space<vmem>>, vector<1x1x16xf32>,
      %swap3A_640 = vector.shape_cast %swap3A_639 : vector<1x1x16xf32> to vector<16xf32>
      %swap3A_641 = vector.shape_cast %add3A_634 : vector<16xf32> to vector<1x1x16xf32>
      tpu.vector_store %arg7[%swap3A_636, %swap3A_637, %swap3A_638], %swap3A_641 {strides = array<i32>} : memref<4x64x128xf32, #tpu.memory_space<vmem>>, vector<1x1x16xf32>,
      %get3A_642 = arith.constant 1 : i32
      %get3A_643 = arith.index_cast %get3A_642 : i32 to index
      %get3A_644 = arith.index_cast %add3A_546 : i32 to index
      %get3A_645 = arith.constant 32 : index
      %get3A_646 = tpu.vector_load %arg7[%get3A_643, %get3A_644, %get3A_645] {strides = array<i32>} : memref<4x64x128xf32, #tpu.memory_space<vmem>>, vector<1x1x16xf32>,
      %get3A_647 = vector.shape_cast %get3A_646 : vector<1x1x16xf32> to vector<16xf32>
      %mul3A_648 = arith.constant 11.3137083 : f32
      %mul3A_649 = vector.broadcast %mul3A_648 : f32 to vector<16xf32>
      %mul3A_650 = arith.mulf %get3A_647, %mul3A_649 : vector<16xf32>
      %add3A_651 = arith.addf %mul3A_650, %get3A_624 : vector<16xf32>
      %swap3A_652 = arith.constant 1 : i32
      %swap3A_653 = arith.index_cast %swap3A_652 : i32 to index
      %swap3A_654 = arith.index_cast %add3A_546 : i32 to index
      %swap3A_655 = arith.constant 32 : index
      %swap3A_656 = tpu.vector_load %arg7[%swap3A_653, %swap3A_654, %swap3A_655] {strides = array<i32>} : memref<4x64x128xf32, #tpu.memory_space<vmem>>, vector<1x1x16xf32>,
      %swap3A_657 = vector.shape_cast %swap3A_656 : vector<1x1x16xf32> to vector<16xf32>
      %swap3A_658 = vector.shape_cast %add3A_651 : vector<16xf32> to vector<1x1x16xf32>
      tpu.vector_store %arg7[%swap3A_653, %swap3A_654, %swap3A_655], %swap3A_658 {strides = array<i32>} : memref<4x64x128xf32, #tpu.memory_space<vmem>>, vector<1x1x16xf32>,
      %get3A_659 = arith.index_cast %add3A_546 : i32 to index
      %get3A_660 = arith.constant 48 : index
      %get3A_661 = tpu.vector_load %arg8[%get3A_659, %get3A_660] {strides = array<i32>} : memref<64x128xf32, #tpu.memory_space<vmem>>, vector<1x16xf32>,
      %get3A_662 = vector.shape_cast %get3A_661 : vector<1x16xf32> to vector<16xf32>
      %get3A_663 = arith.constant 0 : i32
      %get3A_664 = arith.index_cast %get3A_663 : i32 to index
      %get3A_665 = arith.index_cast %add3A_546 : i32 to index
      %get3A_666 = arith.constant 48 : index
      %get3A_667 = tpu.vector_load %arg7[%get3A_664, %get3A_665, %get3A_666] {strides = array<i32>} : memref<4x64x128xf32, #tpu.memory_space<vmem>>, vector<1x1x16xf32>,
      %get3A_668 = vector.shape_cast %get3A_667 : vector<1x1x16xf32> to vector<16xf32>
      %mul3A_669 = arith.constant 11.3137083 : f32
      %mul3A_670 = vector.broadcast %mul3A_669 : f32 to vector<16xf32>
      %mul3A_671 = arith.mulf %get3A_668, %mul3A_670 : vector<16xf32>
      %add3A_672 = arith.addf %mul3A_671, %get3A_662 : vector<16xf32>
      %swap3A_673 = arith.constant 0 : i32
      %swap3A_674 = arith.index_cast %swap3A_673 : i32 to index
      %swap3A_675 = arith.index_cast %add3A_546 : i32 to index
      %swap3A_676 = arith.constant 48 : index
      %swap3A_677 = tpu.vector_load %arg7[%swap3A_674, %swap3A_675, %swap3A_676] {strides = array<i32>} : memref<4x64x128xf32, #tpu.memory_space<vmem>>, vector<1x1x16xf32>,
      %swap3A_678 = vector.shape_cast %swap3A_677 : vector<1x1x16xf32> to vector<16xf32>
      %swap3A_679 = vector.shape_cast %add3A_672 : vector<16xf32> to vector<1x1x16xf32>
      tpu.vector_store %arg7[%swap3A_674, %swap3A_675, %swap3A_676], %swap3A_679 {strides = array<i32>} : memref<4x64x128xf32, #tpu.memory_space<vmem>>, vector<1x1x16xf32>,
      %get3A_680 = arith.constant 1 : i32
      %get3A_681 = arith.index_cast %get3A_680 : i32 to index
      %get3A_682 = arith.index_cast %add3A_546 : i32 to index
      %get3A_683 = arith.constant 48 : index
      %get3A_684 = tpu.vector_load %arg7[%get3A_681, %get3A_682, %get3A_683] {strides = array<i32>} : memref<4x64x128xf32, #tpu.memory_space<vmem>>, vector<1x1x16xf32>,
      %get3A_685 = vector.shape_cast %get3A_684 : vector<1x1x16xf32> to vector<16xf32>
      %mul3A_686 = arith.constant 11.3137083 : f32
      %mul3A_687 = vector.broadcast %mul3A_686 : f32 to vector<16xf32>
      %mul3A_688 = arith.mulf %get3A_685, %mul3A_687 : vector<16xf32>
      %add3A_689 = arith.addf %mul3A_688, %get3A_662 : vector<16xf32>
      %swap3A_690 = arith.constant 1 : i32
      %swap3A_691 = arith.index_cast %swap3A_690 : i32 to index
      %swap3A_692 = arith.index_cast %add3A_546 : i32 to index
      %swap3A_693 = arith.constant 48 : index
      %swap3A_694 = tpu.vector_load %arg7[%swap3A_691, %swap3A_692, %swap3A_693] {strides = array<i32>} : memref<4x64x128xf32, #tpu.memory_space<vmem>>, vector<1x1x16xf32>,
      %swap3A_695 = vector.shape_cast %swap3A_694 : vector<1x1x16xf32> to vector<16xf32>
      %swap3A_696 = vector.shape_cast %add3A_689 : vector<16xf32> to vector<1x1x16xf32>
      tpu.vector_store %arg7[%swap3A_691, %swap3A_692, %swap3A_693], %swap3A_696 {strides = array<i32>} : memref<4x64x128xf32, #tpu.memory_space<vmem>>, vector<1x1x16xf32>,
      %get3A_697 = arith.index_cast %add3A_546 : i32 to index
      %get3A_698 = arith.constant 64 : index
      %get3A_699 = tpu.vector_load %arg8[%get3A_697, %get3A_698] {strides = array<i32>} : memref<64x128xf32, #tpu.memory_space<vmem>>, vector<1x16xf32>,
      %get3A_700 = vector.shape_cast %get3A_699 : vector<1x16xf32> to vector<16xf32>
      %get3A_701 = arith.constant 0 : i32
      %get3A_702 = arith.index_cast %get3A_701 : i32 to index
      %get3A_703 = arith.index_cast %add3A_546 : i32 to index
      %get3A_704 = arith.constant 64 : index
      %get3A_705 = tpu.vector_load %arg7[%get3A_702, %get3A_703, %get3A_704] {strides = array<i32>} : memref<4x64x128xf32, #tpu.memory_space<vmem>>, vector<1x1x16xf32>,
      %get3A_706 = vector.shape_cast %get3A_705 : vector<1x1x16xf32> to vector<16xf32>
      %mul3A_707 = arith.constant 11.3137083 : f32
      %mul3A_708 = vector.broadcast %mul3A_707 : f32 to vector<16xf32>
      %mul3A_709 = arith.mulf %get3A_706, %mul3A_708 : vector<16xf32>
      %add3A_710 = arith.addf %mul3A_709, %get3A_700 : vector<16xf32>
      %swap3A_711 = arith.constant 0 : i32
      %swap3A_712 = arith.index_cast %swap3A_711 : i32 to index
      %swap3A_713 = arith.index_cast %add3A_546 : i32 to index
      %swap3A_714 = arith.constant 64 : index
      %swap3A_715 = tpu.vector_load %arg7[%swap3A_712, %swap3A_713, %swap3A_714] {strides = array<i32>} : memref<4x64x128xf32, #tpu.memory_space<vmem>>, vector<1x1x16xf32>,
      %swap3A_716 = vector.shape_cast %swap3A_715 : vector<1x1x16xf32> to vector<16xf32>
      %swap3A_717 = vector.shape_cast %add3A_710 : vector<16xf32> to vector<1x1x16xf32>
      tpu.vector_store %arg7[%swap3A_712, %swap3A_713, %swap3A_714], %swap3A_717 {strides = array<i32>} : memref<4x64x128xf32, #tpu.memory_space<vmem>>, vector<1x1x16xf32>,
      %get3A_718 = arith.constant 1 : i32
      %get3A_719 = arith.index_cast %get3A_718 : i32 to index
      %get3A_720 = arith.index_cast %add3A_546 : i32 to index
      %get3A_721 = arith.constant 64 : index
      %get3A_722 = tpu.vector_load %arg7[%get3A_719, %get3A_720, %get3A_721] {strides = array<i32>} : memref<4x64x128xf32, #tpu.memory_space<vmem>>, vector<1x1x16xf32>,
      %get3A_723 = vector.shape_cast %get3A_722 : vector<1x1x16xf32> to vector<16xf32>
      %mul3A_724 = arith.constant 11.3137083 : f32
      %mul3A_725 = vector.broadcast %mul3A_724 : f32 to vector<16xf32>
      %mul3A_726 = arith.mulf %get3A_723, %mul3A_725 : vector<16xf32>
      %add3A_727 = arith.addf %mul3A_726, %get3A_700 : vector<16xf32>
      %swap3A_728 = arith.constant 1 : i32
      %swap3A_729 = arith.index_cast %swap3A_728 : i32 to index
      %swap3A_730 = arith.index_cast %add3A_546 : i32 to index
      %swap3A_731 = arith.constant 64 : index
      %swap3A_732 = tpu.vector_load %arg7[%swap3A_729, %swap3A_730, %swap3A_731] {strides = array<i32>} : memref<4x64x128xf32, #tpu.memory_space<vmem>>, vector<1x1x16xf32>,
      %swap3A_733 = vector.shape_cast %swap3A_732 : vector<1x1x16xf32> to vector<16xf32>
      %swap3A_734 = vector.shape_cast %add3A_727 : vector<16xf32> to vector<1x1x16xf32>
      tpu.vector_store %arg7[%swap3A_729, %swap3A_730, %swap3A_731], %swap3A_734 {strides = array<i32>} : memref<4x64x128xf32, #tpu.memory_space<vmem>>, vector<1x1x16xf32>,
      %get3A_735 = arith.index_cast %add3A_546 : i32 to index
      %get3A_736 = arith.constant 80 : index
      %get3A_737 = tpu.vector_load %arg8[%get3A_735, %get3A_736] {strides = array<i32>} : memref<64x128xf32, #tpu.memory_space<vmem>>, vector<1x16xf32>,
      %get3A_738 = vector.shape_cast %get3A_737 : vector<1x16xf32> to vector<16xf32>
      %get3A_739 = arith.constant 0 : i32
      %get3A_740 = arith.index_cast %get3A_739 : i32 to index
      %get3A_741 = arith.index_cast %add3A_546 : i32 to index
      %get3A_742 = arith.constant 80 : index
      %get3A_743 = tpu.vector_load %arg7[%get3A_740, %get3A_741, %get3A_742] {strides = array<i32>} : memref<4x64x128xf32, #tpu.memory_space<vmem>>, vector<1x1x16xf32>,
      %get3A_744 = vector.shape_cast %get3A_743 : vector<1x1x16xf32> to vector<16xf32>
      %mul3A_745 = arith.constant 11.3137083 : f32
      %mul3A_746 = vector.broadcast %mul3A_745 : f32 to vector<16xf32>
      %mul3A_747 = arith.mulf %get3A_744, %mul3A_746 : vector<16xf32>
      %add3A_748 = arith.addf %mul3A_747, %get3A_738 : vector<16xf32>
      %swap3A_749 = arith.constant 0 : i32
      %swap3A_750 = arith.index_cast %swap3A_749 : i32 to index
      %swap3A_751 = arith.index_cast %add3A_546 : i32 to index
      %swap3A_752 = arith.constant 80 : index
      %swap3A_753 = tpu.vector_load %arg7[%swap3A_750, %swap3A_751, %swap3A_752] {strides = array<i32>} : memref<4x64x128xf32, #tpu.memory_space<vmem>>, vector<1x1x16xf32>,
      %swap3A_754 = vector.shape_cast %swap3A_753 : vector<1x1x16xf32> to vector<16xf32>
      %swap3A_755 = vector.shape_cast %add3A_748 : vector<16xf32> to vector<1x1x16xf32>
      tpu.vector_store %arg7[%swap3A_750, %swap3A_751, %swap3A_752], %swap3A_755 {strides = array<i32>} : memref<4x64x128xf32, #tpu.memory_space<vmem>>, vector<1x1x16xf32>,
      %get3A_756 = arith.constant 1 : i32
      %get3A_757 = arith.index_cast %get3A_756 : i32 to index
      %get3A_758 = arith.index_cast %add3A_546 : i32 to index
      %get3A_759 = arith.constant 80 : index
      %get3A_760 = tpu.vector_load %arg7[%get3A_757, %get3A_758, %get3A_759] {strides = array<i32>} : memref<4x64x128xf32, #tpu.memory_space<vmem>>, vector<1x1x16xf32>,
      %get3A_761 = vector.shape_cast %get3A_760 : vector<1x1x16xf32> to vector<16xf32>
      %mul3A_762 = arith.constant 11.3137083 : f32
      %mul3A_763 = vector.broadcast %mul3A_762 : f32 to vector<16xf32>
      %mul3A_764 = arith.mulf %get3A_761, %mul3A_763 : vector<16xf32>
      %add3A_765 = arith.addf %mul3A_764, %get3A_738 : vector<16xf32>
      %swap3A_766 = arith.constant 1 : i32
      %swap3A_767 = arith.index_cast %swap3A_766 : i32 to index
      %swap3A_768 = arith.index_cast %add3A_546 : i32 to index
      %swap3A_769 = arith.constant 80 : index
      %swap3A_770 = tpu.vector_load %arg7[%swap3A_767, %swap3A_768, %swap3A_769] {strides = array<i32>} : memref<4x64x128xf32, #tpu.memory_space<vmem>>, vector<1x1x16xf32>,
      %swap3A_771 = vector.shape_cast %swap3A_770 : vector<1x1x16xf32> to vector<16xf32>
      %swap3A_772 = vector.shape_cast %add3A_765 : vector<16xf32> to vector<1x1x16xf32>
      tpu.vector_store %arg7[%swap3A_767, %swap3A_768, %swap3A_769], %swap3A_772 {strides = array<i32>} : memref<4x64x128xf32, #tpu.memory_space<vmem>>, vector<1x1x16xf32>,
      %get3A_773 = arith.index_cast %add3A_546 : i32 to index
      %get3A_774 = arith.constant 96 : index
      %get3A_775 = tpu.vector_load %arg8[%get3A_773, %get3A_774] {strides = array<i32>} : memref<64x128xf32, #tpu.memory_space<vmem>>, vector<1x16xf32>,
      %get3A_776 = vector.shape_cast %get3A_775 : vector<1x16xf32> to vector<16xf32>
      %get3A_777 = arith.constant 0 : i32
      %get3A_778 = arith.index_cast %get3A_777 : i32 to index
      %get3A_779 = arith.index_cast %add3A_546 : i32 to index
      %get3A_780 = arith.constant 96 : index
      %get3A_781 = tpu.vector_load %arg7[%get3A_778, %get3A_779, %get3A_780] {strides = array<i32>} : memref<4x64x128xf32, #tpu.memory_space<vmem>>, vector<1x1x16xf32>,
      %get3A_782 = vector.shape_cast %get3A_781 : vector<1x1x16xf32> to vector<16xf32>
      %mul3A_783 = arith.constant 11.3137083 : f32
      %mul3A_784 = vector.broadcast %mul3A_783 : f32 to vector<16xf32>
      %mul3A_785 = arith.mulf %get3A_782, %mul3A_784 : vector<16xf32>
      %add3A_786 = arith.addf %mul3A_785, %get3A_776 : vector<16xf32>
      %swap3A_787 = arith.constant 0 : i32
      %swap3A_788 = arith.index_cast %swap3A_787 : i32 to index
      %swap3A_789 = arith.index_cast %add3A_546 : i32 to index
      %swap3A_790 = arith.constant 96 : index
      %swap3A_791 = tpu.vector_load %arg7[%swap3A_788, %swap3A_789, %swap3A_790] {strides = array<i32>} : memref<4x64x128xf32, #tpu.memory_space<vmem>>, vector<1x1x16xf32>,
      %swap3A_792 = vector.shape_cast %swap3A_791 : vector<1x1x16xf32> to vector<16xf32>
      %swap3A_793 = vector.shape_cast %add3A_786 : vector<16xf32> to vector<1x1x16xf32>
      tpu.vector_store %arg7[%swap3A_788, %swap3A_789, %swap3A_790], %swap3A_793 {strides = array<i32>} : memref<4x64x128xf32, #tpu.memory_space<vmem>>, vector<1x1x16xf32>,
      %get3A_794 = arith.constant 1 : i32
      %get3A_795 = arith.index_cast %get3A_794 : i32 to index
      %get3A_796 = arith.index_cast %add3A_546 : i32 to index
      %get3A_797 = arith.constant 96 : index
      %get3A_798 = tpu.vector_load %arg7[%get3A_795, %get3A_796, %get3A_797] {strides = array<i32>} : memref<4x64x128xf32, #tpu.memory_space<vmem>>, vector<1x1x16xf32>,
      %get3A_799 = vector.shape_cast %get3A_798 : vector<1x1x16xf32> to vector<16xf32>
      %mul3A_800 = arith.constant 11.3137083 : f32
      %mul3A_801 = vector.broadcast %mul3A_800 : f32 to vector<16xf32>
      %mul3A_802 = arith.mulf %get3A_799, %mul3A_801 : vector<16xf32>
      %add3A_803 = arith.addf %mul3A_802, %get3A_776 : vector<16xf32>
      %swap3A_804 = arith.constant 1 : i32
      %swap3A_805 = arith.index_cast %swap3A_804 : i32 to index
      %swap3A_806 = arith.index_cast %add3A_546 : i32 to index
      %swap3A_807 = arith.constant 96 : index
      %swap3A_808 = tpu.vector_load %arg7[%swap3A_805, %swap3A_806, %swap3A_807] {strides = array<i32>} : memref<4x64x128xf32, #tpu.memory_space<vmem>>, vector<1x1x16xf32>,
      %swap3A_809 = vector.shape_cast %swap3A_808 : vector<1x1x16xf32> to vector<16xf32>
      %swap3A_810 = vector.shape_cast %add3A_803 : vector<16xf32> to vector<1x1x16xf32>
      tpu.vector_store %arg7[%swap3A_805, %swap3A_806, %swap3A_807], %swap3A_810 {strides = array<i32>} : memref<4x64x128xf32, #tpu.memory_space<vmem>>, vector<1x1x16xf32>,
      %get3A_811 = arith.index_cast %add3A_546 : i32 to index
      %get3A_812 = arith.constant 112 : index
      %get3A_813 = tpu.vector_load %arg8[%get3A_811, %get3A_812] {strides = array<i32>} : memref<64x128xf32, #tpu.memory_space<vmem>>, vector<1x16xf32>,
      %get3A_814 = vector.shape_cast %get3A_813 : vector<1x16xf32> to vector<16xf32>
      %get3A_815 = arith.constant 0 : i32
      %get3A_816 = arith.index_cast %get3A_815 : i32 to index
      %get3A_817 = arith.index_cast %add3A_546 : i32 to index
      %get3A_818 = arith.constant 112 : index
      %get3A_819 = tpu.vector_load %arg7[%get3A_816, %get3A_817, %get3A_818] {strides = array<i32>} : memref<4x64x128xf32, #tpu.memory_space<vmem>>, vector<1x1x16xf32>,
      %get3A_820 = vector.shape_cast %get3A_819 : vector<1x1x16xf32> to vector<16xf32>
      %mul3A_821 = arith.constant 11.3137083 : f32
      %mul3A_822 = vector.broadcast %mul3A_821 : f32 to vector<16xf32>
      %mul3A_823 = arith.mulf %get3A_820, %mul3A_822 : vector<16xf32>
      %add3A_824 = arith.addf %mul3A_823, %get3A_814 : vector<16xf32>
      %swap3A_825 = arith.constant 0 : i32
      %swap3A_826 = arith.index_cast %swap3A_825 : i32 to index
      %swap3A_827 = arith.index_cast %add3A_546 : i32 to index
      %swap3A_828 = arith.constant 112 : index
      %swap3A_829 = tpu.vector_load %arg7[%swap3A_826, %swap3A_827, %swap3A_828] {strides = array<i32>} : memref<4x64x128xf32, #tpu.memory_space<vmem>>, vector<1x1x16xf32>,
      %swap3A_830 = vector.shape_cast %swap3A_829 : vector<1x1x16xf32> to vector<16xf32>
      %swap3A_831 = vector.shape_cast %add3A_824 : vector<16xf32> to vector<1x1x16xf32>
      tpu.vector_store %arg7[%swap3A_826, %swap3A_827, %swap3A_828], %swap3A_831 {strides = array<i32>} : memref<4x64x128xf32, #tpu.memory_space<vmem>>, vector<1x1x16xf32>,
      %get3A_832 = arith.constant 1 : i32
      %get3A_833 = arith.index_cast %get3A_832 : i32 to index
      %get3A_834 = arith.index_cast %add3A_546 : i32 to index
      %get3A_835 = arith.constant 112 : index
      %get3A_836 = tpu.vector_load %arg7[%get3A_833, %get3A_834, %get3A_835] {strides = array<i32>} : memref<4x64x128xf32, #tpu.memory_space<vmem>>, vector<1x1x16xf32>,
      %get3A_837 = vector.shape_cast %get3A_836 : vector<1x1x16xf32> to vector<16xf32>
      %mul3A_838 = arith.constant 11.3137083 : f32
      %mul3A_839 = vector.broadcast %mul3A_838 : f32 to vector<16xf32>
      %mul3A_840 = arith.mulf %get3A_837, %mul3A_839 : vector<16xf32>
      %add3A_841 = arith.addf %mul3A_840, %get3A_814 : vector<16xf32>
      %swap3A_842 = arith.constant 1 : i32
      %swap3A_843 = arith.index_cast %swap3A_842 : i32 to index
      %swap3A_844 = arith.index_cast %add3A_546 : i32 to index
      %swap3A_845 = arith.constant 112 : index
      %swap3A_846 = tpu.vector_load %arg7[%swap3A_843, %swap3A_844, %swap3A_845] {strides = array<i32>} : memref<4x64x128xf32, #tpu.memory_space<vmem>>, vector<1x1x16xf32>,
      %swap3A_847 = vector.shape_cast %swap3A_846 : vector<1x1x16xf32> to vector<16xf32>
      %swap3A_848 = vector.shape_cast %add3A_841 : vector<16xf32> to vector<1x1x16xf32>
      tpu.vector_store %arg7[%swap3A_843, %swap3A_844, %swap3A_845], %swap3A_848 {strides = array<i32>} : memref<4x64x128xf32, #tpu.memory_space<vmem>>, vector<1x1x16xf32>,
    }
    %scan3A_213 = arith.constant 32 : i32
    %add3A_214 = arith.constant 0 : i32
    %add3A_215 = arith.addi %add3A_214, %mul3A_2 : i32
    %add3A_216 = arith.constant 0 : i32
    %add3A_217 = arith.addi %add3A_215, %add3A_216 : i32
    %dma_start3A_218 = arith.constant 0 : i32
    %dma_start3A_219 = arith.constant 0 : i32
    %dma_start3A_220 = arith.constant 0 : i32
    %dma_start3A_221 = tpu.memref_slice %arg7[%dma_start3A_218, %dma_start3A_219, %dma_start3A_220] : memref<4x64x128xf32, #tpu.memory_space<vmem>> -> memref<1x32x128xf32, #tpu.memory_space<vmem>>
    %dma_start3A_222 = tpu.memref_squeeze %dma_start3A_221 : memref<1x32x128xf32, #tpu.memory_space<vmem>> -> memref<32x128xf32, #tpu.memory_space<vmem>>
    %dma_start3A_223 = arith.constant 0 : i32
    %dma_start3A_224 = tpu.memref_slice %arg5[%add3A_217, %dma_start3A_223] : memref<8192x128xf32, #tpu.memory_space<hbm>> -> memref<32x128xf32, #tpu.memory_space<hbm>>
    %dma_start3A_225 = arith.constant 0 : i32
    %dma_start3A_226 = tpu.memref_slice %arg5[%add3A_217, %dma_start3A_225] : memref<8192x128xf32, #tpu.memory_space<hbm>> -> memref<32x128xf32, #tpu.memory_space<hbm>>
    %dma_start3A_227 = arith.constant 0 : i32
    %dma_start3A_228 = arith.constant 0 : i32
    %dma_start3A_229 = tpu.memref_slice %arg7[%dma_start3A_218, %dma_start3A_227, %dma_start3A_228] : memref<4x64x128xf32, #tpu.memory_space<vmem>> -> memref<1x32x128xf32, #tpu.memory_space<vmem>>
    %dma_start3A_230 = tpu.memref_squeeze %dma_start3A_229 : memref<1x32x128xf32, #tpu.memory_space<vmem>> -> memref<32x128xf32, #tpu.memory_space<vmem>>
    tpu.enqueue_dma source(%dma_start3A_230 : memref<32x128xf32, #tpu.memory_space<vmem>>) target(%dma_start3A_226 : memref<32x128xf32, #tpu.memory_space<hbm>>) target_semaphore(%arg19 : memref<!tpu.dma_semaphore, #tpu.memory_space<semaphore_mem>>)
    %add3A_231 = arith.constant 2048 : i32
    %add3A_232 = arith.addi %add3A_231, %mul3A_2 : i32
    %add3A_233 = arith.constant 0 : i32
    %add3A_234 = arith.addi %add3A_232, %add3A_233 : i32
    %dma_start3A_235 = arith.constant 1 : i32
    %dma_start3A_236 = arith.constant 0 : i32
    %dma_start3A_237 = arith.constant 0 : i32
    %dma_start3A_238 = tpu.memref_slice %arg7[%dma_start3A_235, %dma_start3A_236, %dma_start3A_237] : memref<4x64x128xf32, #tpu.memory_space<vmem>> -> memref<1x32x128xf32, #tpu.memory_space<vmem>>
    %dma_start3A_239 = tpu.memref_squeeze %dma_start3A_238 : memref<1x32x128xf32, #tpu.memory_space<vmem>> -> memref<32x128xf32, #tpu.memory_space<vmem>>
    %dma_start3A_240 = arith.constant 0 : i32
    %dma_start3A_241 = tpu.memref_slice %arg5[%add3A_234, %dma_start3A_240] : memref<8192x128xf32, #tpu.memory_space<hbm>> -> memref<32x128xf32, #tpu.memory_space<hbm>>
    %dma_start3A_242 = arith.constant 0 : i32
    %dma_start3A_243 = tpu.memref_slice %arg5[%add3A_234, %dma_start3A_242] : memref<8192x128xf32, #tpu.memory_space<hbm>> -> memref<32x128xf32, #tpu.memory_space<hbm>>
    %dma_start3A_244 = arith.constant 0 : i32
    %dma_start3A_245 = arith.constant 0 : i32
    %dma_start3A_246 = tpu.memref_slice %arg7[%dma_start3A_235, %dma_start3A_244, %dma_start3A_245] : memref<4x64x128xf32, #tpu.memory_space<vmem>> -> memref<1x32x128xf32, #tpu.memory_space<vmem>>
    %dma_start3A_247 = tpu.memref_squeeze %dma_start3A_246 : memref<1x32x128xf32, #tpu.memory_space<vmem>> -> memref<32x128xf32, #tpu.memory_space<vmem>>
    tpu.enqueue_dma source(%dma_start3A_247 : memref<32x128xf32, #tpu.memory_space<vmem>>) target(%dma_start3A_243 : memref<32x128xf32, #tpu.memory_space<hbm>>) target_semaphore(%arg19 : memref<!tpu.dma_semaphore, #tpu.memory_space<semaphore_mem>>)
    %dma_wait3A_248 = arith.constant 2 : i32
    %dma_wait3A_249 = arith.constant 2 : i32
    %dma_wait3A_250 = arith.constant 0 : i32
    %dma_wait3A_251 = arith.constant 0 : i32
    %dma_wait3A_252 = tpu.memref_slice %arg7[%dma_wait3A_249, %dma_wait3A_250, %dma_wait3A_251] : memref<4x64x128xf32, #tpu.memory_space<vmem>> -> memref<1x32x128xf32, #tpu.memory_space<vmem>>
    %dma_wait3A_253 = tpu.memref_squeeze %dma_wait3A_252 : memref<1x32x128xf32, #tpu.memory_space<vmem>> -> memref<32x128xf32, #tpu.memory_space<vmem>>
    %dma_wait3A_254 = arith.constant 0 : i32
    %dma_wait3A_255 = tpu.memref_slice %arg6[%dma_wait3A_248, %dma_wait3A_254] : memref<4x64xi32, #tpu.memory_space<vmem>> -> memref<1x32xi32, #tpu.memory_space<vmem>>
    %dma_wait3A_256 = tpu.memref_squeeze %dma_wait3A_255 : memref<1x32xi32, #tpu.memory_space<vmem>> -> memref<32xi32, #tpu.memory_space<vmem>>
    %dma_wait3A_257 = arith.constant 0 : i32
    %dma_wait3A_258 = arith.constant 0 : i32
    %dma_wait3A_259 = tpu.memref_slice %arg3[%dma_wait3A_257, %dma_wait3A_258] : memref<1000000x128xf32, #tpu.memory_space<hbm>> -> memref<1000000x128xf32, #tpu.memory_space<hbm>>
    tpu.wait_indirect_dma semaphore(%arg15 : memref<!tpu.dma_semaphore, #tpu.memory_space<semaphore_mem>>) src(%dma_wait3A_259 : memref<1000000x128xf32, #tpu.memory_space<hbm>>) dst(%dma_wait3A_253 : memref<32x128xf32, #tpu.memory_space<vmem>>)
    %dma_wait3A_260 = arith.constant 3 : i32
    %dma_wait3A_261 = arith.constant 3 : i32
    %dma_wait3A_262 = arith.constant 0 : i32
    %dma_wait3A_263 = arith.constant 0 : i32
    %dma_wait3A_264 = tpu.memref_slice %arg7[%dma_wait3A_261, %dma_wait3A_262, %dma_wait3A_263] : memref<4x64x128xf32, #tpu.memory_space<vmem>> -> memref<1x32x128xf32, #tpu.memory_space<vmem>>
    %dma_wait3A_265 = tpu.memref_squeeze %dma_wait3A_264 : memref<1x32x128xf32, #tpu.memory_space<vmem>> -> memref<32x128xf32, #tpu.memory_space<vmem>>
    %dma_wait3A_266 = arith.constant 0 : i32
    %dma_wait3A_267 = tpu.memref_slice %arg6[%dma_wait3A_260, %dma_wait3A_266] : memref<4x64xi32, #tpu.memory_space<vmem>> -> memref<1x32xi32, #tpu.memory_space<vmem>>
    %dma_wait3A_268 = tpu.memref_squeeze %dma_wait3A_267 : memref<1x32xi32, #tpu.memory_space<vmem>> -> memref<32xi32, #tpu.memory_space<vmem>>
    %dma_wait3A_269 = arith.constant 0 : i32
    %dma_wait3A_270 = arith.constant 0 : i32
    %dma_wait3A_271 = tpu.memref_slice %arg3[%dma_wait3A_269, %dma_wait3A_270] : memref<1000000x128xf32, #tpu.memory_space<hbm>> -> memref<1000000x128xf32, #tpu.memory_space<hbm>>
    tpu.wait_indirect_dma semaphore(%arg17 : memref<!tpu.dma_semaphore, #tpu.memory_space<semaphore_mem>>) src(%dma_wait3A_271 : memref<1000000x128xf32, #tpu.memory_space<hbm>>) dst(%dma_wait3A_265 : memref<32x128xf32, #tpu.memory_space<vmem>>)
    %scan3A_272 = arith.constant 0 : i32
    %scan3A_273 = arith.constant 0 : i32
    %scan3A_274 = arith.constant 32 : i32
    %scan3A_275 = arith.addi %scan3A_273, %scan3A_274 : i32
    %scan3A_276 = arith.constant 1 : i32
    scf.for %scan3A_544 = %scan3A_273 to %scan3A_275 step %scan3A_276  : i32 {
      %add3A_545 = arith.constant 0 : i32
      %add3A_546 = arith.addi %scan3A_544, %add3A_545 : i32
      %get3A = arith.index_cast %add3A_546 : i32 to index
      %get3A_547 = arith.constant 0 : index
      %get3A_548 = tpu.vector_load %arg8[%get3A, %get3A_547] {strides = array<i32>} : memref<64x128xf32, #tpu.memory_space<vmem>>, vector<1x16xf32>,
      %get3A_549 = vector.shape_cast %get3A_548 : vector<1x16xf32> to vector<16xf32>
      %get3A_550 = arith.constant 2 : i32
      %get3A_551 = arith.index_cast %get3A_550 : i32 to index
      %get3A_552 = arith.index_cast %add3A_546 : i32 to index
      %get3A_553 = arith.constant 0 : index
      %get3A_554 = tpu.vector_load %arg7[%get3A_551, %get3A_552, %get3A_553] {strides = array<i32>} : memref<4x64x128xf32, #tpu.memory_space<vmem>>, vector<1x1x16xf32>,
      %get3A_555 = vector.shape_cast %get3A_554 : vector<1x1x16xf32> to vector<16xf32>
      %mul3A_556 = arith.constant 11.3137083 : f32
      %mul3A_557 = vector.broadcast %mul3A_556 : f32 to vector<16xf32>
      %mul3A_558 = arith.mulf %get3A_555, %mul3A_557 : vector<16xf32>
      %add3A_559 = arith.addf %mul3A_558, %get3A_549 : vector<16xf32>
      %swap3A = arith.constant 2 : i32
      %swap3A_560 = arith.index_cast %swap3A : i32 to index
      %swap3A_561 = arith.index_cast %add3A_546 : i32 to index
      %swap3A_562 = arith.constant 0 : index
      %swap3A_563 = tpu.vector_load %arg7[%swap3A_560, %swap3A_561, %swap3A_562] {strides = array<i32>} : memref<4x64x128xf32, #tpu.memory_space<vmem>>, vector<1x1x16xf32>,
      %swap3A_564 = vector.shape_cast %swap3A_563 : vector<1x1x16xf32> to vector<16xf32>
      %swap3A_565 = vector.shape_cast %add3A_559 : vector<16xf32> to vector<1x1x16xf32>
      tpu.vector_store %arg7[%swap3A_560, %swap3A_561, %swap3A_562], %swap3A_565 {strides = array<i32>} : memref<4x64x128xf32, #tpu.memory_space<vmem>>, vector<1x1x16xf32>,
      %get3A_566 = arith.constant 3 : i32
      %get3A_567 = arith.index_cast %get3A_566 : i32 to index
      %get3A_568 = arith.index_cast %add3A_546 : i32 to index
      %get3A_569 = arith.constant 0 : index
      %get3A_570 = tpu.vector_load %arg7[%get3A_567, %get3A_568, %get3A_569] {strides = array<i32>} : memref<4x64x128xf32, #tpu.memory_space<vmem>>, vector<1x1x16xf32>,
      %get3A_571 = vector.shape_cast %get3A_570 : vector<1x1x16xf32> to vector<16xf32>
      %mul3A_572 = arith.constant 11.3137083 : f32
      %mul3A_573 = vector.broadcast %mul3A_572 : f32 to vector<16xf32>
      %mul3A_574 = arith.mulf %get3A_571, %mul3A_573 : vector<16xf32>
      %add3A_575 = arith.addf %mul3A_574, %get3A_549 : vector<16xf32>
      %swap3A_576 = arith.constant 3 : i32
      %swap3A_577 = arith.index_cast %swap3A_576 : i32 to index
      %swap3A_578 = arith.index_cast %add3A_546 : i32 to index
      %swap3A_579 = arith.constant 0 : index
      %swap3A_580 = tpu.vector_load %arg7[%swap3A_577, %swap3A_578, %swap3A_579] {strides = array<i32>} : memref<4x64x128xf32, #tpu.memory_space<vmem>>, vector<1x1x16xf32>,
      %swap3A_581 = vector.shape_cast %swap3A_580 : vector<1x1x16xf32> to vector<16xf32>
      %swap3A_582 = vector.shape_cast %add3A_575 : vector<16xf32> to vector<1x1x16xf32>
      tpu.vector_store %arg7[%swap3A_577, %swap3A_578, %swap3A_579], %swap3A_582 {strides = array<i32>} : memref<4x64x128xf32, #tpu.memory_space<vmem>>, vector<1x1x16xf32>,
      %get3A_583 = arith.index_cast %add3A_546 : i32 to index
      %get3A_584 = arith.constant 16 : index
      %get3A_585 = tpu.vector_load %arg8[%get3A_583, %get3A_584] {strides = array<i32>} : memref<64x128xf32, #tpu.memory_space<vmem>>, vector<1x16xf32>,
      %get3A_586 = vector.shape_cast %get3A_585 : vector<1x16xf32> to vector<16xf32>
      %get3A_587 = arith.constant 2 : i32
      %get3A_588 = arith.index_cast %get3A_587 : i32 to index
      %get3A_589 = arith.index_cast %add3A_546 : i32 to index
      %get3A_590 = arith.constant 16 : index
      %get3A_591 = tpu.vector_load %arg7[%get3A_588, %get3A_589, %get3A_590] {strides = array<i32>} : memref<4x64x128xf32, #tpu.memory_space<vmem>>, vector<1x1x16xf32>,
      %get3A_592 = vector.shape_cast %get3A_591 : vector<1x1x16xf32> to vector<16xf32>
      %mul3A_593 = arith.constant 11.3137083 : f32
      %mul3A_594 = vector.broadcast %mul3A_593 : f32 to vector<16xf32>
      %mul3A_595 = arith.mulf %get3A_592, %mul3A_594 : vector<16xf32>
      %add3A_596 = arith.addf %mul3A_595, %get3A_586 : vector<16xf32>
      %swap3A_597 = arith.constant 2 : i32
      %swap3A_598 = arith.index_cast %swap3A_597 : i32 to index
      %swap3A_599 = arith.index_cast %add3A_546 : i32 to index
      %swap3A_600 = arith.constant 16 : index
      %swap3A_601 = tpu.vector_load %arg7[%swap3A_598, %swap3A_599, %swap3A_600] {strides = array<i32>} : memref<4x64x128xf32, #tpu.memory_space<vmem>>, vector<1x1x16xf32>,
      %swap3A_602 = vector.shape_cast %swap3A_601 : vector<1x1x16xf32> to vector<16xf32>
      %swap3A_603 = vector.shape_cast %add3A_596 : vector<16xf32> to vector<1x1x16xf32>
      tpu.vector_store %arg7[%swap3A_598, %swap3A_599, %swap3A_600], %swap3A_603 {strides = array<i32>} : memref<4x64x128xf32, #tpu.memory_space<vmem>>, vector<1x1x16xf32>,
      %get3A_604 = arith.constant 3 : i32
      %get3A_605 = arith.index_cast %get3A_604 : i32 to index
      %get3A_606 = arith.index_cast %add3A_546 : i32 to index
      %get3A_607 = arith.constant 16 : index
      %get3A_608 = tpu.vector_load %arg7[%get3A_605, %get3A_606, %get3A_607] {strides = array<i32>} : memref<4x64x128xf32, #tpu.memory_space<vmem>>, vector<1x1x16xf32>,
      %get3A_609 = vector.shape_cast %get3A_608 : vector<1x1x16xf32> to vector<16xf32>
      %mul3A_610 = arith.constant 11.3137083 : f32
      %mul3A_611 = vector.broadcast %mul3A_610 : f32 to vector<16xf32>
      %mul3A_612 = arith.mulf %get3A_609, %mul3A_611 : vector<16xf32>
      %add3A_613 = arith.addf %mul3A_612, %get3A_586 : vector<16xf32>
      %swap3A_614 = arith.constant 3 : i32
      %swap3A_615 = arith.index_cast %swap3A_614 : i32 to index
      %swap3A_616 = arith.index_cast %add3A_546 : i32 to index
      %swap3A_617 = arith.constant 16 : index
      %swap3A_618 = tpu.vector_load %arg7[%swap3A_615, %swap3A_616, %swap3A_617] {strides = array<i32>} : memref<4x64x128xf32, #tpu.memory_space<vmem>>, vector<1x1x16xf32>,
      %swap3A_619 = vector.shape_cast %swap3A_618 : vector<1x1x16xf32> to vector<16xf32>
      %swap3A_620 = vector.shape_cast %add3A_613 : vector<16xf32> to vector<1x1x16xf32>
      tpu.vector_store %arg7[%swap3A_615, %swap3A_616, %swap3A_617], %swap3A_620 {strides = array<i32>} : memref<4x64x128xf32, #tpu.memory_space<vmem>>, vector<1x1x16xf32>,
      %get3A_621 = arith.index_cast %add3A_546 : i32 to index
      %get3A_622 = arith.constant 32 : index
      %get3A_623 = tpu.vector_load %arg8[%get3A_621, %get3A_622] {strides = array<i32>} : memref<64x128xf32, #tpu.memory_space<vmem>>, vector<1x16xf32>,
      %get3A_624 = vector.shape_cast %get3A_623 : vector<1x16xf32> to vector<16xf32>
      %get3A_625 = arith.constant 2 : i32
      %get3A_626 = arith.index_cast %get3A_625 : i32 to index
      %get3A_627 = arith.index_cast %add3A_546 : i32 to index
      %get3A_628 = arith.constant 32 : index
      %get3A_629 = tpu.vector_load %arg7[%get3A_626, %get3A_627, %get3A_628] {strides = array<i32>} : memref<4x64x128xf32, #tpu.memory_space<vmem>>, vector<1x1x16xf32>,
      %get3A_630 = vector.shape_cast %get3A_629 : vector<1x1x16xf32> to vector<16xf32>
      %mul3A_631 = arith.constant 11.3137083 : f32
      %mul3A_632 = vector.broadcast %mul3A_631 : f32 to vector<16xf32>
      %mul3A_633 = arith.mulf %get3A_630, %mul3A_632 : vector<16xf32>
      %add3A_634 = arith.addf %mul3A_633, %get3A_624 : vector<16xf32>
      %swap3A_635 = arith.constant 2 : i32
      %swap3A_636 = arith.index_cast %swap3A_635 : i32 to index
      %swap3A_637 = arith.index_cast %add3A_546 : i32 to index
      %swap3A_638 = arith.constant 32 : index
      %swap3A_639 = tpu.vector_load %arg7[%swap3A_636, %swap3A_637, %swap3A_638] {strides = array<i32>} : memref<4x64x128xf32, #tpu.memory_space<vmem>>, vector<1x1x16xf32>,
      %swap3A_640 = vector.shape_cast %swap3A_639 : vector<1x1x16xf32> to vector<16xf32>
      %swap3A_641 = vector.shape_cast %add3A_634 : vector<16xf32> to vector<1x1x16xf32>
      tpu.vector_store %arg7[%swap3A_636, %swap3A_637, %swap3A_638], %swap3A_641 {strides = array<i32>} : memref<4x64x128xf32, #tpu.memory_space<vmem>>, vector<1x1x16xf32>,
      %get3A_642 = arith.constant 3 : i32
      %get3A_643 = arith.index_cast %get3A_642 : i32 to index
      %get3A_644 = arith.index_cast %add3A_546 : i32 to index
      %get3A_645 = arith.constant 32 : index
      %get3A_646 = tpu.vector_load %arg7[%get3A_643, %get3A_644, %get3A_645] {strides = array<i32>} : memref<4x64x128xf32, #tpu.memory_space<vmem>>, vector<1x1x16xf32>,
      %get3A_647 = vector.shape_cast %get3A_646 : vector<1x1x16xf32> to vector<16xf32>
      %mul3A_648 = arith.constant 11.3137083 : f32
      %mul3A_649 = vector.broadcast %mul3A_648 : f32 to vector<16xf32>
      %mul3A_650 = arith.mulf %get3A_647, %mul3A_649 : vector<16xf32>
      %add3A_651 = arith.addf %mul3A_650, %get3A_624 : vector<16xf32>
      %swap3A_652 = arith.constant 3 : i32
      %swap3A_653 = arith.index_cast %swap3A_652 : i32 to index
      %swap3A_654 = arith.index_cast %add3A_546 : i32 to index
      %swap3A_655 = arith.constant 32 : index
      %swap3A_656 = tpu.vector_load %arg7[%swap3A_653, %swap3A_654, %swap3A_655] {strides = array<i32>} : memref<4x64x128xf32, #tpu.memory_space<vmem>>, vector<1x1x16xf32>,
      %swap3A_657 = vector.shape_cast %swap3A_656 : vector<1x1x16xf32> to vector<16xf32>
      %swap3A_658 = vector.shape_cast %add3A_651 : vector<16xf32> to vector<1x1x16xf32>
      tpu.vector_store %arg7[%swap3A_653, %swap3A_654, %swap3A_655], %swap3A_658 {strides = array<i32>} : memref<4x64x128xf32, #tpu.memory_space<vmem>>, vector<1x1x16xf32>,
      %get3A_659 = arith.index_cast %add3A_546 : i32 to index
      %get3A_660 = arith.constant 48 : index
      %get3A_661 = tpu.vector_load %arg8[%get3A_659, %get3A_660] {strides = array<i32>} : memref<64x128xf32, #tpu.memory_space<vmem>>, vector<1x16xf32>,
      %get3A_662 = vector.shape_cast %get3A_661 : vector<1x16xf32> to vector<16xf32>
      %get3A_663 = arith.constant 2 : i32
      %get3A_664 = arith.index_cast %get3A_663 : i32 to index
      %get3A_665 = arith.index_cast %add3A_546 : i32 to index
      %get3A_666 = arith.constant 48 : index
      %get3A_667 = tpu.vector_load %arg7[%get3A_664, %get3A_665, %get3A_666] {strides = array<i32>} : memref<4x64x128xf32, #tpu.memory_space<vmem>>, vector<1x1x16xf32>,
      %get3A_668 = vector.shape_cast %get3A_667 : vector<1x1x16xf32> to vector<16xf32>
      %mul3A_669 = arith.constant 11.3137083 : f32
      %mul3A_670 = vector.broadcast %mul3A_669 : f32 to vector<16xf32>
      %mul3A_671 = arith.mulf %get3A_668, %mul3A_670 : vector<16xf32>
      %add3A_672 = arith.addf %mul3A_671, %get3A_662 : vector<16xf32>
      %swap3A_673 = arith.constant 2 : i32
      %swap3A_674 = arith.index_cast %swap3A_673 : i32 to index
      %swap3A_675 = arith.index_cast %add3A_546 : i32 to index
      %swap3A_676 = arith.constant 48 : index
      %swap3A_677 = tpu.vector_load %arg7[%swap3A_674, %swap3A_675, %swap3A_676] {strides = array<i32>} : memref<4x64x128xf32, #tpu.memory_space<vmem>>, vector<1x1x16xf32>,
      %swap3A_678 = vector.shape_cast %swap3A_677 : vector<1x1x16xf32> to vector<16xf32>
      %swap3A_679 = vector.shape_cast %add3A_672 : vector<16xf32> to vector<1x1x16xf32>
      tpu.vector_store %arg7[%swap3A_674, %swap3A_675, %swap3A_676], %swap3A_679 {strides = array<i32>} : memref<4x64x128xf32, #tpu.memory_space<vmem>>, vector<1x1x16xf32>,
      %get3A_680 = arith.constant 3 : i32
      %get3A_681 = arith.index_cast %get3A_680 : i32 to index
      %get3A_682 = arith.index_cast %add3A_546 : i32 to index
      %get3A_683 = arith.constant 48 : index
      %get3A_684 = tpu.vector_load %arg7[%get3A_681, %get3A_682, %get3A_683] {strides = array<i32>} : memref<4x64x128xf32, #tpu.memory_space<vmem>>, vector<1x1x16xf32>,
      %get3A_685 = vector.shape_cast %get3A_684 : vector<1x1x16xf32> to vector<16xf32>
      %mul3A_686 = arith.constant 11.3137083 : f32
      %mul3A_687 = vector.broadcast %mul3A_686 : f32 to vector<16xf32>
      %mul3A_688 = arith.mulf %get3A_685, %mul3A_687 : vector<16xf32>
      %add3A_689 = arith.addf %mul3A_688, %get3A_662 : vector<16xf32>
      %swap3A_690 = arith.constant 3 : i32
      %swap3A_691 = arith.index_cast %swap3A_690 : i32 to index
      %swap3A_692 = arith.index_cast %add3A_546 : i32 to index
      %swap3A_693 = arith.constant 48 : index
      %swap3A_694 = tpu.vector_load %arg7[%swap3A_691, %swap3A_692, %swap3A_693] {strides = array<i32>} : memref<4x64x128xf32, #tpu.memory_space<vmem>>, vector<1x1x16xf32>,
      %swap3A_695 = vector.shape_cast %swap3A_694 : vector<1x1x16xf32> to vector<16xf32>
      %swap3A_696 = vector.shape_cast %add3A_689 : vector<16xf32> to vector<1x1x16xf32>
      tpu.vector_store %arg7[%swap3A_691, %swap3A_692, %swap3A_693], %swap3A_696 {strides = array<i32>} : memref<4x64x128xf32, #tpu.memory_space<vmem>>, vector<1x1x16xf32>,
      %get3A_697 = arith.index_cast %add3A_546 : i32 to index
      %get3A_698 = arith.constant 64 : index
      %get3A_699 = tpu.vector_load %arg8[%get3A_697, %get3A_698] {strides = array<i32>} : memref<64x128xf32, #tpu.memory_space<vmem>>, vector<1x16xf32>,
      %get3A_700 = vector.shape_cast %get3A_699 : vector<1x16xf32> to vector<16xf32>
      %get3A_701 = arith.constant 2 : i32
      %get3A_702 = arith.index_cast %get3A_701 : i32 to index
      %get3A_703 = arith.index_cast %add3A_546 : i32 to index
      %get3A_704 = arith.constant 64 : index
      %get3A_705 = tpu.vector_load %arg7[%get3A_702, %get3A_703, %get3A_704] {strides = array<i32>} : memref<4x64x128xf32, #tpu.memory_space<vmem>>, vector<1x1x16xf32>,
      %get3A_706 = vector.shape_cast %get3A_705 : vector<1x1x16xf32> to vector<16xf32>
      %mul3A_707 = arith.constant 11.3137083 : f32
      %mul3A_708 = vector.broadcast %mul3A_707 : f32 to vector<16xf32>
      %mul3A_709 = arith.mulf %get3A_706, %mul3A_708 : vector<16xf32>
      %add3A_710 = arith.addf %mul3A_709, %get3A_700 : vector<16xf32>
      %swap3A_711 = arith.constant 2 : i32
      %swap3A_712 = arith.index_cast %swap3A_711 : i32 to index
      %swap3A_713 = arith.index_cast %add3A_546 : i32 to index
      %swap3A_714 = arith.constant 64 : index
      %swap3A_715 = tpu.vector_load %arg7[%swap3A_712, %swap3A_713, %swap3A_714] {strides = array<i32>} : memref<4x64x128xf32, #tpu.memory_space<vmem>>, vector<1x1x16xf32>,
      %swap3A_716 = vector.shape_cast %swap3A_715 : vector<1x1x16xf32> to vector<16xf32>
      %swap3A_717 = vector.shape_cast %add3A_710 : vector<16xf32> to vector<1x1x16xf32>
      tpu.vector_store %arg7[%swap3A_712, %swap3A_713, %swap3A_714], %swap3A_717 {strides = array<i32>} : memref<4x64x128xf32, #tpu.memory_space<vmem>>, vector<1x1x16xf32>,
      %get3A_718 = arith.constant 3 : i32
      %get3A_719 = arith.index_cast %get3A_718 : i32 to index
      %get3A_720 = arith.index_cast %add3A_546 : i32 to index
      %get3A_721 = arith.constant 64 : index
      %get3A_722 = tpu.vector_load %arg7[%get3A_719, %get3A_720, %get3A_721] {strides = array<i32>} : memref<4x64x128xf32, #tpu.memory_space<vmem>>, vector<1x1x16xf32>,
      %get3A_723 = vector.shape_cast %get3A_722 : vector<1x1x16xf32> to vector<16xf32>
      %mul3A_724 = arith.constant 11.3137083 : f32
      %mul3A_725 = vector.broadcast %mul3A_724 : f32 to vector<16xf32>
      %mul3A_726 = arith.mulf %get3A_723, %mul3A_725 : vector<16xf32>
      %add3A_727 = arith.addf %mul3A_726, %get3A_700 : vector<16xf32>
      %swap3A_728 = arith.constant 3 : i32
      %swap3A_729 = arith.index_cast %swap3A_728 : i32 to index
      %swap3A_730 = arith.index_cast %add3A_546 : i32 to index
      %swap3A_731 = arith.constant 64 : index
      %swap3A_732 = tpu.vector_load %arg7[%swap3A_729, %swap3A_730, %swap3A_731] {strides = array<i32>} : memref<4x64x128xf32, #tpu.memory_space<vmem>>, vector<1x1x16xf32>,
      %swap3A_733 = vector.shape_cast %swap3A_732 : vector<1x1x16xf32> to vector<16xf32>
      %swap3A_734 = vector.shape_cast %add3A_727 : vector<16xf32> to vector<1x1x16xf32>
      tpu.vector_store %arg7[%swap3A_729, %swap3A_730, %swap3A_731], %swap3A_734 {strides = array<i32>} : memref<4x64x128xf32, #tpu.memory_space<vmem>>, vector<1x1x16xf32>,
      %get3A_735 = arith.index_cast %add3A_546 : i32 to index
      %get3A_736 = arith.constant 80 : index
      %get3A_737 = tpu.vector_load %arg8[%get3A_735, %get3A_736] {strides = array<i32>} : memref<64x128xf32, #tpu.memory_space<vmem>>, vector<1x16xf32>,
      %get3A_738 = vector.shape_cast %get3A_737 : vector<1x16xf32> to vector<16xf32>
      %get3A_739 = arith.constant 2 : i32
      %get3A_740 = arith.index_cast %get3A_739 : i32 to index
      %get3A_741 = arith.index_cast %add3A_546 : i32 to index
      %get3A_742 = arith.constant 80 : index
      %get3A_743 = tpu.vector_load %arg7[%get3A_740, %get3A_741, %get3A_742] {strides = array<i32>} : memref<4x64x128xf32, #tpu.memory_space<vmem>>, vector<1x1x16xf32>,
      %get3A_744 = vector.shape_cast %get3A_743 : vector<1x1x16xf32> to vector<16xf32>
      %mul3A_745 = arith.constant 11.3137083 : f32
      %mul3A_746 = vector.broadcast %mul3A_745 : f32 to vector<16xf32>
      %mul3A_747 = arith.mulf %get3A_744, %mul3A_746 : vector<16xf32>
      %add3A_748 = arith.addf %mul3A_747, %get3A_738 : vector<16xf32>
      %swap3A_749 = arith.constant 2 : i32
      %swap3A_750 = arith.index_cast %swap3A_749 : i32 to index
      %swap3A_751 = arith.index_cast %add3A_546 : i32 to index
      %swap3A_752 = arith.constant 80 : index
      %swap3A_753 = tpu.vector_load %arg7[%swap3A_750, %swap3A_751, %swap3A_752] {strides = array<i32>} : memref<4x64x128xf32, #tpu.memory_space<vmem>>, vector<1x1x16xf32>,
      %swap3A_754 = vector.shape_cast %swap3A_753 : vector<1x1x16xf32> to vector<16xf32>
      %swap3A_755 = vector.shape_cast %add3A_748 : vector<16xf32> to vector<1x1x16xf32>
      tpu.vector_store %arg7[%swap3A_750, %swap3A_751, %swap3A_752], %swap3A_755 {strides = array<i32>} : memref<4x64x128xf32, #tpu.memory_space<vmem>>, vector<1x1x16xf32>,
      %get3A_756 = arith.constant 3 : i32
      %get3A_757 = arith.index_cast %get3A_756 : i32 to index
      %get3A_758 = arith.index_cast %add3A_546 : i32 to index
      %get3A_759 = arith.constant 80 : index
      %get3A_760 = tpu.vector_load %arg7[%get3A_757, %get3A_758, %get3A_759] {strides = array<i32>} : memref<4x64x128xf32, #tpu.memory_space<vmem>>, vector<1x1x16xf32>,
      %get3A_761 = vector.shape_cast %get3A_760 : vector<1x1x16xf32> to vector<16xf32>
      %mul3A_762 = arith.constant 11.3137083 : f32
      %mul3A_763 = vector.broadcast %mul3A_762 : f32 to vector<16xf32>
      %mul3A_764 = arith.mulf %get3A_761, %mul3A_763 : vector<16xf32>
      %add3A_765 = arith.addf %mul3A_764, %get3A_738 : vector<16xf32>
      %swap3A_766 = arith.constant 3 : i32
      %swap3A_767 = arith.index_cast %swap3A_766 : i32 to index
      %swap3A_768 = arith.index_cast %add3A_546 : i32 to index
      %swap3A_769 = arith.constant 80 : index
      %swap3A_770 = tpu.vector_load %arg7[%swap3A_767, %swap3A_768, %swap3A_769] {strides = array<i32>} : memref<4x64x128xf32, #tpu.memory_space<vmem>>, vector<1x1x16xf32>,
      %swap3A_771 = vector.shape_cast %swap3A_770 : vector<1x1x16xf32> to vector<16xf32>
      %swap3A_772 = vector.shape_cast %add3A_765 : vector<16xf32> to vector<1x1x16xf32>
      tpu.vector_store %arg7[%swap3A_767, %swap3A_768, %swap3A_769], %swap3A_772 {strides = array<i32>} : memref<4x64x128xf32, #tpu.memory_space<vmem>>, vector<1x1x16xf32>,
      %get3A_773 = arith.index_cast %add3A_546 : i32 to index
      %get3A_774 = arith.constant 96 : index
      %get3A_775 = tpu.vector_load %arg8[%get3A_773, %get3A_774] {strides = array<i32>} : memref<64x128xf32, #tpu.memory_space<vmem>>, vector<1x16xf32>,
      %get3A_776 = vector.shape_cast %get3A_775 : vector<1x16xf32> to vector<16xf32>
      %get3A_777 = arith.constant 2 : i32
      %get3A_778 = arith.index_cast %get3A_777 : i32 to index
      %get3A_779 = arith.index_cast %add3A_546 : i32 to index
      %get3A_780 = arith.constant 96 : index
      %get3A_781 = tpu.vector_load %arg7[%get3A_778, %get3A_779, %get3A_780] {strides = array<i32>} : memref<4x64x128xf32, #tpu.memory_space<vmem>>, vector<1x1x16xf32>,
      %get3A_782 = vector.shape_cast %get3A_781 : vector<1x1x16xf32> to vector<16xf32>
      %mul3A_783 = arith.constant 11.3137083 : f32
      %mul3A_784 = vector.broadcast %mul3A_783 : f32 to vector<16xf32>
      %mul3A_785 = arith.mulf %get3A_782, %mul3A_784 : vector<16xf32>
      %add3A_786 = arith.addf %mul3A_785, %get3A_776 : vector<16xf32>
      %swap3A_787 = arith.constant 2 : i32
      %swap3A_788 = arith.index_cast %swap3A_787 : i32 to index
      %swap3A_789 = arith.index_cast %add3A_546 : i32 to index
      %swap3A_790 = arith.constant 96 : index
      %swap3A_791 = tpu.vector_load %arg7[%swap3A_788, %swap3A_789, %swap3A_790] {strides = array<i32>} : memref<4x64x128xf32, #tpu.memory_space<vmem>>, vector<1x1x16xf32>,
      %swap3A_792 = vector.shape_cast %swap3A_791 : vector<1x1x16xf32> to vector<16xf32>
      %swap3A_793 = vector.shape_cast %add3A_786 : vector<16xf32> to vector<1x1x16xf32>
      tpu.vector_store %arg7[%swap3A_788, %swap3A_789, %swap3A_790], %swap3A_793 {strides = array<i32>} : memref<4x64x128xf32, #tpu.memory_space<vmem>>, vector<1x1x16xf32>,
      %get3A_794 = arith.constant 3 : i32
      %get3A_795 = arith.index_cast %get3A_794 : i32 to index
      %get3A_796 = arith.index_cast %add3A_546 : i32 to index
      %get3A_797 = arith.constant 96 : index
      %get3A_798 = tpu.vector_load %arg7[%get3A_795, %get3A_796, %get3A_797] {strides = array<i32>} : memref<4x64x128xf32, #tpu.memory_space<vmem>>, vector<1x1x16xf32>,
      %get3A_799 = vector.shape_cast %get3A_798 : vector<1x1x16xf32> to vector<16xf32>
      %mul3A_800 = arith.constant 11.3137083 : f32
      %mul3A_801 = vector.broadcast %mul3A_800 : f32 to vector<16xf32>
      %mul3A_802 = arith.mulf %get3A_799, %mul3A_801 : vector<16xf32>
      %add3A_803 = arith.addf %mul3A_802, %get3A_776 : vector<16xf32>
      %swap3A_804 = arith.constant 3 : i32
      %swap3A_805 = arith.index_cast %swap3A_804 : i32 to index
      %swap3A_806 = arith.index_cast %add3A_546 : i32 to index
      %swap3A_807 = arith.constant 96 : index
      %swap3A_808 = tpu.vector_load %arg7[%swap3A_805, %swap3A_806, %swap3A_807] {strides = array<i32>} : memref<4x64x128xf32, #tpu.memory_space<vmem>>, vector<1x1x16xf32>,
      %swap3A_809 = vector.shape_cast %swap3A_808 : vector<1x1x16xf32> to vector<16xf32>
      %swap3A_810 = vector.shape_cast %add3A_803 : vector<16xf32> to vector<1x1x16xf32>
      tpu.vector_store %arg7[%swap3A_805, %swap3A_806, %swap3A_807], %swap3A_810 {strides = array<i32>} : memref<4x64x128xf32, #tpu.memory_space<vmem>>, vector<1x1x16xf32>,
      %get3A_811 = arith.index_cast %add3A_546 : i32 to index
      %get3A_812 = arith.constant 112 : index
      %get3A_813 = tpu.vector_load %arg8[%get3A_811, %get3A_812] {strides = array<i32>} : memref<64x128xf32, #tpu.memory_space<vmem>>, vector<1x16xf32>,
      %get3A_814 = vector.shape_cast %get3A_813 : vector<1x16xf32> to vector<16xf32>
      %get3A_815 = arith.constant 2 : i32
      %get3A_816 = arith.index_cast %get3A_815 : i32 to index
      %get3A_817 = arith.index_cast %add3A_546 : i32 to index
      %get3A_818 = arith.constant 112 : index
      %get3A_819 = tpu.vector_load %arg7[%get3A_816, %get3A_817, %get3A_818] {strides = array<i32>} : memref<4x64x128xf32, #tpu.memory_space<vmem>>, vector<1x1x16xf32>,
      %get3A_820 = vector.shape_cast %get3A_819 : vector<1x1x16xf32> to vector<16xf32>
      %mul3A_821 = arith.constant 11.3137083 : f32
      %mul3A_822 = vector.broadcast %mul3A_821 : f32 to vector<16xf32>
      %mul3A_823 = arith.mulf %get3A_820, %mul3A_822 : vector<16xf32>
      %add3A_824 = arith.addf %mul3A_823, %get3A_814 : vector<16xf32>
      %swap3A_825 = arith.constant 2 : i32
      %swap3A_826 = arith.index_cast %swap3A_825 : i32 to index
      %swap3A_827 = arith.index_cast %add3A_546 : i32 to index
      %swap3A_828 = arith.constant 112 : index
      %swap3A_829 = tpu.vector_load %arg7[%swap3A_826, %swap3A_827, %swap3A_828] {strides = array<i32>} : memref<4x64x128xf32, #tpu.memory_space<vmem>>, vector<1x1x16xf32>,
      %swap3A_830 = vector.shape_cast %swap3A_829 : vector<1x1x16xf32> to vector<16xf32>
      %swap3A_831 = vector.shape_cast %add3A_824 : vector<16xf32> to vector<1x1x16xf32>
      tpu.vector_store %arg7[%swap3A_826, %swap3A_827, %swap3A_828], %swap3A_831 {strides = array<i32>} : memref<4x64x128xf32, #tpu.memory_space<vmem>>, vector<1x1x16xf32>,
      %get3A_832 = arith.constant 3 : i32
      %get3A_833 = arith.index_cast %get3A_832 : i32 to index
      %get3A_834 = arith.index_cast %add3A_546 : i32 to index
      %get3A_835 = arith.constant 112 : index
      %get3A_836 = tpu.vector_load %arg7[%get3A_833, %get3A_834, %get3A_835] {strides = array<i32>} : memref<4x64x128xf32, #tpu.memory_space<vmem>>, vector<1x1x16xf32>,
      %get3A_837 = vector.shape_cast %get3A_836 : vector<1x1x16xf32> to vector<16xf32>
      %mul3A_838 = arith.constant 11.3137083 : f32
      %mul3A_839 = vector.broadcast %mul3A_838 : f32 to vector<16xf32>
      %mul3A_840 = arith.mulf %get3A_837, %mul3A_839 : vector<16xf32>
      %add3A_841 = arith.addf %mul3A_840, %get3A_814 : vector<16xf32>
      %swap3A_842 = arith.constant 3 : i32
      %swap3A_843 = arith.index_cast %swap3A_842 : i32 to index
      %swap3A_844 = arith.index_cast %add3A_546 : i32 to index
      %swap3A_845 = arith.constant 112 : index
      %swap3A_846 = tpu.vector_load %arg7[%swap3A_843, %swap3A_844, %swap3A_845] {strides = array<i32>} : memref<4x64x128xf32, #tpu.memory_space<vmem>>, vector<1x1x16xf32>,
      %swap3A_847 = vector.shape_cast %swap3A_846 : vector<1x1x16xf32> to vector<16xf32>
      %swap3A_848 = vector.shape_cast %add3A_841 : vector<16xf32> to vector<1x1x16xf32>
      tpu.vector_store %arg7[%swap3A_843, %swap3A_844, %swap3A_845], %swap3A_848 {strides = array<i32>} : memref<4x64x128xf32, #tpu.memory_space<vmem>>, vector<1x1x16xf32>,
    }
    %scan3A_277 = arith.constant 32 : i32
    %add3A_278 = arith.constant 4096 : i32
    %add3A_279 = arith.addi %add3A_278, %mul3A_2 : i32
    %add3A_280 = arith.constant 0 : i32
    %add3A_281 = arith.addi %add3A_279, %add3A_280 : i32
    %dma_start3A_282 = arith.constant 2 : i32
    %dma_start3A_283 = arith.constant 0 : i32
    %dma_start3A_284 = arith.constant 0 : i32
    %dma_start3A_285 = tpu.memref_slice %arg7[%dma_start3A_282, %dma_start3A_283, %dma_start3A_284] : memref<4x64x128xf32, #tpu.memory_space<vmem>> -> memref<1x32x128xf32, #tpu.memory_space<vmem>>
    %dma_start3A_286 = tpu.memref_squeeze %dma_start3A_285 : memref<1x32x128xf32, #tpu.memory_space<vmem>> -> memref<32x128xf32, #tpu.memory_space<vmem>>
    %dma_start3A_287 = arith.constant 0 : i32
    %dma_start3A_288 = tpu.memref_slice %arg5[%add3A_281, %dma_start3A_287] : memref<8192x128xf32, #tpu.memory_space<hbm>> -> memref<32x128xf32, #tpu.memory_space<hbm>>
    %dma_start3A_289 = arith.constant 0 : i32
    %dma_start3A_290 = tpu.memref_slice %arg5[%add3A_281, %dma_start3A_289] : memref<8192x128xf32, #tpu.memory_space<hbm>> -> memref<32x128xf32, #tpu.memory_space<hbm>>
    %dma_start3A_291 = arith.constant 0 : i32
    %dma_start3A_292 = arith.constant 0 : i32
    %dma_start3A_293 = tpu.memref_slice %arg7[%dma_start3A_282, %dma_start3A_291, %dma_start3A_292] : memref<4x64x128xf32, #tpu.memory_space<vmem>> -> memref<1x32x128xf32, #tpu.memory_space<vmem>>
    %dma_start3A_294 = tpu.memref_squeeze %dma_start3A_293 : memref<1x32x128xf32, #tpu.memory_space<vmem>> -> memref<32x128xf32, #tpu.memory_space<vmem>>
    tpu.enqueue_dma source(%dma_start3A_294 : memref<32x128xf32, #tpu.memory_space<vmem>>) target(%dma_start3A_290 : memref<32x128xf32, #tpu.memory_space<hbm>>) target_semaphore(%arg19 : memref<!tpu.dma_semaphore, #tpu.memory_space<semaphore_mem>>)
    %add3A_295 = arith.constant 6144 : i32
    %add3A_296 = arith.addi %add3A_295, %mul3A_2 : i32
    %add3A_297 = arith.constant 0 : i32
    %add3A_298 = arith.addi %add3A_296, %add3A_297 : i32
    %dma_start3A_299 = arith.constant 3 : i32
    %dma_start3A_300 = arith.constant 0 : i32
    %dma_start3A_301 = arith.constant 0 : i32
    %dma_start3A_302 = tpu.memref_slice %arg7[%dma_start3A_299, %dma_start3A_300, %dma_start3A_301] : memref<4x64x128xf32, #tpu.memory_space<vmem>> -> memref<1x32x128xf32, #tpu.memory_space<vmem>>
    %dma_start3A_303 = tpu.memref_squeeze %dma_start3A_302 : memref<1x32x128xf32, #tpu.memory_space<vmem>> -> memref<32x128xf32, #tpu.memory_space<vmem>>
    %dma_start3A_304 = arith.constant 0 : i32
    %dma_start3A_305 = tpu.memref_slice %arg5[%add3A_298, %dma_start3A_304] : memref<8192x128xf32, #tpu.memory_space<hbm>> -> memref<32x128xf32, #tpu.memory_space<hbm>>
    %dma_start3A_306 = arith.constant 0 : i32
    %dma_start3A_307 = tpu.memref_slice %arg5[%add3A_298, %dma_start3A_306] : memref<8192x128xf32, #tpu.memory_space<hbm>> -> memref<32x128xf32, #tpu.memory_space<hbm>>
    %dma_start3A_308 = arith.constant 0 : i32
    %dma_start3A_309 = arith.constant 0 : i32
    %dma_start3A_310 = tpu.memref_slice %arg7[%dma_start3A_299, %dma_start3A_308, %dma_start3A_309] : memref<4x64x128xf32, #tpu.memory_space<vmem>> -> memref<1x32x128xf32, #tpu.memory_space<vmem>>
    %dma_start3A_311 = tpu.memref_squeeze %dma_start3A_310 : memref<1x32x128xf32, #tpu.memory_space<vmem>> -> memref<32x128xf32, #tpu.memory_space<vmem>>
    tpu.enqueue_dma source(%dma_start3A_311 : memref<32x128xf32, #tpu.memory_space<vmem>>) target(%dma_start3A_307 : memref<32x128xf32, #tpu.memory_space<hbm>>) target_semaphore(%arg19 : memref<!tpu.dma_semaphore, #tpu.memory_space<semaphore_mem>>)
    %dma_wait3A_312 = arith.constant 0 : i32
    %dma_wait3A_313 = arith.constant 0 : i32
    %dma_wait3A_314 = arith.constant 32 : i32
    %dma_wait3A_315 = arith.constant 0 : i32
    %dma_wait3A_316 = tpu.memref_slice %arg7[%dma_wait3A_313, %dma_wait3A_314, %dma_wait3A_315] : memref<4x64x128xf32, #tpu.memory_space<vmem>> -> memref<1x32x128xf32, #tpu.memory_space<vmem>>
    %dma_wait3A_317 = tpu.memref_squeeze %dma_wait3A_316 : memref<1x32x128xf32, #tpu.memory_space<vmem>> -> memref<32x128xf32, #tpu.memory_space<vmem>>
    %dma_wait3A_318 = arith.constant 32 : i32
    %dma_wait3A_319 = tpu.memref_slice %arg6[%dma_wait3A_312, %dma_wait3A_318] : memref<4x64xi32, #tpu.memory_space<vmem>> -> memref<1x32xi32, #tpu.memory_space<vmem>>
    %dma_wait3A_320 = tpu.memref_squeeze %dma_wait3A_319 : memref<1x32xi32, #tpu.memory_space<vmem>> -> memref<32xi32, #tpu.memory_space<vmem>>
    %dma_wait3A_321 = arith.constant 0 : i32
    %dma_wait3A_322 = arith.constant 0 : i32
    %dma_wait3A_323 = tpu.memref_slice %arg3[%dma_wait3A_321, %dma_wait3A_322] : memref<1000000x128xf32, #tpu.memory_space<hbm>> -> memref<1000000x128xf32, #tpu.memory_space<hbm>>
    tpu.wait_indirect_dma semaphore(%arg12 : memref<!tpu.dma_semaphore, #tpu.memory_space<semaphore_mem>>) src(%dma_wait3A_323 : memref<1000000x128xf32, #tpu.memory_space<hbm>>) dst(%dma_wait3A_317 : memref<32x128xf32, #tpu.memory_space<vmem>>)
    %dma_wait3A_324 = arith.constant 1 : i32
    %dma_wait3A_325 = arith.constant 1 : i32
    %dma_wait3A_326 = arith.constant 32 : i32
    %dma_wait3A_327 = arith.constant 0 : i32
    %dma_wait3A_328 = tpu.memref_slice %arg7[%dma_wait3A_325, %dma_wait3A_326, %dma_wait3A_327] : memref<4x64x128xf32, #tpu.memory_space<vmem>> -> memref<1x32x128xf32, #tpu.memory_space<vmem>>
    %dma_wait3A_329 = tpu.memref_squeeze %dma_wait3A_328 : memref<1x32x128xf32, #tpu.memory_space<vmem>> -> memref<32x128xf32, #tpu.memory_space<vmem>>
    %dma_wait3A_330 = arith.constant 32 : i32
    %dma_wait3A_331 = tpu.memref_slice %arg6[%dma_wait3A_324, %dma_wait3A_330] : memref<4x64xi32, #tpu.memory_space<vmem>> -> memref<1x32xi32, #tpu.memory_space<vmem>>
    %dma_wait3A_332 = tpu.memref_squeeze %dma_wait3A_331 : memref<1x32xi32, #tpu.memory_space<vmem>> -> memref<32xi32, #tpu.memory_space<vmem>>
    %dma_wait3A_333 = arith.constant 0 : i32
    %dma_wait3A_334 = arith.constant 0 : i32
    %dma_wait3A_335 = tpu.memref_slice %arg3[%dma_wait3A_333, %dma_wait3A_334] : memref<1000000x128xf32, #tpu.memory_space<hbm>> -> memref<1000000x128xf32, #tpu.memory_space<hbm>>
    tpu.wait_indirect_dma semaphore(%arg14 : memref<!tpu.dma_semaphore, #tpu.memory_space<semaphore_mem>>) src(%dma_wait3A_335 : memref<1000000x128xf32, #tpu.memory_space<hbm>>) dst(%dma_wait3A_329 : memref<32x128xf32, #tpu.memory_space<vmem>>)
    %scan3A_336 = arith.constant 0 : i32
    %scan3A_337 = arith.constant 0 : i32
    %scan3A_338 = arith.constant 32 : i32
    %scan3A_339 = arith.addi %scan3A_337, %scan3A_338 : i32
    %scan3A_340 = arith.constant 1 : i32
    scf.for %scan3A_544 = %scan3A_337 to %scan3A_339 step %scan3A_340  : i32 {
      %add3A_545 = arith.constant 32 : i32
      %add3A_546 = arith.addi %scan3A_544, %add3A_545 : i32
      %get3A = arith.index_cast %add3A_546 : i32 to index
      %get3A_547 = arith.constant 0 : index
      %get3A_548 = tpu.vector_load %arg8[%get3A, %get3A_547] {strides = array<i32>} : memref<64x128xf32, #tpu.memory_space<vmem>>, vector<1x16xf32>,
      %get3A_549 = vector.shape_cast %get3A_548 : vector<1x16xf32> to vector<16xf32>
      %get3A_550 = arith.constant 0 : i32
      %get3A_551 = arith.index_cast %get3A_550 : i32 to index
      %get3A_552 = arith.index_cast %add3A_546 : i32 to index
      %get3A_553 = arith.constant 0 : index
      %get3A_554 = tpu.vector_load %arg7[%get3A_551, %get3A_552, %get3A_553] {strides = array<i32>} : memref<4x64x128xf32, #tpu.memory_space<vmem>>, vector<1x1x16xf32>,
      %get3A_555 = vector.shape_cast %get3A_554 : vector<1x1x16xf32> to vector<16xf32>
      %mul3A_556 = arith.constant 11.3137083 : f32
      %mul3A_557 = vector.broadcast %mul3A_556 : f32 to vector<16xf32>
      %mul3A_558 = arith.mulf %get3A_555, %mul3A_557 : vector<16xf32>
      %add3A_559 = arith.addf %mul3A_558, %get3A_549 : vector<16xf32>
      %swap3A = arith.constant 0 : i32
      %swap3A_560 = arith.index_cast %swap3A : i32 to index
      %swap3A_561 = arith.index_cast %add3A_546 : i32 to index
      %swap3A_562 = arith.constant 0 : index
      %swap3A_563 = tpu.vector_load %arg7[%swap3A_560, %swap3A_561, %swap3A_562] {strides = array<i32>} : memref<4x64x128xf32, #tpu.memory_space<vmem>>, vector<1x1x16xf32>,
      %swap3A_564 = vector.shape_cast %swap3A_563 : vector<1x1x16xf32> to vector<16xf32>
      %swap3A_565 = vector.shape_cast %add3A_559 : vector<16xf32> to vector<1x1x16xf32>
      tpu.vector_store %arg7[%swap3A_560, %swap3A_561, %swap3A_562], %swap3A_565 {strides = array<i32>} : memref<4x64x128xf32, #tpu.memory_space<vmem>>, vector<1x1x16xf32>,
      %get3A_566 = arith.constant 1 : i32
      %get3A_567 = arith.index_cast %get3A_566 : i32 to index
      %get3A_568 = arith.index_cast %add3A_546 : i32 to index
      %get3A_569 = arith.constant 0 : index
      %get3A_570 = tpu.vector_load %arg7[%get3A_567, %get3A_568, %get3A_569] {strides = array<i32>} : memref<4x64x128xf32, #tpu.memory_space<vmem>>, vector<1x1x16xf32>,
      %get3A_571 = vector.shape_cast %get3A_570 : vector<1x1x16xf32> to vector<16xf32>
      %mul3A_572 = arith.constant 11.3137083 : f32
      %mul3A_573 = vector.broadcast %mul3A_572 : f32 to vector<16xf32>
      %mul3A_574 = arith.mulf %get3A_571, %mul3A_573 : vector<16xf32>
      %add3A_575 = arith.addf %mul3A_574, %get3A_549 : vector<16xf32>
      %swap3A_576 = arith.constant 1 : i32
      %swap3A_577 = arith.index_cast %swap3A_576 : i32 to index
      %swap3A_578 = arith.index_cast %add3A_546 : i32 to index
      %swap3A_579 = arith.constant 0 : index
      %swap3A_580 = tpu.vector_load %arg7[%swap3A_577, %swap3A_578, %swap3A_579] {strides = array<i32>} : memref<4x64x128xf32, #tpu.memory_space<vmem>>, vector<1x1x16xf32>,
      %swap3A_581 = vector.shape_cast %swap3A_580 : vector<1x1x16xf32> to vector<16xf32>
      %swap3A_582 = vector.shape_cast %add3A_575 : vector<16xf32> to vector<1x1x16xf32>
      tpu.vector_store %arg7[%swap3A_577, %swap3A_578, %swap3A_579], %swap3A_582 {strides = array<i32>} : memref<4x64x128xf32, #tpu.memory_space<vmem>>, vector<1x1x16xf32>,
      %get3A_583 = arith.index_cast %add3A_546 : i32 to index
      %get3A_584 = arith.constant 16 : index
      %get3A_585 = tpu.vector_load %arg8[%get3A_583, %get3A_584] {strides = array<i32>} : memref<64x128xf32, #tpu.memory_space<vmem>>, vector<1x16xf32>,
      %get3A_586 = vector.shape_cast %get3A_585 : vector<1x16xf32> to vector<16xf32>
      %get3A_587 = arith.constant 0 : i32
      %get3A_588 = arith.index_cast %get3A_587 : i32 to index
      %get3A_589 = arith.index_cast %add3A_546 : i32 to index
      %get3A_590 = arith.constant 16 : index
      %get3A_591 = tpu.vector_load %arg7[%get3A_588, %get3A_589, %get3A_590] {strides = array<i32>} : memref<4x64x128xf32, #tpu.memory_space<vmem>>, vector<1x1x16xf32>,
      %get3A_592 = vector.shape_cast %get3A_591 : vector<1x1x16xf32> to vector<16xf32>
      %mul3A_593 = arith.constant 11.3137083 : f32
      %mul3A_594 = vector.broadcast %mul3A_593 : f32 to vector<16xf32>
      %mul3A_595 = arith.mulf %get3A_592, %mul3A_594 : vector<16xf32>
      %add3A_596 = arith.addf %mul3A_595, %get3A_586 : vector<16xf32>
      %swap3A_597 = arith.constant 0 : i32
      %swap3A_598 = arith.index_cast %swap3A_597 : i32 to index
      %swap3A_599 = arith.index_cast %add3A_546 : i32 to index
      %swap3A_600 = arith.constant 16 : index
      %swap3A_601 = tpu.vector_load %arg7[%swap3A_598, %swap3A_599, %swap3A_600] {strides = array<i32>} : memref<4x64x128xf32, #tpu.memory_space<vmem>>, vector<1x1x16xf32>,
      %swap3A_602 = vector.shape_cast %swap3A_601 : vector<1x1x16xf32> to vector<16xf32>
      %swap3A_603 = vector.shape_cast %add3A_596 : vector<16xf32> to vector<1x1x16xf32>
      tpu.vector_store %arg7[%swap3A_598, %swap3A_599, %swap3A_600], %swap3A_603 {strides = array<i32>} : memref<4x64x128xf32, #tpu.memory_space<vmem>>, vector<1x1x16xf32>,
      %get3A_604 = arith.constant 1 : i32
      %get3A_605 = arith.index_cast %get3A_604 : i32 to index
      %get3A_606 = arith.index_cast %add3A_546 : i32 to index
      %get3A_607 = arith.constant 16 : index
      %get3A_608 = tpu.vector_load %arg7[%get3A_605, %get3A_606, %get3A_607] {strides = array<i32>} : memref<4x64x128xf32, #tpu.memory_space<vmem>>, vector<1x1x16xf32>,
      %get3A_609 = vector.shape_cast %get3A_608 : vector<1x1x16xf32> to vector<16xf32>
      %mul3A_610 = arith.constant 11.3137083 : f32
      %mul3A_611 = vector.broadcast %mul3A_610 : f32 to vector<16xf32>
      %mul3A_612 = arith.mulf %get3A_609, %mul3A_611 : vector<16xf32>
      %add3A_613 = arith.addf %mul3A_612, %get3A_586 : vector<16xf32>
      %swap3A_614 = arith.constant 1 : i32
      %swap3A_615 = arith.index_cast %swap3A_614 : i32 to index
      %swap3A_616 = arith.index_cast %add3A_546 : i32 to index
      %swap3A_617 = arith.constant 16 : index
      %swap3A_618 = tpu.vector_load %arg7[%swap3A_615, %swap3A_616, %swap3A_617] {strides = array<i32>} : memref<4x64x128xf32, #tpu.memory_space<vmem>>, vector<1x1x16xf32>,
      %swap3A_619 = vector.shape_cast %swap3A_618 : vector<1x1x16xf32> to vector<16xf32>
      %swap3A_620 = vector.shape_cast %add3A_613 : vector<16xf32> to vector<1x1x16xf32>
      tpu.vector_store %arg7[%swap3A_615, %swap3A_616, %swap3A_617], %swap3A_620 {strides = array<i32>} : memref<4x64x128xf32, #tpu.memory_space<vmem>>, vector<1x1x16xf32>,
      %get3A_621 = arith.index_cast %add3A_546 : i32 to index
      %get3A_622 = arith.constant 32 : index
      %get3A_623 = tpu.vector_load %arg8[%get3A_621, %get3A_622] {strides = array<i32>} : memref<64x128xf32, #tpu.memory_space<vmem>>, vector<1x16xf32>,
      %get3A_624 = vector.shape_cast %get3A_623 : vector<1x16xf32> to vector<16xf32>
      %get3A_625 = arith.constant 0 : i32
      %get3A_626 = arith.index_cast %get3A_625 : i32 to index
      %get3A_627 = arith.index_cast %add3A_546 : i32 to index
      %get3A_628 = arith.constant 32 : index
      %get3A_629 = tpu.vector_load %arg7[%get3A_626, %get3A_627, %get3A_628] {strides = array<i32>} : memref<4x64x128xf32, #tpu.memory_space<vmem>>, vector<1x1x16xf32>,
      %get3A_630 = vector.shape_cast %get3A_629 : vector<1x1x16xf32> to vector<16xf32>
      %mul3A_631 = arith.constant 11.3137083 : f32
      %mul3A_632 = vector.broadcast %mul3A_631 : f32 to vector<16xf32>
      %mul3A_633 = arith.mulf %get3A_630, %mul3A_632 : vector<16xf32>
      %add3A_634 = arith.addf %mul3A_633, %get3A_624 : vector<16xf32>
      %swap3A_635 = arith.constant 0 : i32
      %swap3A_636 = arith.index_cast %swap3A_635 : i32 to index
      %swap3A_637 = arith.index_cast %add3A_546 : i32 to index
      %swap3A_638 = arith.constant 32 : index
      %swap3A_639 = tpu.vector_load %arg7[%swap3A_636, %swap3A_637, %swap3A_638] {strides = array<i32>} : memref<4x64x128xf32, #tpu.memory_space<vmem>>, vector<1x1x16xf32>,
      %swap3A_640 = vector.shape_cast %swap3A_639 : vector<1x1x16xf32> to vector<16xf32>
      %swap3A_641 = vector.shape_cast %add3A_634 : vector<16xf32> to vector<1x1x16xf32>
      tpu.vector_store %arg7[%swap3A_636, %swap3A_637, %swap3A_638], %swap3A_641 {strides = array<i32>} : memref<4x64x128xf32, #tpu.memory_space<vmem>>, vector<1x1x16xf32>,
      %get3A_642 = arith.constant 1 : i32
      %get3A_643 = arith.index_cast %get3A_642 : i32 to index
      %get3A_644 = arith.index_cast %add3A_546 : i32 to index
      %get3A_645 = arith.constant 32 : index
      %get3A_646 = tpu.vector_load %arg7[%get3A_643, %get3A_644, %get3A_645] {strides = array<i32>} : memref<4x64x128xf32, #tpu.memory_space<vmem>>, vector<1x1x16xf32>,
      %get3A_647 = vector.shape_cast %get3A_646 : vector<1x1x16xf32> to vector<16xf32>
      %mul3A_648 = arith.constant 11.3137083 : f32
      %mul3A_649 = vector.broadcast %mul3A_648 : f32 to vector<16xf32>
      %mul3A_650 = arith.mulf %get3A_647, %mul3A_649 : vector<16xf32>
      %add3A_651 = arith.addf %mul3A_650, %get3A_624 : vector<16xf32>
      %swap3A_652 = arith.constant 1 : i32
      %swap3A_653 = arith.index_cast %swap3A_652 : i32 to index
      %swap3A_654 = arith.index_cast %add3A_546 : i32 to index
      %swap3A_655 = arith.constant 32 : index
      %swap3A_656 = tpu.vector_load %arg7[%swap3A_653, %swap3A_654, %swap3A_655] {strides = array<i32>} : memref<4x64x128xf32, #tpu.memory_space<vmem>>, vector<1x1x16xf32>,
      %swap3A_657 = vector.shape_cast %swap3A_656 : vector<1x1x16xf32> to vector<16xf32>
      %swap3A_658 = vector.shape_cast %add3A_651 : vector<16xf32> to vector<1x1x16xf32>
      tpu.vector_store %arg7[%swap3A_653, %swap3A_654, %swap3A_655], %swap3A_658 {strides = array<i32>} : memref<4x64x128xf32, #tpu.memory_space<vmem>>, vector<1x1x16xf32>,
      %get3A_659 = arith.index_cast %add3A_546 : i32 to index
      %get3A_660 = arith.constant 48 : index
      %get3A_661 = tpu.vector_load %arg8[%get3A_659, %get3A_660] {strides = array<i32>} : memref<64x128xf32, #tpu.memory_space<vmem>>, vector<1x16xf32>,
      %get3A_662 = vector.shape_cast %get3A_661 : vector<1x16xf32> to vector<16xf32>
      %get3A_663 = arith.constant 0 : i32
      %get3A_664 = arith.index_cast %get3A_663 : i32 to index
      %get3A_665 = arith.index_cast %add3A_546 : i32 to index
      %get3A_666 = arith.constant 48 : index
      %get3A_667 = tpu.vector_load %arg7[%get3A_664, %get3A_665, %get3A_666] {strides = array<i32>} : memref<4x64x128xf32, #tpu.memory_space<vmem>>, vector<1x1x16xf32>,
      %get3A_668 = vector.shape_cast %get3A_667 : vector<1x1x16xf32> to vector<16xf32>
      %mul3A_669 = arith.constant 11.3137083 : f32
      %mul3A_670 = vector.broadcast %mul3A_669 : f32 to vector<16xf32>
      %mul3A_671 = arith.mulf %get3A_668, %mul3A_670 : vector<16xf32>
      %add3A_672 = arith.addf %mul3A_671, %get3A_662 : vector<16xf32>
      %swap3A_673 = arith.constant 0 : i32
      %swap3A_674 = arith.index_cast %swap3A_673 : i32 to index
      %swap3A_675 = arith.index_cast %add3A_546 : i32 to index
      %swap3A_676 = arith.constant 48 : index
      %swap3A_677 = tpu.vector_load %arg7[%swap3A_674, %swap3A_675, %swap3A_676] {strides = array<i32>} : memref<4x64x128xf32, #tpu.memory_space<vmem>>, vector<1x1x16xf32>,
      %swap3A_678 = vector.shape_cast %swap3A_677 : vector<1x1x16xf32> to vector<16xf32>
      %swap3A_679 = vector.shape_cast %add3A_672 : vector<16xf32> to vector<1x1x16xf32>
      tpu.vector_store %arg7[%swap3A_674, %swap3A_675, %swap3A_676], %swap3A_679 {strides = array<i32>} : memref<4x64x128xf32, #tpu.memory_space<vmem>>, vector<1x1x16xf32>,
      %get3A_680 = arith.constant 1 : i32
      %get3A_681 = arith.index_cast %get3A_680 : i32 to index
      %get3A_682 = arith.index_cast %add3A_546 : i32 to index
      %get3A_683 = arith.constant 48 : index
      %get3A_684 = tpu.vector_load %arg7[%get3A_681, %get3A_682, %get3A_683] {strides = array<i32>} : memref<4x64x128xf32, #tpu.memory_space<vmem>>, vector<1x1x16xf32>,
      %get3A_685 = vector.shape_cast %get3A_684 : vector<1x1x16xf32> to vector<16xf32>
      %mul3A_686 = arith.constant 11.3137083 : f32
      %mul3A_687 = vector.broadcast %mul3A_686 : f32 to vector<16xf32>
      %mul3A_688 = arith.mulf %get3A_685, %mul3A_687 : vector<16xf32>
      %add3A_689 = arith.addf %mul3A_688, %get3A_662 : vector<16xf32>
      %swap3A_690 = arith.constant 1 : i32
      %swap3A_691 = arith.index_cast %swap3A_690 : i32 to index
      %swap3A_692 = arith.index_cast %add3A_546 : i32 to index
      %swap3A_693 = arith.constant 48 : index
      %swap3A_694 = tpu.vector_load %arg7[%swap3A_691, %swap3A_692, %swap3A_693] {strides = array<i32>} : memref<4x64x128xf32, #tpu.memory_space<vmem>>, vector<1x1x16xf32>,
      %swap3A_695 = vector.shape_cast %swap3A_694 : vector<1x1x16xf32> to vector<16xf32>
      %swap3A_696 = vector.shape_cast %add3A_689 : vector<16xf32> to vector<1x1x16xf32>
      tpu.vector_store %arg7[%swap3A_691, %swap3A_692, %swap3A_693], %swap3A_696 {strides = array<i32>} : memref<4x64x128xf32, #tpu.memory_space<vmem>>, vector<1x1x16xf32>,
      %get3A_697 = arith.index_cast %add3A_546 : i32 to index
      %get3A_698 = arith.constant 64 : index
      %get3A_699 = tpu.vector_load %arg8[%get3A_697, %get3A_698] {strides = array<i32>} : memref<64x128xf32, #tpu.memory_space<vmem>>, vector<1x16xf32>,
      %get3A_700 = vector.shape_cast %get3A_699 : vector<1x16xf32> to vector<16xf32>
      %get3A_701 = arith.constant 0 : i32
      %get3A_702 = arith.index_cast %get3A_701 : i32 to index
      %get3A_703 = arith.index_cast %add3A_546 : i32 to index
      %get3A_704 = arith.constant 64 : index
      %get3A_705 = tpu.vector_load %arg7[%get3A_702, %get3A_703, %get3A_704] {strides = array<i32>} : memref<4x64x128xf32, #tpu.memory_space<vmem>>, vector<1x1x16xf32>,
      %get3A_706 = vector.shape_cast %get3A_705 : vector<1x1x16xf32> to vector<16xf32>
      %mul3A_707 = arith.constant 11.3137083 : f32
      %mul3A_708 = vector.broadcast %mul3A_707 : f32 to vector<16xf32>
      %mul3A_709 = arith.mulf %get3A_706, %mul3A_708 : vector<16xf32>
      %add3A_710 = arith.addf %mul3A_709, %get3A_700 : vector<16xf32>
      %swap3A_711 = arith.constant 0 : i32
      %swap3A_712 = arith.index_cast %swap3A_711 : i32 to index
      %swap3A_713 = arith.index_cast %add3A_546 : i32 to index
      %swap3A_714 = arith.constant 64 : index
      %swap3A_715 = tpu.vector_load %arg7[%swap3A_712, %swap3A_713, %swap3A_714] {strides = array<i32>} : memref<4x64x128xf32, #tpu.memory_space<vmem>>, vector<1x1x16xf32>,
      %swap3A_716 = vector.shape_cast %swap3A_715 : vector<1x1x16xf32> to vector<16xf32>
      %swap3A_717 = vector.shape_cast %add3A_710 : vector<16xf32> to vector<1x1x16xf32>
      tpu.vector_store %arg7[%swap3A_712, %swap3A_713, %swap3A_714], %swap3A_717 {strides = array<i32>} : memref<4x64x128xf32, #tpu.memory_space<vmem>>, vector<1x1x16xf32>,
      %get3A_718 = arith.constant 1 : i32
      %get3A_719 = arith.index_cast %get3A_718 : i32 to index
      %get3A_720 = arith.index_cast %add3A_546 : i32 to index
      %get3A_721 = arith.constant 64 : index
      %get3A_722 = tpu.vector_load %arg7[%get3A_719, %get3A_720, %get3A_721] {strides = array<i32>} : memref<4x64x128xf32, #tpu.memory_space<vmem>>, vector<1x1x16xf32>,
      %get3A_723 = vector.shape_cast %get3A_722 : vector<1x1x16xf32> to vector<16xf32>
      %mul3A_724 = arith.constant 11.3137083 : f32
      %mul3A_725 = vector.broadcast %mul3A_724 : f32 to vector<16xf32>
      %mul3A_726 = arith.mulf %get3A_723, %mul3A_725 : vector<16xf32>
      %add3A_727 = arith.addf %mul3A_726, %get3A_700 : vector<16xf32>
      %swap3A_728 = arith.constant 1 : i32
      %swap3A_729 = arith.index_cast %swap3A_728 : i32 to index
      %swap3A_730 = arith.index_cast %add3A_546 : i32 to index
      %swap3A_731 = arith.constant 64 : index
      %swap3A_732 = tpu.vector_load %arg7[%swap3A_729, %swap3A_730, %swap3A_731] {strides = array<i32>} : memref<4x64x128xf32, #tpu.memory_space<vmem>>, vector<1x1x16xf32>,
      %swap3A_733 = vector.shape_cast %swap3A_732 : vector<1x1x16xf32> to vector<16xf32>
      %swap3A_734 = vector.shape_cast %add3A_727 : vector<16xf32> to vector<1x1x16xf32>
      tpu.vector_store %arg7[%swap3A_729, %swap3A_730, %swap3A_731], %swap3A_734 {strides = array<i32>} : memref<4x64x128xf32, #tpu.memory_space<vmem>>, vector<1x1x16xf32>,
      %get3A_735 = arith.index_cast %add3A_546 : i32 to index
      %get3A_736 = arith.constant 80 : index
      %get3A_737 = tpu.vector_load %arg8[%get3A_735, %get3A_736] {strides = array<i32>} : memref<64x128xf32, #tpu.memory_space<vmem>>, vector<1x16xf32>,
      %get3A_738 = vector.shape_cast %get3A_737 : vector<1x16xf32> to vector<16xf32>
      %get3A_739 = arith.constant 0 : i32
      %get3A_740 = arith.index_cast %get3A_739 : i32 to index
      %get3A_741 = arith.index_cast %add3A_546 : i32 to index
      %get3A_742 = arith.constant 80 : index
      %get3A_743 = tpu.vector_load %arg7[%get3A_740, %get3A_741, %get3A_742] {strides = array<i32>} : memref<4x64x128xf32, #tpu.memory_space<vmem>>, vector<1x1x16xf32>,
      %get3A_744 = vector.shape_cast %get3A_743 : vector<1x1x16xf32> to vector<16xf32>
      %mul3A_745 = arith.constant 11.3137083 : f32
      %mul3A_746 = vector.broadcast %mul3A_745 : f32 to vector<16xf32>
      %mul3A_747 = arith.mulf %get3A_744, %mul3A_746 : vector<16xf32>
      %add3A_748 = arith.addf %mul3A_747, %get3A_738 : vector<16xf32>
      %swap3A_749 = arith.constant 0 : i32
      %swap3A_750 = arith.index_cast %swap3A_749 : i32 to index
      %swap3A_751 = arith.index_cast %add3A_546 : i32 to index
      %swap3A_752 = arith.constant 80 : index
      %swap3A_753 = tpu.vector_load %arg7[%swap3A_750, %swap3A_751, %swap3A_752] {strides = array<i32>} : memref<4x64x128xf32, #tpu.memory_space<vmem>>, vector<1x1x16xf32>,
      %swap3A_754 = vector.shape_cast %swap3A_753 : vector<1x1x16xf32> to vector<16xf32>
      %swap3A_755 = vector.shape_cast %add3A_748 : vector<16xf32> to vector<1x1x16xf32>
      tpu.vector_store %arg7[%swap3A_750, %swap3A_751, %swap3A_752], %swap3A_755 {strides = array<i32>} : memref<4x64x128xf32, #tpu.memory_space<vmem>>, vector<1x1x16xf32>,
      %get3A_756 = arith.constant 1 : i32
      %get3A_757 = arith.index_cast %get3A_756 : i32 to index
      %get3A_758 = arith.index_cast %add3A_546 : i32 to index
      %get3A_759 = arith.constant 80 : index
      %get3A_760 = tpu.vector_load %arg7[%get3A_757, %get3A_758, %get3A_759] {strides = array<i32>} : memref<4x64x128xf32, #tpu.memory_space<vmem>>, vector<1x1x16xf32>,
      %get3A_761 = vector.shape_cast %get3A_760 : vector<1x1x16xf32> to vector<16xf32>
      %mul3A_762 = arith.constant 11.3137083 : f32
      %mul3A_763 = vector.broadcast %mul3A_762 : f32 to vector<16xf32>
      %mul3A_764 = arith.mulf %get3A_761, %mul3A_763 : vector<16xf32>
      %add3A_765 = arith.addf %mul3A_764, %get3A_738 : vector<16xf32>
      %swap3A_766 = arith.constant 1 : i32
      %swap3A_767 = arith.index_cast %swap3A_766 : i32 to index
      %swap3A_768 = arith.index_cast %add3A_546 : i32 to index
      %swap3A_769 = arith.constant 80 : index
      %swap3A_770 = tpu.vector_load %arg7[%swap3A_767, %swap3A_768, %swap3A_769] {strides = array<i32>} : memref<4x64x128xf32, #tpu.memory_space<vmem>>, vector<1x1x16xf32>,
      %swap3A_771 = vector.shape_cast %swap3A_770 : vector<1x1x16xf32> to vector<16xf32>
      %swap3A_772 = vector.shape_cast %add3A_765 : vector<16xf32> to vector<1x1x16xf32>
      tpu.vector_store %arg7[%swap3A_767, %swap3A_768, %swap3A_769], %swap3A_772 {strides = array<i32>} : memref<4x64x128xf32, #tpu.memory_space<vmem>>, vector<1x1x16xf32>,
      %get3A_773 = arith.index_cast %add3A_546 : i32 to index
      %get3A_774 = arith.constant 96 : index
      %get3A_775 = tpu.vector_load %arg8[%get3A_773, %get3A_774] {strides = array<i32>} : memref<64x128xf32, #tpu.memory_space<vmem>>, vector<1x16xf32>,
      %get3A_776 = vector.shape_cast %get3A_775 : vector<1x16xf32> to vector<16xf32>
      %get3A_777 = arith.constant 0 : i32
      %get3A_778 = arith.index_cast %get3A_777 : i32 to index
      %get3A_779 = arith.index_cast %add3A_546 : i32 to index
      %get3A_780 = arith.constant 96 : index
      %get3A_781 = tpu.vector_load %arg7[%get3A_778, %get3A_779, %get3A_780] {strides = array<i32>} : memref<4x64x128xf32, #tpu.memory_space<vmem>>, vector<1x1x16xf32>,
      %get3A_782 = vector.shape_cast %get3A_781 : vector<1x1x16xf32> to vector<16xf32>
      %mul3A_783 = arith.constant 11.3137083 : f32
      %mul3A_784 = vector.broadcast %mul3A_783 : f32 to vector<16xf32>
      %mul3A_785 = arith.mulf %get3A_782, %mul3A_784 : vector<16xf32>
      %add3A_786 = arith.addf %mul3A_785, %get3A_776 : vector<16xf32>
      %swap3A_787 = arith.constant 0 : i32
      %swap3A_788 = arith.index_cast %swap3A_787 : i32 to index
      %swap3A_789 = arith.index_cast %add3A_546 : i32 to index
      %swap3A_790 = arith.constant 96 : index
      %swap3A_791 = tpu.vector_load %arg7[%swap3A_788, %swap3A_789, %swap3A_790] {strides = array<i32>} : memref<4x64x128xf32, #tpu.memory_space<vmem>>, vector<1x1x16xf32>,
      %swap3A_792 = vector.shape_cast %swap3A_791 : vector<1x1x16xf32> to vector<16xf32>
      %swap3A_793 = vector.shape_cast %add3A_786 : vector<16xf32> to vector<1x1x16xf32>
      tpu.vector_store %arg7[%swap3A_788, %swap3A_789, %swap3A_790], %swap3A_793 {strides = array<i32>} : memref<4x64x128xf32, #tpu.memory_space<vmem>>, vector<1x1x16xf32>,
      %get3A_794 = arith.constant 1 : i32
      %get3A_795 = arith.index_cast %get3A_794 : i32 to index
      %get3A_796 = arith.index_cast %add3A_546 : i32 to index
      %get3A_797 = arith.constant 96 : index
      %get3A_798 = tpu.vector_load %arg7[%get3A_795, %get3A_796, %get3A_797] {strides = array<i32>} : memref<4x64x128xf32, #tpu.memory_space<vmem>>, vector<1x1x16xf32>,
      %get3A_799 = vector.shape_cast %get3A_798 : vector<1x1x16xf32> to vector<16xf32>
      %mul3A_800 = arith.constant 11.3137083 : f32
      %mul3A_801 = vector.broadcast %mul3A_800 : f32 to vector<16xf32>
      %mul3A_802 = arith.mulf %get3A_799, %mul3A_801 : vector<16xf32>
      %add3A_803 = arith.addf %mul3A_802, %get3A_776 : vector<16xf32>
      %swap3A_804 = arith.constant 1 : i32
      %swap3A_805 = arith.index_cast %swap3A_804 : i32 to index
      %swap3A_806 = arith.index_cast %add3A_546 : i32 to index
      %swap3A_807 = arith.constant 96 : index
      %swap3A_808 = tpu.vector_load %arg7[%swap3A_805, %swap3A_806, %swap3A_807] {strides = array<i32>} : memref<4x64x128xf32, #tpu.memory_space<vmem>>, vector<1x1x16xf32>,
      %swap3A_809 = vector.shape_cast %swap3A_808 : vector<1x1x16xf32> to vector<16xf32>
      %swap3A_810 = vector.shape_cast %add3A_803 : vector<16xf32> to vector<1x1x16xf32>
      tpu.vector_store %arg7[%swap3A_805, %swap3A_806, %swap3A_807], %swap3A_810 {strides = array<i32>} : memref<4x64x128xf32, #tpu.memory_space<vmem>>, vector<1x1x16xf32>,
      %get3A_811 = arith.index_cast %add3A_546 : i32 to index
      %get3A_812 = arith.constant 112 : index
      %get3A_813 = tpu.vector_load %arg8[%get3A_811, %get3A_812] {strides = array<i32>} : memref<64x128xf32, #tpu.memory_space<vmem>>, vector<1x16xf32>,
      %get3A_814 = vector.shape_cast %get3A_813 : vector<1x16xf32> to vector<16xf32>
      %get3A_815 = arith.constant 0 : i32
      %get3A_816 = arith.index_cast %get3A_815 : i32 to index
      %get3A_817 = arith.index_cast %add3A_546 : i32 to index
      %get3A_818 = arith.constant 112 : index
      %get3A_819 = tpu.vector_load %arg7[%get3A_816, %get3A_817, %get3A_818] {strides = array<i32>} : memref<4x64x128xf32, #tpu.memory_space<vmem>>, vector<1x1x16xf32>,
      %get3A_820 = vector.shape_cast %get3A_819 : vector<1x1x16xf32> to vector<16xf32>
      %mul3A_821 = arith.constant 11.3137083 : f32
      %mul3A_822 = vector.broadcast %mul3A_821 : f32 to vector<16xf32>
      %mul3A_823 = arith.mulf %get3A_820, %mul3A_822 : vector<16xf32>
      %add3A_824 = arith.addf %mul3A_823, %get3A_814 : vector<16xf32>
      %swap3A_825 = arith.constant 0 : i32
      %swap3A_826 = arith.index_cast %swap3A_825 : i32 to index
      %swap3A_827 = arith.index_cast %add3A_546 : i32 to index
      %swap3A_828 = arith.constant 112 : index
      %swap3A_829 = tpu.vector_load %arg7[%swap3A_826, %swap3A_827, %swap3A_828] {strides = array<i32>} : memref<4x64x128xf32, #tpu.memory_space<vmem>>, vector<1x1x16xf32>,
      %swap3A_830 = vector.shape_cast %swap3A_829 : vector<1x1x16xf32> to vector<16xf32>
      %swap3A_831 = vector.shape_cast %add3A_824 : vector<16xf32> to vector<1x1x16xf32>
      tpu.vector_store %arg7[%swap3A_826, %swap3A_827, %swap3A_828], %swap3A_831 {strides = array<i32>} : memref<4x64x128xf32, #tpu.memory_space<vmem>>, vector<1x1x16xf32>,
      %get3A_832 = arith.constant 1 : i32
      %get3A_833 = arith.index_cast %get3A_832 : i32 to index
      %get3A_834 = arith.index_cast %add3A_546 : i32 to index
      %get3A_835 = arith.constant 112 : index
      %get3A_836 = tpu.vector_load %arg7[%get3A_833, %get3A_834, %get3A_835] {strides = array<i32>} : memref<4x64x128xf32, #tpu.memory_space<vmem>>, vector<1x1x16xf32>,
      %get3A_837 = vector.shape_cast %get3A_836 : vector<1x1x16xf32> to vector<16xf32>
      %mul3A_838 = arith.constant 11.3137083 : f32
      %mul3A_839 = vector.broadcast %mul3A_838 : f32 to vector<16xf32>
      %mul3A_840 = arith.mulf %get3A_837, %mul3A_839 : vector<16xf32>
      %add3A_841 = arith.addf %mul3A_840, %get3A_814 : vector<16xf32>
      %swap3A_842 = arith.constant 1 : i32
      %swap3A_843 = arith.index_cast %swap3A_842 : i32 to index
      %swap3A_844 = arith.index_cast %add3A_546 : i32 to index
      %swap3A_845 = arith.constant 112 : index
      %swap3A_846 = tpu.vector_load %arg7[%swap3A_843, %swap3A_844, %swap3A_845] {strides = array<i32>} : memref<4x64x128xf32, #tpu.memory_space<vmem>>, vector<1x1x16xf32>,
      %swap3A_847 = vector.shape_cast %swap3A_846 : vector<1x1x16xf32> to vector<16xf32>
      %swap3A_848 = vector.shape_cast %add3A_841 : vector<16xf32> to vector<1x1x16xf32>
      tpu.vector_store %arg7[%swap3A_843, %swap3A_844, %swap3A_845], %swap3A_848 {strides = array<i32>} : memref<4x64x128xf32, #tpu.memory_space<vmem>>, vector<1x1x16xf32>,
    }
    %scan3A_341 = arith.constant 32 : i32
    %add3A_342 = arith.constant 0 : i32
    %add3A_343 = arith.addi %add3A_342, %mul3A_2 : i32
    %add3A_344 = arith.constant 32 : i32
    %add3A_345 = arith.addi %add3A_343, %add3A_344 : i32
    %dma_start3A_346 = arith.constant 0 : i32
    %dma_start3A_347 = arith.constant 32 : i32
    %dma_start3A_348 = arith.constant 0 : i32
    %dma_start3A_349 = tpu.memref_slice %arg7[%dma_start3A_346, %dma_start3A_347, %dma_start3A_348] : memref<4x64x128xf32, #tpu.memory_space<vmem>> -> memref<1x32x128xf32, #tpu.memory_space<vmem>>
    %dma_start3A_350 = tpu.memref_squeeze %dma_start3A_349 : memref<1x32x128xf32, #tpu.memory_space<vmem>> -> memref<32x128xf32, #tpu.memory_space<vmem>>
    %dma_start3A_351 = arith.constant 0 : i32
    %dma_start3A_352 = tpu.memref_slice %arg5[%add3A_345, %dma_start3A_351] : memref<8192x128xf32, #tpu.memory_space<hbm>> -> memref<32x128xf32, #tpu.memory_space<hbm>>
    %dma_start3A_353 = arith.constant 0 : i32
    %dma_start3A_354 = tpu.memref_slice %arg5[%add3A_345, %dma_start3A_353] : memref<8192x128xf32, #tpu.memory_space<hbm>> -> memref<32x128xf32, #tpu.memory_space<hbm>>
    %dma_start3A_355 = arith.constant 32 : i32
    %dma_start3A_356 = arith.constant 0 : i32
    %dma_start3A_357 = tpu.memref_slice %arg7[%dma_start3A_346, %dma_start3A_355, %dma_start3A_356] : memref<4x64x128xf32, #tpu.memory_space<vmem>> -> memref<1x32x128xf32, #tpu.memory_space<vmem>>
    %dma_start3A_358 = tpu.memref_squeeze %dma_start3A_357 : memref<1x32x128xf32, #tpu.memory_space<vmem>> -> memref<32x128xf32, #tpu.memory_space<vmem>>
    tpu.enqueue_dma source(%dma_start3A_358 : memref<32x128xf32, #tpu.memory_space<vmem>>) target(%dma_start3A_354 : memref<32x128xf32, #tpu.memory_space<hbm>>) target_semaphore(%arg19 : memref<!tpu.dma_semaphore, #tpu.memory_space<semaphore_mem>>)
    %add3A_359 = arith.constant 2048 : i32
    %add3A_360 = arith.addi %add3A_359, %mul3A_2 : i32
    %add3A_361 = arith.constant 32 : i32
    %add3A_362 = arith.addi %add3A_360, %add3A_361 : i32
    %dma_start3A_363 = arith.constant 1 : i32
    %dma_start3A_364 = arith.constant 32 : i32
    %dma_start3A_365 = arith.constant 0 : i32
    %dma_start3A_366 = tpu.memref_slice %arg7[%dma_start3A_363, %dma_start3A_364, %dma_start3A_365] : memref<4x64x128xf32, #tpu.memory_space<vmem>> -> memref<1x32x128xf32, #tpu.memory_space<vmem>>
    %dma_start3A_367 = tpu.memref_squeeze %dma_start3A_366 : memref<1x32x128xf32, #tpu.memory_space<vmem>> -> memref<32x128xf32, #tpu.memory_space<vmem>>
    %dma_start3A_368 = arith.constant 0 : i32
    %dma_start3A_369 = tpu.memref_slice %arg5[%add3A_362, %dma_start3A_368] : memref<8192x128xf32, #tpu.memory_space<hbm>> -> memref<32x128xf32, #tpu.memory_space<hbm>>
    %dma_start3A_370 = arith.constant 0 : i32
    %dma_start3A_371 = tpu.memref_slice %arg5[%add3A_362, %dma_start3A_370] : memref<8192x128xf32, #tpu.memory_space<hbm>> -> memref<32x128xf32, #tpu.memory_space<hbm>>
    %dma_start3A_372 = arith.constant 32 : i32
    %dma_start3A_373 = arith.constant 0 : i32
    %dma_start3A_374 = tpu.memref_slice %arg7[%dma_start3A_363, %dma_start3A_372, %dma_start3A_373] : memref<4x64x128xf32, #tpu.memory_space<vmem>> -> memref<1x32x128xf32, #tpu.memory_space<vmem>>
    %dma_start3A_375 = tpu.memref_squeeze %dma_start3A_374 : memref<1x32x128xf32, #tpu.memory_space<vmem>> -> memref<32x128xf32, #tpu.memory_space<vmem>>
    tpu.enqueue_dma source(%dma_start3A_375 : memref<32x128xf32, #tpu.memory_space<vmem>>) target(%dma_start3A_371 : memref<32x128xf32, #tpu.memory_space<hbm>>) target_semaphore(%arg19 : memref<!tpu.dma_semaphore, #tpu.memory_space<semaphore_mem>>)
    %dma_wait3A_376 = arith.constant 2 : i32
    %dma_wait3A_377 = arith.constant 2 : i32
    %dma_wait3A_378 = arith.constant 32 : i32
    %dma_wait3A_379 = arith.constant 0 : i32
    %dma_wait3A_380 = tpu.memref_slice %arg7[%dma_wait3A_377, %dma_wait3A_378, %dma_wait3A_379] : memref<4x64x128xf32, #tpu.memory_space<vmem>> -> memref<1x32x128xf32, #tpu.memory_space<vmem>>
    %dma_wait3A_381 = tpu.memref_squeeze %dma_wait3A_380 : memref<1x32x128xf32, #tpu.memory_space<vmem>> -> memref<32x128xf32, #tpu.memory_space<vmem>>
    %dma_wait3A_382 = arith.constant 32 : i32
    %dma_wait3A_383 = tpu.memref_slice %arg6[%dma_wait3A_376, %dma_wait3A_382] : memref<4x64xi32, #tpu.memory_space<vmem>> -> memref<1x32xi32, #tpu.memory_space<vmem>>
    %dma_wait3A_384 = tpu.memref_squeeze %dma_wait3A_383 : memref<1x32xi32, #tpu.memory_space<vmem>> -> memref<32xi32, #tpu.memory_space<vmem>>
    %dma_wait3A_385 = arith.constant 0 : i32
    %dma_wait3A_386 = arith.constant 0 : i32
    %dma_wait3A_387 = tpu.memref_slice %arg3[%dma_wait3A_385, %dma_wait3A_386] : memref<1000000x128xf32, #tpu.memory_space<hbm>> -> memref<1000000x128xf32, #tpu.memory_space<hbm>>
    tpu.wait_indirect_dma semaphore(%arg16 : memref<!tpu.dma_semaphore, #tpu.memory_space<semaphore_mem>>) src(%dma_wait3A_387 : memref<1000000x128xf32, #tpu.memory_space<hbm>>) dst(%dma_wait3A_381 : memref<32x128xf32, #tpu.memory_space<vmem>>)
    %dma_wait3A_388 = arith.constant 3 : i32
    %dma_wait3A_389 = arith.constant 3 : i32
    %dma_wait3A_390 = arith.constant 32 : i32
    %dma_wait3A_391 = arith.constant 0 : i32
    %dma_wait3A_392 = tpu.memref_slice %arg7[%dma_wait3A_389, %dma_wait3A_390, %dma_wait3A_391] : memref<4x64x128xf32, #tpu.memory_space<vmem>> -> memref<1x32x128xf32, #tpu.memory_space<vmem>>
    %dma_wait3A_393 = tpu.memref_squeeze %dma_wait3A_392 : memref<1x32x128xf32, #tpu.memory_space<vmem>> -> memref<32x128xf32, #tpu.memory_space<vmem>>
    %dma_wait3A_394 = arith.constant 32 : i32
    %dma_wait3A_395 = tpu.memref_slice %arg6[%dma_wait3A_388, %dma_wait3A_394] : memref<4x64xi32, #tpu.memory_space<vmem>> -> memref<1x32xi32, #tpu.memory_space<vmem>>
    %dma_wait3A_396 = tpu.memref_squeeze %dma_wait3A_395 : memref<1x32xi32, #tpu.memory_space<vmem>> -> memref<32xi32, #tpu.memory_space<vmem>>
    %dma_wait3A_397 = arith.constant 0 : i32
    %dma_wait3A_398 = arith.constant 0 : i32
    %dma_wait3A_399 = tpu.memref_slice %arg3[%dma_wait3A_397, %dma_wait3A_398] : memref<1000000x128xf32, #tpu.memory_space<hbm>> -> memref<1000000x128xf32, #tpu.memory_space<hbm>>
    tpu.wait_indirect_dma semaphore(%arg18 : memref<!tpu.dma_semaphore, #tpu.memory_space<semaphore_mem>>) src(%dma_wait3A_399 : memref<1000000x128xf32, #tpu.memory_space<hbm>>) dst(%dma_wait3A_393 : memref<32x128xf32, #tpu.memory_space<vmem>>)
    %scan3A_400 = arith.constant 0 : i32
    %scan3A_401 = arith.constant 0 : i32
    %scan3A_402 = arith.constant 32 : i32
    %scan3A_403 = arith.addi %scan3A_401, %scan3A_402 : i32
    %scan3A_404 = arith.constant 1 : i32
    scf.for %scan3A_544 = %scan3A_401 to %scan3A_403 step %scan3A_404  : i32 {
      %add3A_545 = arith.constant 32 : i32
      %add3A_546 = arith.addi %scan3A_544, %add3A_545 : i32
      %get3A = arith.index_cast %add3A_546 : i32 to index
      %get3A_547 = arith.constant 0 : index
      %get3A_548 = tpu.vector_load %arg8[%get3A, %get3A_547] {strides = array<i32>} : memref<64x128xf32, #tpu.memory_space<vmem>>, vector<1x16xf32>,
      %get3A_549 = vector.shape_cast %get3A_548 : vector<1x16xf32> to vector<16xf32>
      %get3A_550 = arith.constant 2 : i32
      %get3A_551 = arith.index_cast %get3A_550 : i32 to index
      %get3A_552 = arith.index_cast %add3A_546 : i32 to index
      %get3A_553 = arith.constant 0 : index
      %get3A_554 = tpu.vector_load %arg7[%get3A_551, %get3A_552, %get3A_553] {strides = array<i32>} : memref<4x64x128xf32, #tpu.memory_space<vmem>>, vector<1x1x16xf32>,
      %get3A_555 = vector.shape_cast %get3A_554 : vector<1x1x16xf32> to vector<16xf32>
      %mul3A_556 = arith.constant 11.3137083 : f32
      %mul3A_557 = vector.broadcast %mul3A_556 : f32 to vector<16xf32>
      %mul3A_558 = arith.mulf %get3A_555, %mul3A_557 : vector<16xf32>
      %add3A_559 = arith.addf %mul3A_558, %get3A_549 : vector<16xf32>
      %swap3A = arith.constant 2 : i32
      %swap3A_560 = arith.index_cast %swap3A : i32 to index
      %swap3A_561 = arith.index_cast %add3A_546 : i32 to index
      %swap3A_562 = arith.constant 0 : index
      %swap3A_563 = tpu.vector_load %arg7[%swap3A_560, %swap3A_561, %swap3A_562] {strides = array<i32>} : memref<4x64x128xf32, #tpu.memory_space<vmem>>, vector<1x1x16xf32>,
      %swap3A_564 = vector.shape_cast %swap3A_563 : vector<1x1x16xf32> to vector<16xf32>
      %swap3A_565 = vector.shape_cast %add3A_559 : vector<16xf32> to vector<1x1x16xf32>
      tpu.vector_store %arg7[%swap3A_560, %swap3A_561, %swap3A_562], %swap3A_565 {strides = array<i32>} : memref<4x64x128xf32, #tpu.memory_space<vmem>>, vector<1x1x16xf32>,
      %get3A_566 = arith.constant 3 : i32
      %get3A_567 = arith.index_cast %get3A_566 : i32 to index
      %get3A_568 = arith.index_cast %add3A_546 : i32 to index
      %get3A_569 = arith.constant 0 : index
      %get3A_570 = tpu.vector_load %arg7[%get3A_567, %get3A_568, %get3A_569] {strides = array<i32>} : memref<4x64x128xf32, #tpu.memory_space<vmem>>, vector<1x1x16xf32>,
      %get3A_571 = vector.shape_cast %get3A_570 : vector<1x1x16xf32> to vector<16xf32>
      %mul3A_572 = arith.constant 11.3137083 : f32
      %mul3A_573 = vector.broadcast %mul3A_572 : f32 to vector<16xf32>
      %mul3A_574 = arith.mulf %get3A_571, %mul3A_573 : vector<16xf32>
      %add3A_575 = arith.addf %mul3A_574, %get3A_549 : vector<16xf32>
      %swap3A_576 = arith.constant 3 : i32
      %swap3A_577 = arith.index_cast %swap3A_576 : i32 to index
      %swap3A_578 = arith.index_cast %add3A_546 : i32 to index
      %swap3A_579 = arith.constant 0 : index
      %swap3A_580 = tpu.vector_load %arg7[%swap3A_577, %swap3A_578, %swap3A_579] {strides = array<i32>} : memref<4x64x128xf32, #tpu.memory_space<vmem>>, vector<1x1x16xf32>,
      %swap3A_581 = vector.shape_cast %swap3A_580 : vector<1x1x16xf32> to vector<16xf32>
      %swap3A_582 = vector.shape_cast %add3A_575 : vector<16xf32> to vector<1x1x16xf32>
      tpu.vector_store %arg7[%swap3A_577, %swap3A_578, %swap3A_579], %swap3A_582 {strides = array<i32>} : memref<4x64x128xf32, #tpu.memory_space<vmem>>, vector<1x1x16xf32>,
      %get3A_583 = arith.index_cast %add3A_546 : i32 to index
      %get3A_584 = arith.constant 16 : index
      %get3A_585 = tpu.vector_load %arg8[%get3A_583, %get3A_584] {strides = array<i32>} : memref<64x128xf32, #tpu.memory_space<vmem>>, vector<1x16xf32>,
      %get3A_586 = vector.shape_cast %get3A_585 : vector<1x16xf32> to vector<16xf32>
      %get3A_587 = arith.constant 2 : i32
      %get3A_588 = arith.index_cast %get3A_587 : i32 to index
      %get3A_589 = arith.index_cast %add3A_546 : i32 to index
      %get3A_590 = arith.constant 16 : index
      %get3A_591 = tpu.vector_load %arg7[%get3A_588, %get3A_589, %get3A_590] {strides = array<i32>} : memref<4x64x128xf32, #tpu.memory_space<vmem>>, vector<1x1x16xf32>,
      %get3A_592 = vector.shape_cast %get3A_591 : vector<1x1x16xf32> to vector<16xf32>
      %mul3A_593 = arith.constant 11.3137083 : f32
      %mul3A_594 = vector.broadcast %mul3A_593 : f32 to vector<16xf32>
      %mul3A_595 = arith.mulf %get3A_592, %mul3A_594 : vector<16xf32>
      %add3A_596 = arith.addf %mul3A_595, %get3A_586 : vector<16xf32>
      %swap3A_597 = arith.constant 2 : i32
      %swap3A_598 = arith.index_cast %swap3A_597 : i32 to index
      %swap3A_599 = arith.index_cast %add3A_546 : i32 to index
      %swap3A_600 = arith.constant 16 : index
      %swap3A_601 = tpu.vector_load %arg7[%swap3A_598, %swap3A_599, %swap3A_600] {strides = array<i32>} : memref<4x64x128xf32, #tpu.memory_space<vmem>>, vector<1x1x16xf32>,
      %swap3A_602 = vector.shape_cast %swap3A_601 : vector<1x1x16xf32> to vector<16xf32>
      %swap3A_603 = vector.shape_cast %add3A_596 : vector<16xf32> to vector<1x1x16xf32>
      tpu.vector_store %arg7[%swap3A_598, %swap3A_599, %swap3A_600], %swap3A_603 {strides = array<i32>} : memref<4x64x128xf32, #tpu.memory_space<vmem>>, vector<1x1x16xf32>,
      %get3A_604 = arith.constant 3 : i32
      %get3A_605 = arith.index_cast %get3A_604 : i32 to index
      %get3A_606 = arith.index_cast %add3A_546 : i32 to index
      %get3A_607 = arith.constant 16 : index
      %get3A_608 = tpu.vector_load %arg7[%get3A_605, %get3A_606, %get3A_607] {strides = array<i32>} : memref<4x64x128xf32, #tpu.memory_space<vmem>>, vector<1x1x16xf32>,
      %get3A_609 = vector.shape_cast %get3A_608 : vector<1x1x16xf32> to vector<16xf32>
      %mul3A_610 = arith.constant 11.3137083 : f32
      %mul3A_611 = vector.broadcast %mul3A_610 : f32 to vector<16xf32>
      %mul3A_612 = arith.mulf %get3A_609, %mul3A_611 : vector<16xf32>
      %add3A_613 = arith.addf %mul3A_612, %get3A_586 : vector<16xf32>
      %swap3A_614 = arith.constant 3 : i32
      %swap3A_615 = arith.index_cast %swap3A_614 : i32 to index
      %swap3A_616 = arith.index_cast %add3A_546 : i32 to index
      %swap3A_617 = arith.constant 16 : index
      %swap3A_618 = tpu.vector_load %arg7[%swap3A_615, %swap3A_616, %swap3A_617] {strides = array<i32>} : memref<4x64x128xf32, #tpu.memory_space<vmem>>, vector<1x1x16xf32>,
      %swap3A_619 = vector.shape_cast %swap3A_618 : vector<1x1x16xf32> to vector<16xf32>
      %swap3A_620 = vector.shape_cast %add3A_613 : vector<16xf32> to vector<1x1x16xf32>
      tpu.vector_store %arg7[%swap3A_615, %swap3A_616, %swap3A_617], %swap3A_620 {strides = array<i32>} : memref<4x64x128xf32, #tpu.memory_space<vmem>>, vector<1x1x16xf32>,
      %get3A_621 = arith.index_cast %add3A_546 : i32 to index
      %get3A_622 = arith.constant 32 : index
      %get3A_623 = tpu.vector_load %arg8[%get3A_621, %get3A_622] {strides = array<i32>} : memref<64x128xf32, #tpu.memory_space<vmem>>, vector<1x16xf32>,
      %get3A_624 = vector.shape_cast %get3A_623 : vector<1x16xf32> to vector<16xf32>
      %get3A_625 = arith.constant 2 : i32
      %get3A_626 = arith.index_cast %get3A_625 : i32 to index
      %get3A_627 = arith.index_cast %add3A_546 : i32 to index
      %get3A_628 = arith.constant 32 : index
      %get3A_629 = tpu.vector_load %arg7[%get3A_626, %get3A_627, %get3A_628] {strides = array<i32>} : memref<4x64x128xf32, #tpu.memory_space<vmem>>, vector<1x1x16xf32>,
      %get3A_630 = vector.shape_cast %get3A_629 : vector<1x1x16xf32> to vector<16xf32>
      %mul3A_631 = arith.constant 11.3137083 : f32
      %mul3A_632 = vector.broadcast %mul3A_631 : f32 to vector<16xf32>
      %mul3A_633 = arith.mulf %get3A_630, %mul3A_632 : vector<16xf32>
      %add3A_634 = arith.addf %mul3A_633, %get3A_624 : vector<16xf32>
      %swap3A_635 = arith.constant 2 : i32
      %swap3A_636 = arith.index_cast %swap3A_635 : i32 to index
      %swap3A_637 = arith.index_cast %add3A_546 : i32 to index
      %swap3A_638 = arith.constant 32 : index
      %swap3A_639 = tpu.vector_load %arg7[%swap3A_636, %swap3A_637, %swap3A_638] {strides = array<i32>} : memref<4x64x128xf32, #tpu.memory_space<vmem>>, vector<1x1x16xf32>,
      %swap3A_640 = vector.shape_cast %swap3A_639 : vector<1x1x16xf32> to vector<16xf32>
      %swap3A_641 = vector.shape_cast %add3A_634 : vector<16xf32> to vector<1x1x16xf32>
      tpu.vector_store %arg7[%swap3A_636, %swap3A_637, %swap3A_638], %swap3A_641 {strides = array<i32>} : memref<4x64x128xf32, #tpu.memory_space<vmem>>, vector<1x1x16xf32>,
      %get3A_642 = arith.constant 3 : i32
      %get3A_643 = arith.index_cast %get3A_642 : i32 to index
      %get3A_644 = arith.index_cast %add3A_546 : i32 to index
      %get3A_645 = arith.constant 32 : index
      %get3A_646 = tpu.vector_load %arg7[%get3A_643, %get3A_644, %get3A_645] {strides = array<i32>} : memref<4x64x128xf32, #tpu.memory_space<vmem>>, vector<1x1x16xf32>,
      %get3A_647 = vector.shape_cast %get3A_646 : vector<1x1x16xf32> to vector<16xf32>
      %mul3A_648 = arith.constant 11.3137083 : f32
      %mul3A_649 = vector.broadcast %mul3A_648 : f32 to vector<16xf32>
      %mul3A_650 = arith.mulf %get3A_647, %mul3A_649 : vector<16xf32>
      %add3A_651 = arith.addf %mul3A_650, %get3A_624 : vector<16xf32>
      %swap3A_652 = arith.constant 3 : i32
      %swap3A_653 = arith.index_cast %swap3A_652 : i32 to index
      %swap3A_654 = arith.index_cast %add3A_546 : i32 to index
      %swap3A_655 = arith.constant 32 : index
      %swap3A_656 = tpu.vector_load %arg7[%swap3A_653, %swap3A_654, %swap3A_655] {strides = array<i32>} : memref<4x64x128xf32, #tpu.memory_space<vmem>>, vector<1x1x16xf32>,
      %swap3A_657 = vector.shape_cast %swap3A_656 : vector<1x1x16xf32> to vector<16xf32>
      %swap3A_658 = vector.shape_cast %add3A_651 : vector<16xf32> to vector<1x1x16xf32>
      tpu.vector_store %arg7[%swap3A_653, %swap3A_654, %swap3A_655], %swap3A_658 {strides = array<i32>} : memref<4x64x128xf32, #tpu.memory_space<vmem>>, vector<1x1x16xf32>,
      %get3A_659 = arith.index_cast %add3A_546 : i32 to index
      %get3A_660 = arith.constant 48 : index
      %get3A_661 = tpu.vector_load %arg8[%get3A_659, %get3A_660] {strides = array<i32>} : memref<64x128xf32, #tpu.memory_space<vmem>>, vector<1x16xf32>,
      %get3A_662 = vector.shape_cast %get3A_661 : vector<1x16xf32> to vector<16xf32>
      %get3A_663 = arith.constant 2 : i32
      %get3A_664 = arith.index_cast %get3A_663 : i32 to index
      %get3A_665 = arith.index_cast %add3A_546 : i32 to index
      %get3A_666 = arith.constant 48 : index
      %get3A_667 = tpu.vector_load %arg7[%get3A_664, %get3A_665, %get3A_666] {strides = array<i32>} : memref<4x64x128xf32, #tpu.memory_space<vmem>>, vector<1x1x16xf32>,
      %get3A_668 = vector.shape_cast %get3A_667 : vector<1x1x16xf32> to vector<16xf32>
      %mul3A_669 = arith.constant 11.3137083 : f32
      %mul3A_670 = vector.broadcast %mul3A_669 : f32 to vector<16xf32>
      %mul3A_671 = arith.mulf %get3A_668, %mul3A_670 : vector<16xf32>
      %add3A_672 = arith.addf %mul3A_671, %get3A_662 : vector<16xf32>
      %swap3A_673 = arith.constant 2 : i32
      %swap3A_674 = arith.index_cast %swap3A_673 : i32 to index
      %swap3A_675 = arith.index_cast %add3A_546 : i32 to index
      %swap3A_676 = arith.constant 48 : index
      %swap3A_677 = tpu.vector_load %arg7[%swap3A_674, %swap3A_675, %swap3A_676] {strides = array<i32>} : memref<4x64x128xf32, #tpu.memory_space<vmem>>, vector<1x1x16xf32>,
      %swap3A_678 = vector.shape_cast %swap3A_677 : vector<1x1x16xf32> to vector<16xf32>
      %swap3A_679 = vector.shape_cast %add3A_672 : vector<16xf32> to vector<1x1x16xf32>
      tpu.vector_store %arg7[%swap3A_674, %swap3A_675, %swap3A_676], %swap3A_679 {strides = array<i32>} : memref<4x64x128xf32, #tpu.memory_space<vmem>>, vector<1x1x16xf32>,
      %get3A_680 = arith.constant 3 : i32
      %get3A_681 = arith.index_cast %get3A_680 : i32 to index
      %get3A_682 = arith.index_cast %add3A_546 : i32 to index
      %get3A_683 = arith.constant 48 : index
      %get3A_684 = tpu.vector_load %arg7[%get3A_681, %get3A_682, %get3A_683] {strides = array<i32>} : memref<4x64x128xf32, #tpu.memory_space<vmem>>, vector<1x1x16xf32>,
      %get3A_685 = vector.shape_cast %get3A_684 : vector<1x1x16xf32> to vector<16xf32>
      %mul3A_686 = arith.constant 11.3137083 : f32
      %mul3A_687 = vector.broadcast %mul3A_686 : f32 to vector<16xf32>
      %mul3A_688 = arith.mulf %get3A_685, %mul3A_687 : vector<16xf32>
      %add3A_689 = arith.addf %mul3A_688, %get3A_662 : vector<16xf32>
      %swap3A_690 = arith.constant 3 : i32
      %swap3A_691 = arith.index_cast %swap3A_690 : i32 to index
      %swap3A_692 = arith.index_cast %add3A_546 : i32 to index
      %swap3A_693 = arith.constant 48 : index
      %swap3A_694 = tpu.vector_load %arg7[%swap3A_691, %swap3A_692, %swap3A_693] {strides = array<i32>} : memref<4x64x128xf32, #tpu.memory_space<vmem>>, vector<1x1x16xf32>,
      %swap3A_695 = vector.shape_cast %swap3A_694 : vector<1x1x16xf32> to vector<16xf32>
      %swap3A_696 = vector.shape_cast %add3A_689 : vector<16xf32> to vector<1x1x16xf32>
      tpu.vector_store %arg7[%swap3A_691, %swap3A_692, %swap3A_693], %swap3A_696 {strides = array<i32>} : memref<4x64x128xf32, #tpu.memory_space<vmem>>, vector<1x1x16xf32>,
      %get3A_697 = arith.index_cast %add3A_546 : i32 to index
      %get3A_698 = arith.constant 64 : index
      %get3A_699 = tpu.vector_load %arg8[%get3A_697, %get3A_698] {strides = array<i32>} : memref<64x128xf32, #tpu.memory_space<vmem>>, vector<1x16xf32>,
      %get3A_700 = vector.shape_cast %get3A_699 : vector<1x16xf32> to vector<16xf32>
      %get3A_701 = arith.constant 2 : i32
      %get3A_702 = arith.index_cast %get3A_701 : i32 to index
      %get3A_703 = arith.index_cast %add3A_546 : i32 to index
      %get3A_704 = arith.constant 64 : index
      %get3A_705 = tpu.vector_load %arg7[%get3A_702, %get3A_703, %get3A_704] {strides = array<i32>} : memref<4x64x128xf32, #tpu.memory_space<vmem>>, vector<1x1x16xf32>,
      %get3A_706 = vector.shape_cast %get3A_705 : vector<1x1x16xf32> to vector<16xf32>
      %mul3A_707 = arith.constant 11.3137083 : f32
      %mul3A_708 = vector.broadcast %mul3A_707 : f32 to vector<16xf32>
      %mul3A_709 = arith.mulf %get3A_706, %mul3A_708 : vector<16xf32>
      %add3A_710 = arith.addf %mul3A_709, %get3A_700 : vector<16xf32>
      %swap3A_711 = arith.constant 2 : i32
      %swap3A_712 = arith.index_cast %swap3A_711 : i32 to index
      %swap3A_713 = arith.index_cast %add3A_546 : i32 to index
      %swap3A_714 = arith.constant 64 : index
      %swap3A_715 = tpu.vector_load %arg7[%swap3A_712, %swap3A_713, %swap3A_714] {strides = array<i32>} : memref<4x64x128xf32, #tpu.memory_space<vmem>>, vector<1x1x16xf32>,
      %swap3A_716 = vector.shape_cast %swap3A_715 : vector<1x1x16xf32> to vector<16xf32>
      %swap3A_717 = vector.shape_cast %add3A_710 : vector<16xf32> to vector<1x1x16xf32>
      tpu.vector_store %arg7[%swap3A_712, %swap3A_713, %swap3A_714], %swap3A_717 {strides = array<i32>} : memref<4x64x128xf32, #tpu.memory_space<vmem>>, vector<1x1x16xf32>,
      %get3A_718 = arith.constant 3 : i32
      %get3A_719 = arith.index_cast %get3A_718 : i32 to index
      %get3A_720 = arith.index_cast %add3A_546 : i32 to index
      %get3A_721 = arith.constant 64 : index
      %get3A_722 = tpu.vector_load %arg7[%get3A_719, %get3A_720, %get3A_721] {strides = array<i32>} : memref<4x64x128xf32, #tpu.memory_space<vmem>>, vector<1x1x16xf32>,
      %get3A_723 = vector.shape_cast %get3A_722 : vector<1x1x16xf32> to vector<16xf32>
      %mul3A_724 = arith.constant 11.3137083 : f32
      %mul3A_725 = vector.broadcast %mul3A_724 : f32 to vector<16xf32>
      %mul3A_726 = arith.mulf %get3A_723, %mul3A_725 : vector<16xf32>
      %add3A_727 = arith.addf %mul3A_726, %get3A_700 : vector<16xf32>
      %swap3A_728 = arith.constant 3 : i32
      %swap3A_729 = arith.index_cast %swap3A_728 : i32 to index
      %swap3A_730 = arith.index_cast %add3A_546 : i32 to index
      %swap3A_731 = arith.constant 64 : index
      %swap3A_732 = tpu.vector_load %arg7[%swap3A_729, %swap3A_730, %swap3A_731] {strides = array<i32>} : memref<4x64x128xf32, #tpu.memory_space<vmem>>, vector<1x1x16xf32>,
      %swap3A_733 = vector.shape_cast %swap3A_732 : vector<1x1x16xf32> to vector<16xf32>
      %swap3A_734 = vector.shape_cast %add3A_727 : vector<16xf32> to vector<1x1x16xf32>
      tpu.vector_store %arg7[%swap3A_729, %swap3A_730, %swap3A_731], %swap3A_734 {strides = array<i32>} : memref<4x64x128xf32, #tpu.memory_space<vmem>>, vector<1x1x16xf32>,
      %get3A_735 = arith.index_cast %add3A_546 : i32 to index
      %get3A_736 = arith.constant 80 : index
      %get3A_737 = tpu.vector_load %arg8[%get3A_735, %get3A_736] {strides = array<i32>} : memref<64x128xf32, #tpu.memory_space<vmem>>, vector<1x16xf32>,
      %get3A_738 = vector.shape_cast %get3A_737 : vector<1x16xf32> to vector<16xf32>
      %get3A_739 = arith.constant 2 : i32
      %get3A_740 = arith.index_cast %get3A_739 : i32 to index
      %get3A_741 = arith.index_cast %add3A_546 : i32 to index
      %get3A_742 = arith.constant 80 : index
      %get3A_743 = tpu.vector_load %arg7[%get3A_740, %get3A_741, %get3A_742] {strides = array<i32>} : memref<4x64x128xf32, #tpu.memory_space<vmem>>, vector<1x1x16xf32>,
      %get3A_744 = vector.shape_cast %get3A_743 : vector<1x1x16xf32> to vector<16xf32>
      %mul3A_745 = arith.constant 11.3137083 : f32
      %mul3A_746 = vector.broadcast %mul3A_745 : f32 to vector<16xf32>
      %mul3A_747 = arith.mulf %get3A_744, %mul3A_746 : vector<16xf32>
      %add3A_748 = arith.addf %mul3A_747, %get3A_738 : vector<16xf32>
      %swap3A_749 = arith.constant 2 : i32
      %swap3A_750 = arith.index_cast %swap3A_749 : i32 to index
      %swap3A_751 = arith.index_cast %add3A_546 : i32 to index
      %swap3A_752 = arith.constant 80 : index
      %swap3A_753 = tpu.vector_load %arg7[%swap3A_750, %swap3A_751, %swap3A_752] {strides = array<i32>} : memref<4x64x128xf32, #tpu.memory_space<vmem>>, vector<1x1x16xf32>,
      %swap3A_754 = vector.shape_cast %swap3A_753 : vector<1x1x16xf32> to vector<16xf32>
      %swap3A_755 = vector.shape_cast %add3A_748 : vector<16xf32> to vector<1x1x16xf32>
      tpu.vector_store %arg7[%swap3A_750, %swap3A_751, %swap3A_752], %swap3A_755 {strides = array<i32>} : memref<4x64x128xf32, #tpu.memory_space<vmem>>, vector<1x1x16xf32>,
      %get3A_756 = arith.constant 3 : i32
      %get3A_757 = arith.index_cast %get3A_756 : i32 to index
      %get3A_758 = arith.index_cast %add3A_546 : i32 to index
      %get3A_759 = arith.constant 80 : index
      %get3A_760 = tpu.vector_load %arg7[%get3A_757, %get3A_758, %get3A_759] {strides = array<i32>} : memref<4x64x128xf32, #tpu.memory_space<vmem>>, vector<1x1x16xf32>,
      %get3A_761 = vector.shape_cast %get3A_760 : vector<1x1x16xf32> to vector<16xf32>
      %mul3A_762 = arith.constant 11.3137083 : f32
      %mul3A_763 = vector.broadcast %mul3A_762 : f32 to vector<16xf32>
      %mul3A_764 = arith.mulf %get3A_761, %mul3A_763 : vector<16xf32>
      %add3A_765 = arith.addf %mul3A_764, %get3A_738 : vector<16xf32>
      %swap3A_766 = arith.constant 3 : i32
      %swap3A_767 = arith.index_cast %swap3A_766 : i32 to index
      %swap3A_768 = arith.index_cast %add3A_546 : i32 to index
      %swap3A_769 = arith.constant 80 : index
      %swap3A_770 = tpu.vector_load %arg7[%swap3A_767, %swap3A_768, %swap3A_769] {strides = array<i32>} : memref<4x64x128xf32, #tpu.memory_space<vmem>>, vector<1x1x16xf32>,
      %swap3A_771 = vector.shape_cast %swap3A_770 : vector<1x1x16xf32> to vector<16xf32>
      %swap3A_772 = vector.shape_cast %add3A_765 : vector<16xf32> to vector<1x1x16xf32>
      tpu.vector_store %arg7[%swap3A_767, %swap3A_768, %swap3A_769], %swap3A_772 {strides = array<i32>} : memref<4x64x128xf32, #tpu.memory_space<vmem>>, vector<1x1x16xf32>,
      %get3A_773 = arith.index_cast %add3A_546 : i32 to index
      %get3A_774 = arith.constant 96 : index
      %get3A_775 = tpu.vector_load %arg8[%get3A_773, %get3A_774] {strides = array<i32>} : memref<64x128xf32, #tpu.memory_space<vmem>>, vector<1x16xf32>,
      %get3A_776 = vector.shape_cast %get3A_775 : vector<1x16xf32> to vector<16xf32>
      %get3A_777 = arith.constant 2 : i32
      %get3A_778 = arith.index_cast %get3A_777 : i32 to index
      %get3A_779 = arith.index_cast %add3A_546 : i32 to index
      %get3A_780 = arith.constant 96 : index
      %get3A_781 = tpu.vector_load %arg7[%get3A_778, %get3A_779, %get3A_780] {strides = array<i32>} : memref<4x64x128xf32, #tpu.memory_space<vmem>>, vector<1x1x16xf32>,
      %get3A_782 = vector.shape_cast %get3A_781 : vector<1x1x16xf32> to vector<16xf32>
      %mul3A_783 = arith.constant 11.3137083 : f32
      %mul3A_784 = vector.broadcast %mul3A_783 : f32 to vector<16xf32>
      %mul3A_785 = arith.mulf %get3A_782, %mul3A_784 : vector<16xf32>
      %add3A_786 = arith.addf %mul3A_785, %get3A_776 : vector<16xf32>
      %swap3A_787 = arith.constant 2 : i32
      %swap3A_788 = arith.index_cast %swap3A_787 : i32 to index
      %swap3A_789 = arith.index_cast %add3A_546 : i32 to index
      %swap3A_790 = arith.constant 96 : index
      %swap3A_791 = tpu.vector_load %arg7[%swap3A_788, %swap3A_789, %swap3A_790] {strides = array<i32>} : memref<4x64x128xf32, #tpu.memory_space<vmem>>, vector<1x1x16xf32>,
      %swap3A_792 = vector.shape_cast %swap3A_791 : vector<1x1x16xf32> to vector<16xf32>
      %swap3A_793 = vector.shape_cast %add3A_786 : vector<16xf32> to vector<1x1x16xf32>
      tpu.vector_store %arg7[%swap3A_788, %swap3A_789, %swap3A_790], %swap3A_793 {strides = array<i32>} : memref<4x64x128xf32, #tpu.memory_space<vmem>>, vector<1x1x16xf32>,
      %get3A_794 = arith.constant 3 : i32
      %get3A_795 = arith.index_cast %get3A_794 : i32 to index
      %get3A_796 = arith.index_cast %add3A_546 : i32 to index
      %get3A_797 = arith.constant 96 : index
      %get3A_798 = tpu.vector_load %arg7[%get3A_795, %get3A_796, %get3A_797] {strides = array<i32>} : memref<4x64x128xf32, #tpu.memory_space<vmem>>, vector<1x1x16xf32>,
      %get3A_799 = vector.shape_cast %get3A_798 : vector<1x1x16xf32> to vector<16xf32>
      %mul3A_800 = arith.constant 11.3137083 : f32
      %mul3A_801 = vector.broadcast %mul3A_800 : f32 to vector<16xf32>
      %mul3A_802 = arith.mulf %get3A_799, %mul3A_801 : vector<16xf32>
      %add3A_803 = arith.addf %mul3A_802, %get3A_776 : vector<16xf32>
      %swap3A_804 = arith.constant 3 : i32
      %swap3A_805 = arith.index_cast %swap3A_804 : i32 to index
      %swap3A_806 = arith.index_cast %add3A_546 : i32 to index
      %swap3A_807 = arith.constant 96 : index
      %swap3A_808 = tpu.vector_load %arg7[%swap3A_805, %swap3A_806, %swap3A_807] {strides = array<i32>} : memref<4x64x128xf32, #tpu.memory_space<vmem>>, vector<1x1x16xf32>,
      %swap3A_809 = vector.shape_cast %swap3A_808 : vector<1x1x16xf32> to vector<16xf32>
      %swap3A_810 = vector.shape_cast %add3A_803 : vector<16xf32> to vector<1x1x16xf32>
      tpu.vector_store %arg7[%swap3A_805, %swap3A_806, %swap3A_807], %swap3A_810 {strides = array<i32>} : memref<4x64x128xf32, #tpu.memory_space<vmem>>, vector<1x1x16xf32>,
      %get3A_811 = arith.index_cast %add3A_546 : i32 to index
      %get3A_812 = arith.constant 112 : index
      %get3A_813 = tpu.vector_load %arg8[%get3A_811, %get3A_812] {strides = array<i32>} : memref<64x128xf32, #tpu.memory_space<vmem>>, vector<1x16xf32>,
      %get3A_814 = vector.shape_cast %get3A_813 : vector<1x16xf32> to vector<16xf32>
      %get3A_815 = arith.constant 2 : i32
      %get3A_816 = arith.index_cast %get3A_815 : i32 to index
      %get3A_817 = arith.index_cast %add3A_546 : i32 to index
      %get3A_818 = arith.constant 112 : index
      %get3A_819 = tpu.vector_load %arg7[%get3A_816, %get3A_817, %get3A_818] {strides = array<i32>} : memref<4x64x128xf32, #tpu.memory_space<vmem>>, vector<1x1x16xf32>,
      %get3A_820 = vector.shape_cast %get3A_819 : vector<1x1x16xf32> to vector<16xf32>
      %mul3A_821 = arith.constant 11.3137083 : f32
      %mul3A_822 = vector.broadcast %mul3A_821 : f32 to vector<16xf32>
      %mul3A_823 = arith.mulf %get3A_820, %mul3A_822 : vector<16xf32>
      %add3A_824 = arith.addf %mul3A_823, %get3A_814 : vector<16xf32>
      %swap3A_825 = arith.constant 2 : i32
      %swap3A_826 = arith.index_cast %swap3A_825 : i32 to index
      %swap3A_827 = arith.index_cast %add3A_546 : i32 to index
      %swap3A_828 = arith.constant 112 : index
      %swap3A_829 = tpu.vector_load %arg7[%swap3A_826, %swap3A_827, %swap3A_828] {strides = array<i32>} : memref<4x64x128xf32, #tpu.memory_space<vmem>>, vector<1x1x16xf32>,
      %swap3A_830 = vector.shape_cast %swap3A_829 : vector<1x1x16xf32> to vector<16xf32>
      %swap3A_831 = vector.shape_cast %add3A_824 : vector<16xf32> to vector<1x1x16xf32>
      tpu.vector_store %arg7[%swap3A_826, %swap3A_827, %swap3A_828], %swap3A_831 {strides = array<i32>} : memref<4x64x128xf32, #tpu.memory_space<vmem>>, vector<1x1x16xf32>,
      %get3A_832 = arith.constant 3 : i32
      %get3A_833 = arith.index_cast %get3A_832 : i32 to index
      %get3A_834 = arith.index_cast %add3A_546 : i32 to index
      %get3A_835 = arith.constant 112 : index
      %get3A_836 = tpu.vector_load %arg7[%get3A_833, %get3A_834, %get3A_835] {strides = array<i32>} : memref<4x64x128xf32, #tpu.memory_space<vmem>>, vector<1x1x16xf32>,
      %get3A_837 = vector.shape_cast %get3A_836 : vector<1x1x16xf32> to vector<16xf32>
      %mul3A_838 = arith.constant 11.3137083 : f32
      %mul3A_839 = vector.broadcast %mul3A_838 : f32 to vector<16xf32>
      %mul3A_840 = arith.mulf %get3A_837, %mul3A_839 : vector<16xf32>
      %add3A_841 = arith.addf %mul3A_840, %get3A_814 : vector<16xf32>
      %swap3A_842 = arith.constant 3 : i32
      %swap3A_843 = arith.index_cast %swap3A_842 : i32 to index
      %swap3A_844 = arith.index_cast %add3A_546 : i32 to index
      %swap3A_845 = arith.constant 112 : index
      %swap3A_846 = tpu.vector_load %arg7[%swap3A_843, %swap3A_844, %swap3A_845] {strides = array<i32>} : memref<4x64x128xf32, #tpu.memory_space<vmem>>, vector<1x1x16xf32>,
      %swap3A_847 = vector.shape_cast %swap3A_846 : vector<1x1x16xf32> to vector<16xf32>
      %swap3A_848 = vector.shape_cast %add3A_841 : vector<16xf32> to vector<1x1x16xf32>
      tpu.vector_store %arg7[%swap3A_843, %swap3A_844, %swap3A_845], %swap3A_848 {strides = array<i32>} : memref<4x64x128xf32, #tpu.memory_space<vmem>>, vector<1x1x16xf32>,
    }
    %scan3A_405 = arith.constant 32 : i32
    %add3A_406 = arith.constant 4096 : i32
    %add3A_407 = arith.addi %add3A_406, %mul3A_2 : i32
    %add3A_408 = arith.constant 32 : i32
    %add3A_409 = arith.addi %add3A_407, %add3A_408 : i32
    %dma_start3A_410 = arith.constant 2 : i32
    %dma_start3A_411 = arith.constant 32 : i32
    %dma_start3A_412 = arith.constant 0 : i32
    %dma_start3A_413 = tpu.memref_slice %arg7[%dma_start3A_410, %dma_start3A_411, %dma_start3A_412] : memref<4x64x128xf32, #tpu.memory_space<vmem>> -> memref<1x32x128xf32, #tpu.memory_space<vmem>>
    %dma_start3A_414 = tpu.memref_squeeze %dma_start3A_413 : memref<1x32x128xf32, #tpu.memory_space<vmem>> -> memref<32x128xf32, #tpu.memory_space<vmem>>
    %dma_start3A_415 = arith.constant 0 : i32
    %dma_start3A_416 = tpu.memref_slice %arg5[%add3A_409, %dma_start3A_415] : memref<8192x128xf32, #tpu.memory_space<hbm>> -> memref<32x128xf32, #tpu.memory_space<hbm>>
    %dma_start3A_417 = arith.constant 0 : i32
    %dma_start3A_418 = tpu.memref_slice %arg5[%add3A_409, %dma_start3A_417] : memref<8192x128xf32, #tpu.memory_space<hbm>> -> memref<32x128xf32, #tpu.memory_space<hbm>>
    %dma_start3A_419 = arith.constant 32 : i32
    %dma_start3A_420 = arith.constant 0 : i32
    %dma_start3A_421 = tpu.memref_slice %arg7[%dma_start3A_410, %dma_start3A_419, %dma_start3A_420] : memref<4x64x128xf32, #tpu.memory_space<vmem>> -> memref<1x32x128xf32, #tpu.memory_space<vmem>>
    %dma_start3A_422 = tpu.memref_squeeze %dma_start3A_421 : memref<1x32x128xf32, #tpu.memory_space<vmem>> -> memref<32x128xf32, #tpu.memory_space<vmem>>
    tpu.enqueue_dma source(%dma_start3A_422 : memref<32x128xf32, #tpu.memory_space<vmem>>) target(%dma_start3A_418 : memref<32x128xf32, #tpu.memory_space<hbm>>) target_semaphore(%arg19 : memref<!tpu.dma_semaphore, #tpu.memory_space<semaphore_mem>>)
    %add3A_423 = arith.constant 6144 : i32
    %add3A_424 = arith.addi %add3A_423, %mul3A_2 : i32
    %add3A_425 = arith.constant 32 : i32
    %add3A_426 = arith.addi %add3A_424, %add3A_425 : i32
    %dma_start3A_427 = arith.constant 3 : i32
    %dma_start3A_428 = arith.constant 32 : i32
    %dma_start3A_429 = arith.constant 0 : i32
    %dma_start3A_430 = tpu.memref_slice %arg7[%dma_start3A_427, %dma_start3A_428, %dma_start3A_429] : memref<4x64x128xf32, #tpu.memory_space<vmem>> -> memref<1x32x128xf32, #tpu.memory_space<vmem>>
    %dma_start3A_431 = tpu.memref_squeeze %dma_start3A_430 : memref<1x32x128xf32, #tpu.memory_space<vmem>> -> memref<32x128xf32, #tpu.memory_space<vmem>>
    %dma_start3A_432 = arith.constant 0 : i32
    %dma_start3A_433 = tpu.memref_slice %arg5[%add3A_426, %dma_start3A_432] : memref<8192x128xf32, #tpu.memory_space<hbm>> -> memref<32x128xf32, #tpu.memory_space<hbm>>
    %dma_start3A_434 = arith.constant 0 : i32
    %dma_start3A_435 = tpu.memref_slice %arg5[%add3A_426, %dma_start3A_434] : memref<8192x128xf32, #tpu.memory_space<hbm>> -> memref<32x128xf32, #tpu.memory_space<hbm>>
    %dma_start3A_436 = arith.constant 32 : i32
    %dma_start3A_437 = arith.constant 0 : i32
    %dma_start3A_438 = tpu.memref_slice %arg7[%dma_start3A_427, %dma_start3A_436, %dma_start3A_437] : memref<4x64x128xf32, #tpu.memory_space<vmem>> -> memref<1x32x128xf32, #tpu.memory_space<vmem>>
    %dma_start3A_439 = tpu.memref_squeeze %dma_start3A_438 : memref<1x32x128xf32, #tpu.memory_space<vmem>> -> memref<32x128xf32, #tpu.memory_space<vmem>>
    tpu.enqueue_dma source(%dma_start3A_439 : memref<32x128xf32, #tpu.memory_space<vmem>>) target(%dma_start3A_435 : memref<32x128xf32, #tpu.memory_space<hbm>>) target_semaphore(%arg19 : memref<!tpu.dma_semaphore, #tpu.memory_space<semaphore_mem>>)
    %dma_wait3A_440 = arith.constant 0 : i32
    %dma_wait3A_441 = arith.constant 0 : i32
    %dma_wait3A_442 = arith.constant 0 : i32
    %dma_wait3A_443 = tpu.memref_slice %arg7[%dma_wait3A_440, %dma_wait3A_441, %dma_wait3A_442] : memref<4x64x128xf32, #tpu.memory_space<vmem>> -> memref<1x32x128xf32, #tpu.memory_space<vmem>>
    %dma_wait3A_444 = tpu.memref_squeeze %dma_wait3A_443 : memref<1x32x128xf32, #tpu.memory_space<vmem>> -> memref<32x128xf32, #tpu.memory_space<vmem>>
    %dma_wait3A_445 = arith.constant 0 : i32
    %dma_wait3A_446 = tpu.memref_slice %arg5[%add3A_217, %dma_wait3A_445] : memref<8192x128xf32, #tpu.memory_space<hbm>> -> memref<32x128xf32, #tpu.memory_space<hbm>>
    %dma_wait3A_447 = arith.constant 0 : i32
    %dma_wait3A_448 = tpu.memref_slice %arg5[%add3A_217, %dma_wait3A_447] : memref<8192x128xf32, #tpu.memory_space<hbm>> -> memref<32x128xf32, #tpu.memory_space<hbm>>
    %dma_wait3A_449 = arith.constant 0 : i32
    %dma_wait3A_450 = arith.constant 0 : i32
    %dma_wait3A_451 = tpu.memref_slice %arg7[%dma_wait3A_440, %dma_wait3A_449, %dma_wait3A_450] : memref<4x64x128xf32, #tpu.memory_space<vmem>> -> memref<1x32x128xf32, #tpu.memory_space<vmem>>
    %dma_wait3A_452 = tpu.memref_squeeze %dma_wait3A_451 : memref<1x32x128xf32, #tpu.memory_space<vmem>> -> memref<32x128xf32, #tpu.memory_space<vmem>>
    tpu.wait_dma2 semaphore(%arg19 : memref<!tpu.dma_semaphore, #tpu.memory_space<semaphore_mem>>) src(%dma_wait3A_452 : memref<32x128xf32, #tpu.memory_space<vmem>>) dst(%dma_wait3A_448 : memref<32x128xf32, #tpu.memory_space<hbm>>)
    %dma_wait3A_453 = arith.constant 1 : i32
    %dma_wait3A_454 = arith.constant 0 : i32
    %dma_wait3A_455 = arith.constant 0 : i32
    %dma_wait3A_456 = tpu.memref_slice %arg7[%dma_wait3A_453, %dma_wait3A_454, %dma_wait3A_455] : memref<4x64x128xf32, #tpu.memory_space<vmem>> -> memref<1x32x128xf32, #tpu.memory_space<vmem>>
    %dma_wait3A_457 = tpu.memref_squeeze %dma_wait3A_456 : memref<1x32x128xf32, #tpu.memory_space<vmem>> -> memref<32x128xf32, #tpu.memory_space<vmem>>
    %dma_wait3A_458 = arith.constant 0 : i32
    %dma_wait3A_459 = tpu.memref_slice %arg5[%add3A_234, %dma_wait3A_458] : memref<8192x128xf32, #tpu.memory_space<hbm>> -> memref<32x128xf32, #tpu.memory_space<hbm>>
    %dma_wait3A_460 = arith.constant 0 : i32
    %dma_wait3A_461 = tpu.memref_slice %arg5[%add3A_234, %dma_wait3A_460] : memref<8192x128xf32, #tpu.memory_space<hbm>> -> memref<32x128xf32, #tpu.memory_space<hbm>>
    %dma_wait3A_462 = arith.constant 0 : i32
    %dma_wait3A_463 = arith.constant 0 : i32
    %dma_wait3A_464 = tpu.memref_slice %arg7[%dma_wait3A_453, %dma_wait3A_462, %dma_wait3A_463] : memref<4x64x128xf32, #tpu.memory_space<vmem>> -> memref<1x32x128xf32, #tpu.memory_space<vmem>>
    %dma_wait3A_465 = tpu.memref_squeeze %dma_wait3A_464 : memref<1x32x128xf32, #tpu.memory_space<vmem>> -> memref<32x128xf32, #tpu.memory_space<vmem>>
    tpu.wait_dma2 semaphore(%arg19 : memref<!tpu.dma_semaphore, #tpu.memory_space<semaphore_mem>>) src(%dma_wait3A_465 : memref<32x128xf32, #tpu.memory_space<vmem>>) dst(%dma_wait3A_461 : memref<32x128xf32, #tpu.memory_space<hbm>>)
    %dma_wait3A_466 = arith.constant 2 : i32
    %dma_wait3A_467 = arith.constant 0 : i32
    %dma_wait3A_468 = arith.constant 0 : i32
    %dma_wait3A_469 = tpu.memref_slice %arg7[%dma_wait3A_466, %dma_wait3A_467, %dma_wait3A_468] : memref<4x64x128xf32, #tpu.memory_space<vmem>> -> memref<1x32x128xf32, #tpu.memory_space<vmem>>
    %dma_wait3A_470 = tpu.memref_squeeze %dma_wait3A_469 : memref<1x32x128xf32, #tpu.memory_space<vmem>> -> memref<32x128xf32, #tpu.memory_space<vmem>>
    %dma_wait3A_471 = arith.constant 0 : i32
    %dma_wait3A_472 = tpu.memref_slice %arg5[%add3A_281, %dma_wait3A_471] : memref<8192x128xf32, #tpu.memory_space<hbm>> -> memref<32x128xf32, #tpu.memory_space<hbm>>
    %dma_wait3A_473 = arith.constant 0 : i32
    %dma_wait3A_474 = tpu.memref_slice %arg5[%add3A_281, %dma_wait3A_473] : memref<8192x128xf32, #tpu.memory_space<hbm>> -> memref<32x128xf32, #tpu.memory_space<hbm>>
    %dma_wait3A_475 = arith.constant 0 : i32
    %dma_wait3A_476 = arith.constant 0 : i32
    %dma_wait3A_477 = tpu.memref_slice %arg7[%dma_wait3A_466, %dma_wait3A_475, %dma_wait3A_476] : memref<4x64x128xf32, #tpu.memory_space<vmem>> -> memref<1x32x128xf32, #tpu.memory_space<vmem>>
    %dma_wait3A_478 = tpu.memref_squeeze %dma_wait3A_477 : memref<1x32x128xf32, #tpu.memory_space<vmem>> -> memref<32x128xf32, #tpu.memory_space<vmem>>
    tpu.wait_dma2 semaphore(%arg19 : memref<!tpu.dma_semaphore, #tpu.memory_space<semaphore_mem>>) src(%dma_wait3A_478 : memref<32x128xf32, #tpu.memory_space<vmem>>) dst(%dma_wait3A_474 : memref<32x128xf32, #tpu.memory_space<hbm>>)
    %dma_wait3A_479 = arith.constant 3 : i32
    %dma_wait3A_480 = arith.constant 0 : i32
    %dma_wait3A_481 = arith.constant 0 : i32
    %dma_wait3A_482 = tpu.memref_slice %arg7[%dma_wait3A_479, %dma_wait3A_480, %dma_wait3A_481] : memref<4x64x128xf32, #tpu.memory_space<vmem>> -> memref<1x32x128xf32, #tpu.memory_space<vmem>>
    %dma_wait3A_483 = tpu.memref_squeeze %dma_wait3A_482 : memref<1x32x128xf32, #tpu.memory_space<vmem>> -> memref<32x128xf32, #tpu.memory_space<vmem>>
    %dma_wait3A_484 = arith.constant 0 : i32
    %dma_wait3A_485 = tpu.memref_slice %arg5[%add3A_298, %dma_wait3A_484] : memref<8192x128xf32, #tpu.memory_space<hbm>> -> memref<32x128xf32, #tpu.memory_space<hbm>>
    %dma_wait3A_486 = arith.constant 0 : i32
    %dma_wait3A_487 = tpu.memref_slice %arg5[%add3A_298, %dma_wait3A_486] : memref<8192x128xf32, #tpu.memory_space<hbm>> -> memref<32x128xf32, #tpu.memory_space<hbm>>
    %dma_wait3A_488 = arith.constant 0 : i32
    %dma_wait3A_489 = arith.constant 0 : i32
    %dma_wait3A_490 = tpu.memref_slice %arg7[%dma_wait3A_479, %dma_wait3A_488, %dma_wait3A_489] : memref<4x64x128xf32, #tpu.memory_space<vmem>> -> memref<1x32x128xf32, #tpu.memory_space<vmem>>
    %dma_wait3A_491 = tpu.memref_squeeze %dma_wait3A_490 : memref<1x32x128xf32, #tpu.memory_space<vmem>> -> memref<32x128xf32, #tpu.memory_space<vmem>>
    tpu.wait_dma2 semaphore(%arg19 : memref<!tpu.dma_semaphore, #tpu.memory_space<semaphore_mem>>) src(%dma_wait3A_491 : memref<32x128xf32, #tpu.memory_space<vmem>>) dst(%dma_wait3A_487 : memref<32x128xf32, #tpu.memory_space<hbm>>)
    %dma_wait3A_492 = arith.constant 0 : i32
    %dma_wait3A_493 = arith.constant 32 : i32
    %dma_wait3A_494 = arith.constant 0 : i32
    %dma_wait3A_495 = tpu.memref_slice %arg7[%dma_wait3A_492, %dma_wait3A_493, %dma_wait3A_494] : memref<4x64x128xf32, #tpu.memory_space<vmem>> -> memref<1x32x128xf32, #tpu.memory_space<vmem>>
    %dma_wait3A_496 = tpu.memref_squeeze %dma_wait3A_495 : memref<1x32x128xf32, #tpu.memory_space<vmem>> -> memref<32x128xf32, #tpu.memory_space<vmem>>
    %dma_wait3A_497 = arith.constant 0 : i32
    %dma_wait3A_498 = tpu.memref_slice %arg5[%add3A_345, %dma_wait3A_497] : memref<8192x128xf32, #tpu.memory_space<hbm>> -> memref<32x128xf32, #tpu.memory_space<hbm>>
    %dma_wait3A_499 = arith.constant 0 : i32
    %dma_wait3A_500 = tpu.memref_slice %arg5[%add3A_345, %dma_wait3A_499] : memref<8192x128xf32, #tpu.memory_space<hbm>> -> memref<32x128xf32, #tpu.memory_space<hbm>>
    %dma_wait3A_501 = arith.constant 32 : i32
    %dma_wait3A_502 = arith.constant 0 : i32
    %dma_wait3A_503 = tpu.memref_slice %arg7[%dma_wait3A_492, %dma_wait3A_501, %dma_wait3A_502] : memref<4x64x128xf32, #tpu.memory_space<vmem>> -> memref<1x32x128xf32, #tpu.memory_space<vmem>>
    %dma_wait3A_504 = tpu.memref_squeeze %dma_wait3A_503 : memref<1x32x128xf32, #tpu.memory_space<vmem>> -> memref<32x128xf32, #tpu.memory_space<vmem>>
    tpu.wait_dma2 semaphore(%arg19 : memref<!tpu.dma_semaphore, #tpu.memory_space<semaphore_mem>>) src(%dma_wait3A_504 : memref<32x128xf32, #tpu.memory_space<vmem>>) dst(%dma_wait3A_500 : memref<32x128xf32, #tpu.memory_space<hbm>>)
    %dma_wait3A_505 = arith.constant 1 : i32
    %dma_wait3A_506 = arith.constant 32 : i32
    %dma_wait3A_507 = arith.constant 0 : i32
    %dma_wait3A_508 = tpu.memref_slice %arg7[%dma_wait3A_505, %dma_wait3A_506, %dma_wait3A_507] : memref<4x64x128xf32, #tpu.memory_space<vmem>> -> memref<1x32x128xf32, #tpu.memory_space<vmem>>
    %dma_wait3A_509 = tpu.memref_squeeze %dma_wait3A_508 : memref<1x32x128xf32, #tpu.memory_space<vmem>> -> memref<32x128xf32, #tpu.memory_space<vmem>>
    %dma_wait3A_510 = arith.constant 0 : i32
    %dma_wait3A_511 = tpu.memref_slice %arg5[%add3A_362, %dma_wait3A_510] : memref<8192x128xf32, #tpu.memory_space<hbm>> -> memref<32x128xf32, #tpu.memory_space<hbm>>
    %dma_wait3A_512 = arith.constant 0 : i32
    %dma_wait3A_513 = tpu.memref_slice %arg5[%add3A_362, %dma_wait3A_512] : memref<8192x128xf32, #tpu.memory_space<hbm>> -> memref<32x128xf32, #tpu.memory_space<hbm>>
    %dma_wait3A_514 = arith.constant 32 : i32
    %dma_wait3A_515 = arith.constant 0 : i32
    %dma_wait3A_516 = tpu.memref_slice %arg7[%dma_wait3A_505, %dma_wait3A_514, %dma_wait3A_515] : memref<4x64x128xf32, #tpu.memory_space<vmem>> -> memref<1x32x128xf32, #tpu.memory_space<vmem>>
    %dma_wait3A_517 = tpu.memref_squeeze %dma_wait3A_516 : memref<1x32x128xf32, #tpu.memory_space<vmem>> -> memref<32x128xf32, #tpu.memory_space<vmem>>
    tpu.wait_dma2 semaphore(%arg19 : memref<!tpu.dma_semaphore, #tpu.memory_space<semaphore_mem>>) src(%dma_wait3A_517 : memref<32x128xf32, #tpu.memory_space<vmem>>) dst(%dma_wait3A_513 : memref<32x128xf32, #tpu.memory_space<hbm>>)
    %dma_wait3A_518 = arith.constant 2 : i32
    %dma_wait3A_519 = arith.constant 32 : i32
    %dma_wait3A_520 = arith.constant 0 : i32
    %dma_wait3A_521 = tpu.memref_slice %arg7[%dma_wait3A_518, %dma_wait3A_519, %dma_wait3A_520] : memref<4x64x128xf32, #tpu.memory_space<vmem>> -> memref<1x32x128xf32, #tpu.memory_space<vmem>>
    %dma_wait3A_522 = tpu.memref_squeeze %dma_wait3A_521 : memref<1x32x128xf32, #tpu.memory_space<vmem>> -> memref<32x128xf32, #tpu.memory_space<vmem>>
    %dma_wait3A_523 = arith.constant 0 : i32
    %dma_wait3A_524 = tpu.memref_slice %arg5[%add3A_409, %dma_wait3A_523] : memref<8192x128xf32, #tpu.memory_space<hbm>> -> memref<32x128xf32, #tpu.memory_space<hbm>>
    %dma_wait3A_525 = arith.constant 0 : i32
    %dma_wait3A_526 = tpu.memref_slice %arg5[%add3A_409, %dma_wait3A_525] : memref<8192x128xf32, #tpu.memory_space<hbm>> -> memref<32x128xf32, #tpu.memory_space<hbm>>
    %dma_wait3A_527 = arith.constant 32 : i32
    %dma_wait3A_528 = arith.constant 0 : i32
    %dma_wait3A_529 = tpu.memref_slice %arg7[%dma_wait3A_518, %dma_wait3A_527, %dma_wait3A_528] : memref<4x64x128xf32, #tpu.memory_space<vmem>> -> memref<1x32x128xf32, #tpu.memory_space<vmem>>
    %dma_wait3A_530 = tpu.memref_squeeze %dma_wait3A_529 : memref<1x32x128xf32, #tpu.memory_space<vmem>> -> memref<32x128xf32, #tpu.memory_space<vmem>>
    tpu.wait_dma2 semaphore(%arg19 : memref<!tpu.dma_semaphore, #tpu.memory_space<semaphore_mem>>) src(%dma_wait3A_530 : memref<32x128xf32, #tpu.memory_space<vmem>>) dst(%dma_wait3A_526 : memref<32x128xf32, #tpu.memory_space<hbm>>)
    %dma_wait3A_531 = arith.constant 3 : i32
    %dma_wait3A_532 = arith.constant 32 : i32
    %dma_wait3A_533 = arith.constant 0 : i32
    %dma_wait3A_534 = tpu.memref_slice %arg7[%dma_wait3A_531, %dma_wait3A_532, %dma_wait3A_533] : memref<4x64x128xf32, #tpu.memory_space<vmem>> -> memref<1x32x128xf32, #tpu.memory_space<vmem>>
    %dma_wait3A_535 = tpu.memref_squeeze %dma_wait3A_534 : memref<1x32x128xf32, #tpu.memory_space<vmem>> -> memref<32x128xf32, #tpu.memory_space<vmem>>
    %dma_wait3A_536 = arith.constant 0 : i32
    %dma_wait3A_537 = tpu.memref_slice %arg5[%add3A_426, %dma_wait3A_536] : memref<8192x128xf32, #tpu.memory_space<hbm>> -> memref<32x128xf32, #tpu.memory_space<hbm>>
    %dma_wait3A_538 = arith.constant 0 : i32
    %dma_wait3A_539 = tpu.memref_slice %arg5[%add3A_426, %dma_wait3A_538] : memref<8192x128xf32, #tpu.memory_space<hbm>> -> memref<32x128xf32, #tpu.memory_space<hbm>>
    %dma_wait3A_540 = arith.constant 32 : i32
    %dma_wait3A_541 = arith.constant 0 : i32
    %dma_wait3A_542 = tpu.memref_slice %arg7[%dma_wait3A_531, %dma_wait3A_540, %dma_wait3A_541] : memref<4x64x128xf32, #tpu.memory_space<vmem>> -> memref<1x32x128xf32, #tpu.memory_space<vmem>>
    %dma_wait3A_543 = tpu.memref_squeeze %dma_wait3A_542 : memref<1x32x128xf32, #tpu.memory_space<vmem>> -> memref<32x128xf32, #tpu.memory_space<vmem>>
    tpu.wait_dma2 semaphore(%arg19 : memref<!tpu.dma_semaphore, #tpu.memory_space<semaphore_mem>>) src(%dma_wait3A_543 : memref<32x128xf32, #tpu.memory_space<vmem>>) dst(%dma_wait3A_539 : memref<32x128xf32, #tpu.memory_space<hbm>>)
    return
  }
}

</mosaic_0001>

<sc_bundles>
// kernel: kernel.3.cloned.1.call-start
scs
__scs_entry_jumppad:
0x0: {  	(pc) =	sbr.rel $0x88, $3  }
0x1: {  	(tag) =	ssettag $0x0;
	lr =	simm.s32 $0x1  }
0x2: {  	[smem:$0x3F9F] =	sst lr;
	_ =	strace $0xD0000000  }
0x3: {  	_ = 	snop  }
0x4: {  	_ = 	snop  }
0x5: {  	_ = 	snop  }
0x6: {  	_ = 	snop  }
0x7: {  	_ = 	snop  }
__scs_overlays_trampoline_lowered:
0x8: {  	[smem:$0x3FAE] =	sst s0  }
0x9: {  	[smem:$0x3FAF] =	sst s1  }
0xa: {  	[smem:$0x3FB0] =	sst s2  }
0xb: {  	[smem:$0x3FB1] =	sst s3  }
0xc: {  	[smem:$0x3FB2] =	sst s4  }
0xd: {  	[smem:$0x3FB3] =	sst s5  }
0xe: {  	[smem:$0x3FB4] =	sst s6  }
0xf: {  	[smem:$0x3FB5] =	sst s7  }
0x10: {  	[smem:$0x3FB6] =	sst s8  }
0x11: {  	[smem:$0x3FB7] =	sst s9;
	s0 =	simm.s32 @!p0 $0x0  }
0x12: {  	s1 =	sld [smem:$0x3F9D];
	s0 =	simm.s32 @p0 $0x1  }
0x13: {  	[smem:$0x3FB8] =	sst s0;
	s0 =	simm.s32 @!p1 $0x0  }
0x14: {  	s2 =	sld [smem:$0x3F9C];
	s0 =	simm.s32 @p1 $0x1  }
0x15: {  	[smem:$0x3FB9] =	sst s0;
	s0 =	simm.s32 @!p2 $0x0  }
0x16: {  	s3 =	sld [smem:$0x3FDB];
	s0 =	simm.s32 @p2 $0x1  }
0x17: {  	s4 =	simm.s32 $0x1BF5;
	[smem:$0x3FBB] =	sst s0  }
0x18: {  	s0 =	sld [smem:$0x3F9E];
	_ =	swait.ge [sflag:s4], $0x0  }
0x19: {  	s7 =	sld [smem:$0x3F9F]  }
0x1a: {  	s8 =	sadd.s32 $0xFFFFE003, lr  }
0x1b: {  	s9 =	sadd.s32 $0xFFFFFEF7, lr;
	s5 =	simm.s32 $0xFFFFFFFF;
	p2 =	slt.u32 s8, $0xFFFFF086  }
0x1c: {  	p1 =	slt.u32 s9, $0xF7A;
	s5 =	simm.s32 @!p2 $0x0  }
0x1d: {  	s5 =	simm.s32 @p1 $0x1;
	p0 =	seq.s32 s7, s2  }
0x1e: {  	s7 =	smul.u32 @!p0 $0xF7A, s2;
	p2 =	seq.s32 @!p0 s5, $0x0  }
0x1f: {  	s9 =	smul.u32 $0xF7A, s1;
	s8 =	simm.s32 @!p0 $0x1BF5;
	p2 =	por !p2, p0  }
0x20: {  	[sflag:s8] =	ssyncset.s32 @!p0 $0xFFFFF086;
	s6 =	sadd.s32 @!p0 s3, s7;
	s7 =	simm.s32 @!p0 $0x108  }
0x21: {  	s3 =	sadd.s32 s3, s9;
	s6 =	sadd.s32 @!p0 $0x88, s6;
	s7 =	simm.s32 @p2 $0x1082  }
0x22: {  	[simem:s7], [sflag:s8] =	dma.local @!p0 [hbm:s6], $0xF7A  }
0x23: {  	s9 =	sor.u32 $0xD0000000, s2;
	s6 =	simm.s32 $0x108;
	_ =	swait.ge @!p0 [sflag:s8], $0x0  }
0x24: {  	s3 =	sadd.s32 $0x88, s3;
	s6 =	simm.s32 @!p1 $0x1082;
	[sflag:s4] =	ssyncset.s32 $0xFFFFF086  }
0x25: {  	[simem:s6], [sflag:s4] =	dma.local [hbm:s3], $0xF7A  }
0x26: {  	[smem:$0x3F9F] =	sst s1;
	(tag) =	ssettag s2;
	_ =	strace s9  }
0x27: {  	s1 =	sld [smem:$0x3FAF]  }
0x28: {  	s2 =	sld [smem:$0x3FB0]  }
0x29: {  	s4 =	sld [smem:$0x3FB2]  }
0x2a: {  	p0 =	seq.s32 s5, $0x0;
	s5 =	sld [smem:$0x3FB3]  }
0x2b: {  	s6 =	sld [smem:$0x3FB4]  }
0x2c: {  	s7 =	sld [smem:$0x3FB5]  }
0x2d: {  	s3 =	simm.s32 $0x108;
	s8 =	sld [smem:$0x3FB6]  }
0x2e: {  	s3 =	simm.s32 @!p0 $0x1082;
	s9 =	sld [smem:$0x3FB7]  }
0x2f: {  	lr =	sadd.s32 s0, s3;
	s0 =	sld [smem:$0x3FAE]  }
0x30: {  	s3 =	sld [smem:$0x3FB1]  }
0x31: {  	[smem:$0x3FBA] =	sst s10  }
0x32: {  	s10 =	sld [smem:$0x3FB8];
	_ =	sdelay $0x3  }
0x33: {  	p0 =	seq.s32 s10, $0x1;
	s10 =	sld [smem:$0x3FBA];
	_ =	sdelay $0x3  }
0x34: {  	[smem:$0x3FBA] =	sst s10  }
0x35: {  	s10 =	sld [smem:$0x3FB9];
	_ =	sdelay $0x3  }
0x36: {  	p1 =	seq.s32 s10, $0x1;
	s10 =	sld [smem:$0x3FBA];
	_ =	sdelay $0x3  }
0x37: {  	[smem:$0x3FBA] =	sst s10  }
0x38: {  	s10 =	sld [smem:$0x3FBB]  }
0x39: {  	_ = 	snop;
	(pc) =	sbr.ind lr, $3  }
0x3a: {  	_ = 	snop  }
0x3b: {  	_ = 	snop  }
0x3c: {  	p2 =	seq.s32 s10, $0x1;
	s10 =	sld [smem:$0x3FBA]  }
0x3d: {  	_ =	shalt  }
0x3e: {  	_ =	shalt  }
0x3f: {  	_ =	shalt  }
0x40: {  	_ =	shalt  }
0x41: {  	_ =	shalt  }
0x42: {  	_ =	shalt  }
0x43: {  	_ =	shalt  }
0x44: {  	_ =	shalt  }
0x45: {  	_ =	shalt  }
0x46: {  	_ =	shalt  }
0x47: {  	_ =	shalt  }
0x48: {  	_ =	shalt  }
0x49: {  	_ =	shalt  }
0x4a: {  	_ =	shalt  }
0x4b: {  	_ =	shalt  }
0x4c: {  	_ =	shalt  }
0x4d: {  	_ =	shalt  }
0x4e: {  	_ =	shalt  }
0x4f: {  	_ =	shalt  }
0x50: {  	_ =	shalt  }
0x51: {  	_ =	shalt  }
0x52: {  	_ =	shalt  }
0x53: {  	_ =	shalt  }
0x54: {  	_ =	shalt  }
0x55: {  	_ =	shalt  }
0x56: {  	_ =	shalt  }
0x57: {  	_ =	shalt  }
0x58: {  	_ =	shalt  }
0x59: {  	_ =	shalt  }
0x5a: {  	_ =	shalt  }
0x5b: {  	_ =	shalt  }
0x5c: {  	_ =	shalt  }
0x5d: {  	_ =	shalt  }
0x5e: {  	_ =	shalt  }
0x5f: {  	_ =	shalt  }
0x60: {  	_ =	shalt  }
0x61: {  	_ =	shalt  }
0x62: {  	_ =	shalt  }
0x63: {  	_ =	shalt  }
0x64: {  	_ =	shalt  }
0x65: {  	_ =	shalt  }
0x66: {  	_ =	shalt  }
0x67: {  	_ =	shalt  }
0x68: {  	_ =	shalt  }
0x69: {  	_ =	shalt  }
0x6a: {  	_ =	shalt  }
0x6b: {  	_ =	shalt  }
0x6c: {  	_ =	shalt  }
0x6d: {  	_ =	shalt  }
0x6e: {  	_ =	shalt  }
0x6f: {  	_ =	shalt  }
0x70: {  	_ =	shalt  }
0x71: {  	_ =	shalt  }
0x72: {  	_ =	shalt  }
0x73: {  	_ =	shalt  }
0x74: {  	_ =	shalt  }
0x75: {  	_ =	shalt  }
0x76: {  	_ =	shalt  }
0x77: {  	_ =	shalt  }
0x78: {  	_ =	shalt  }
0x79: {  	_ =	shalt  }
0x7a: {  	_ =	shalt  }
0x7b: {  	_ =	shalt  }
0x7c: {  	_ =	shalt  }
0x7d: {  	_ =	shalt  }
0x7e: {  	_ =	shalt  }
0x7f: {  	_ =	shalt  }
0x80: {  	_ =	shalt  }
0x81: {  	_ =	shalt  }
0x82: {  	_ =	shalt  }
0x83: {  	_ =	shalt  }
0x84: {  	_ =	shalt  }
0x85: {  	_ =	shalt  }
0x86: {  	_ =	shalt  }
0x87: {  	_ =	shalt  }
.Lfunc_end0:
.L_simem_size_0:
called_computation_lowered:
.L_overlay_start_0:
0x88: {  	s2 =	sld [smem:$0x3FD9]  }
0x89: {  	s3 =	sld [smem:$0x3FFE];
	_ =	sdelay $0x1  }
0x8a: {  	s1 =	srdreg.scid  }
0x8b: {  	s0 =	sand.u32 $0x1, s1  }
0x8c: {  	s17 =	sshll.u32 s0, $0xA;
	s2 =	sadd.s32 s3, s2  }
0x8d: {  	s2 =	sadd.s32 s2, s17  }
0x8e: {  	[smem:$0x3FC6] =	sst s2  }
0x8f: {  	_ = 	snop  }
0x90: {  	s2 =	sld [smem:$0x3FC8]  }
0x91: {  	s18 =	sld [smem:$0x3FD0];
	(tm) =	ssettm $0x1  }
0x92: {  	s4 =	sld [smem:$0x3FFB];
	_ =	sdelay $0x3  }
0x93: {  	_ =	strace s4  }
0x94: {  	s4 =	sld [smem:$0x3FFC];
	_ =	sdelay $0x3  }
0x95: {  	_ =	strace s4  }
0x96: {  	s4 =	sld [smem:$0x3FFD];
	_ =	sdelay $0x3  }
0x97: {  	_ =	strace s4  }
0x98: {  	_ =	strace $0x8FFFFFFF  }
0x99: {  	s19 =	sld [smem:$0x3FDB];
	_ =	sdelay $0x1  }
0x9a: {  	s5 =	simm.s32 $_scs_section_size  }
0x9b: {  	s6 =	simm.s32 $_size__tile_overlayer_lowered;
	s7 =	simm.s32 $_tile_overlayer_lowered  }
0x9c: {  	s22 =	simm.s32 $0x1BFF;
	s21 =	sshll.u32 s7, $0x1;
	s4 =	sadd.s32 s5, s19  }
0x9d: {  	s8 =	simm.s32 $0x0;
	s20 =	sshll.u32 s6, $0x1;
	s6 =	sadd.s32 s21, s4  }
0x9e: {  	[timem:s8], [sflag:s22] =	dma.local [hbm:s6], s20  }
0x9f: {  	_ =	swait.ge [sflag:s22], s20  }
0xa0: {  	s5 =	ssub.s32 $0x0, s20;
	[sflag:s22] =	ssyncset.done $0x0  }
0xa1: {  	[sflag:s22] =	ssyncadd.s32 s5;
	_ =	sdelay $0x1  }
0xa2: {  	s23 =	simm.s32 $0x1B8B  }
0xa3: {  	_ =	swait.ge [sflag:s23], $0x1  }
0xa4: {  	[sflag:s23] =	ssyncset.done $0x0  }
0xa5: {  	s25 =	simm.s32 $0x1B8E;
	s24 =	sld [smem:$0x3FFE];
	[sflag:s23] =	ssyncadd.s32 $0xFFFFFFFF  }
0xa6: {  	s26 =	simm.s32 $execute0_lowered;
	[smem:$0x3FD2] =	sst s25  }
0xa7: {  	s6 =	sshll.u32 s26, $0x1;
	_ =	strace $0x80000046;
	[dreg:$0x1] =	wrdreg $0xFFFFFFFF  }
0xa8: {  	s28 =	simm.s32 $_size_execute0_lowered;
	s4 =	sadd.s32 s4, s6;
	[dreg:$0x0] =	wrdreg $0x0  }
0xa9: {  	s6 =	sshll.u32 s28, $0x1;
	[dreg:$0x2] =	wrdreg s4  }
0xaa: {  	[dreg:$0x3] =	wrdreg s6  }
0xab: {  	[dreg:$0x4] =	wrdreg $0xC0  }
0xac: {  	_ =	task [dreg:s8], $0x5FFFF  }
0xad: {  	[dreg:$0x1] =	wrdreg $0xFFFFFFFF  }
0xae: {  	[dreg:$0x0] =	wrdreg $0x60  }
0xaf: {  	[dreg:$0x2] =	wrdreg s24  }
0xb0: {  	[dreg:$0x3] =	wrdreg s2  }
0xb1: {  	[dreg:$0x4] =	wrdreg s18  }
0xb2: {  	[dreg:$0x5] =	wrdreg $0x9  }
0xb3: {  	_ =	task.clear_ibuf [dreg:s8], $0x6FFFF;
	_ =	strace $0x90000046  }
0xb4: {  	s29 =	simm.s32 $0x9;
	_ =	strace $0x80000048  }
0xb5: {  	_ =	swait.ge [sflag:s29], $0x1  }
0xb6: {  	[sflag:s29] =	ssyncadd.s32 $0xFFFFFFFF  }
0xb7: {  	_ =	strace $0x90000048  }
0xb8: {  	_ =	sfence  }
0xb9: {  	s30 =	sld [smem:$0x0];
	_ =	sdelay $0x2  }
0xba: {  	s31 =	sshll.u32 s1, $0xD;
	s1 =	sshrl.u32 s1, $0x2  }
0xbb: {  	s3 =	sand.u32 $0x4000, s31;
	s1 =	sadd.s32 s1, s30  }
0xbc: {  	s0 =	sor.u32 s3, s0;
	s1 =	sshll.u32 s1, $0x11  }
0xbd: {  	s0 =	sor.u32 s1, s0  }
0xbe: {  	s0 =	sadd.s32 $0x8F2B, s0  }
0xbf: {  	[sflag:s0] =	ssyncadd.remote.s32 $0x1  }
0xc0: {  	_ =	sfence.sel $0xFFFF  }
0xc1: {  	[dreg:$0x0] =	wrdreg $0xFFFFFFFF;
	(pc) =	sbr.abs _section_cstart, $3  }
0xc2: {  	[dreg:$0x1] =	wrdreg $0xFFFFFFFF  }
0xc3: {  	_ =	task.clear_ibuf [dreg:s8], $0x2FFFF;
	_ =	strace $0x9FFFFFFF  }
0xc4: {  	(tm) =	ssettm $0x7FFFFFFF  }
0xc5: {  	_ =	shalt  }
tec
execute0_lowered:
.L_overlay_start_1:
0x0: {  	(tag) =	ssettag $0x1  }
0x1: {  	s0 =	rddreg [dreg:$0x0]  }
0x2: {  	s1 =	rddreg [dreg:$0x1]  }
0x3: {  	s2 =	rddreg [dreg:$0x2]  }
0x4: {  	s4 =	srdreg.scid;
	s3 =	simm.s32 $0x0;
	s5 =	stileid.u32  }
0x5: {  	s28 =	simm.s32 $0x6200;
	s29 =	simm.s32 $0x1200;
	s31 =	simm.s32 $0x3200  }
0x6: {  	s30 =	simm.s32 $0x7200;
	s4 =	sand.u32 $0x1, s4;
	[smem:$0x7FF] =	sst s3  }
0x7: {  	s5 =	sshll.u32 s5, $0x7;
	s6 =	sshll.u32 s4, $0x6;
	s4 =	ssub.s32 $0x2, s4  }
0x8: {  	s18 =	sadd.s32 $0x400, s0;
	s5 =	sor.u32 s6, s5;
	s8 =	sshrl.u32 s4, $0x1  }
0x9: {  	_ =	strace $0x80000047;
	s7 =	sshll.u32 s5, $0x4;
	s4 =	ssub.s32 s4, s8  }
0xa: {  	s19 =	sshrl.u32 s5, $0x3;
	s20 =	sor.u32 $0x800, s5;
	s10 =	sor.u32 $0x1000, s5  }
0xb: {  	s5 =	sor.u32 $0x1800, s5;
	s0 =	sadd.s32 s7, s0;
	s8 =	sadd.s32 s18, s19  }
0xc: {  	s9 =	sshrl.u32 s20, $0x3;
	s11 =	sshrl.u32 s10, $0x3;
	s22 =	sshrl.u32 s5, $0x3  }
0xd: {  	s23 =	sshll.u32 s20, $0x4;
	s24 =	sshll.u32 s10, $0x4;
	s5 =	sshll.u32 s5, $0x4  }
0xe: {  	s17 =	smax.u32 s4, $0x1;
	s4 =	simm.s32 $0x5;
	s19 =	simm.s32 $0xA  }
0xf: {  	s20 =	simm.s32 $0xB;
	[dreg:$0x4] =	wrdreg s8;
	s9 =	sadd.s32 s18, s9  }
0x10: {  	s21 =	sadd.s32 s18, s11;
	s6 =	sadd.s32 s18, s22;
	[dreg:$0x5] =	wrdreg s9  }
0x11: {  	s0 =	sadd.s32 $0x800, s0;
	s25 =	sadd.s32 s2, s24;
	[dreg:$0x6] =	wrdreg s21  }
0x12: {  	s26 =	sadd.s32 s2, s5;
	s22 =	simm.s32 $0x20;
	[dreg:$0x7] =	wrdreg s6  }
0x13: {  	s5 =	simm.s32 $0x7;
	s18 =	simm.s32 $0x6;
	[dreg:$0x8] =	wrdreg s0  }
0x14: {  	s8 =	simm.s32 $0x8;
	s9 =	sadd.s32 s2, s7;
	[dreg:$0xa] =	wrdreg s25  }
0x15: {  	s0 =	sadd.s32 s2, s23;
	[dreg:$0xb] =	wrdreg s26;
	s21 =	simm.s32 $0x1  }
0x16: {  	s26 =	simm.s32 $0x4200;
	s2 =	simm.s32 $0x5200;
	s25 =	simm.s32 $0x3  }
0x17: {  	s6 =	simm.s32 $0x9;
	s7 =	simm.s32 $0x4;
	s23 =	simm.s32 $0x0  }
0x18: {  	[dreg:$0x9] =	wrdreg s0;
	s13 =	sadd.s32 $0x200, s9;
	s14 =	sadd.s32 $0x8200, s9  }
0x19: {  	s15 =	sadd.s32 $0x10200, s9;
	s16 =	sadd.s32 $0x18200, s9;
	s0 =	simm.s32 $0x2  }
.LBB2_1:
0x1a: {  	s10 =	rddreg [dreg:$0x4]  }
0x1b: {  	[tilespmem:s3], [sflag:$0x1] =	stream.linear.gather [hbm4b:s10+s3], $0x40, $0x38;
	[tilespmem:$0xA200] =	vst v63  }
0x1c: {  	s24 =	rddreg [dreg:$0x5];
	s11 =	simm.s32 $0x80  }
0x1d: {  	[tilespmem:s11], [sflag:$0x1] =	stream.linear.gather [hbm4b:s24+s3], $0x40, $0x38;
	[tilespmem:$0xA200] =	vst v63  }
0x1e: {  	s12 =	rddreg [dreg:$0x6];
	s24 =	simm.s32 $0x100  }
0x1f: {  	[tilespmem:s24], [sflag:$0x1] =	stream.linear.gather [hbm4b:s12+s3], $0x40, $0x38;
	[tilespmem:$0xA200] =	vst v63  }
0x20: {  	s10 =	rddreg [dreg:$0x7];
	s12 =	simm.s32 $0x180  }
0x21: {  	[tilespmem:s12], [sflag:$0x1] =	stream.linear.gather [hbm4b:s10+s3], $0x40, $0x38;
	[tilespmem:$0xA200] =	vst v63  }
0x22: {  	_ =	swait.ge [sflag:s21], $0x40  }
0x23: {  	[sflag:s21] =	ssyncset.done $0x0  }
0x24: {  	s10 =	simm.s32 $0x200;
	[sflag:s21] =	ssyncadd.s32 $0xFFFFFFC0  }
0x25: {  	[tilespmem:s10], [sflag:$0x3] =	stream.indirect.gather [hbm4b:s1+s22], $0x80, s3, s22, $0xb8;
	[tilespmem:$0xA200] =	vst v63  }
0x26: {  	_ =	swait.ge [sflag:s21], $0x40  }
0x27: {  	[sflag:s21] =	ssyncset.done $0x0  }
0x28: {  	s10 =	simm.s32 $0x2200;
	[sflag:s21] =	ssyncadd.s32 $0xFFFFFFC0  }
0x29: {  	[tilespmem:s10], [sflag:$0x5] =	stream.indirect.gather [hbm4b:s1+s22], $0x80, s11, s22, $0xb8;
	[tilespmem:$0xA200] =	vst v63  }
0x2a: {  	s10 =	rddreg [dreg:$0x8];
	s11 =	simm.s32 $0x8200  }
0x2b: {  	[tilespmem:s11], [sflag:$0x2] =	stream.linear.gather [hbm4b:s10+s3], $0x2000, $0x38;
	[tilespmem:$0xA200] =	vst v63  }
0x2c: {  	_ =	swait.ge [sflag:s21], $0x40  }
0x2d: {  	[sflag:s21] =	ssyncset.done $0x0  }
0x2e: {  	[sflag:s21] =	ssyncadd.s32 $0xFFFFFFC0  }
0x2f: {  	_ =	swait.ge [sflag:s21], $0x40  }
0x30: {  	[sflag:s21] =	ssyncset.done $0x0  }
0x31: {  	[sflag:s21] =	ssyncadd.s32 $0xFFFFFFC0  }
0x32: {  	[tilespmem:s26], [sflag:$0x7] =	stream.indirect.gather [hbm4b:s1+s22], $0x80, s24, s22, $0xb8;
	[tilespmem:$0xA200] =	vst v63  }
0x33: {  	_ = 	snop  }
0x34: {  	[tilespmem:s28], [sflag:$0x9] =	stream.indirect.gather [hbm4b:s1+s22], $0x80, s12, s22, $0xb8;
	[tilespmem:$0xA200] =	vst v63  }
0x35: {  	_ = 	snop  }
0x36: {  	[tilespmem:s29], [sflag:$0x4] =	stream.indirect.gather [hbm4b:s1+s22], $0x80, s22, s22, $0xb8;
	[tilespmem:$0xA200] =	vst v63  }
0x37: {  	s11 =	simm.s32 $0xA0  }
0x38: {  	[tilespmem:s31], [sflag:$0x6] =	stream.indirect.gather [hbm4b:s1+s22], $0x80, s11, s22, $0xb8;
	[tilespmem:$0xA200] =	vst v63  }
0x39: {  	s12 =	simm.s32 $0x120  }
0x3a: {  	[tilespmem:s2], [sflag:$0x8] =	stream.indirect.gather [hbm4b:s1+s22], $0x80, s12, s22, $0xb8;
	[tilespmem:$0xA200] =	vst v63  }
0x3b: {  	s24 =	simm.s32 $0x1A0  }
0x3c: {  	[tilespmem:s30], [sflag:$0xA] =	stream.indirect.gather [hbm4b:s1+s22], $0x80, s24, s22, $0xb8;
	[tilespmem:$0xA200] =	vst v63  }
0x3d: {  	_ =	swait.ge [sflag:s0], $0x2000  }
0x3e: {  	[sflag:s0] =	ssyncset.done $0x0  }
0x3f: {  	[sflag:s0] =	ssyncadd.s32 $0xFFFFE000  }
0x40: {  	_ =	swait.ge [sflag:s25], $0x1000  }
0x41: {  	[sflag:s25] =	ssyncset.done $0x0  }
0x42: {  	[sflag:s25] =	ssyncadd.s32 $0xFFFFF000  }
0x43: {  	_ =	swait.ge [sflag:s4], $0x1000  }
0x44: {  	[sflag:s4] =	ssyncset.done $0x0  }
0x45: {  	s10 =	simm.s32 $0x0;
	[sflag:s4] =	ssyncadd.s32 $0xFFFFF000  }
0x46: {  	v3 =	vld [tilespmem:s10+$0x8200]  }
0x47: {  	v5 =	vld [tilespmem:s10+$0x8210]  }
0x48: {  	v6 =	vld [tilespmem:s10+$0x8220]  }
0x49: {  	v7 =	vld [tilespmem:s10+$0x8230]  }
0x4a: {  	v2 =	vld [tilespmem:s10+$0x8240]  }
0x4b: {  	v4 =	vld [tilespmem:s10+$0x200]  }
0x4c: {  	v8 =	vld [tilespmem:s10+$0x2200]  }
0x4d: {  	v1 =	vld [tilespmem:s10+$0x8250]  }
0x4e: {  	v9 =	vld [tilespmem:s10+$0x210]  }
0x4f: {  	v10 =	vld [tilespmem:s10+$0x2210]  }
0x50: {  	v0 =	vld [tilespmem:s10+$0x8260]  }
0x51: {  	v11 =	vld [tilespmem:s10+$0x220];
	v4 =	vmul.f32 $1.131370830e+01, v4;
	v8 =	vmul.f32 $1.131370830e+01, v8  }
0x52: {  	v12 =	vld [tilespmem:s10+$0x2220]  }
0x53: {  	v13 =	vld [tilespmem:s10+$0x230];
	v4 =	vadd.f32 v4, v3;
	v3 =	vadd.f32 v8, v3;
	v8 =	vmul.f32 $1.131370830e+01, v9  }
0x54: {  	v14 =	vld [tilespmem:s10+$0x2230];
	v10 =	vmul.f32 $1.131370830e+01, v10  }
0x55: {  	v15 =	vld [tilespmem:s10+$0x240];
	[tilespmem:s10+$0x200] =	vst v4;
	v8 =	vadd.f32 v8, v5  }
0x56: {  	v9 =	vld [tilespmem:s10+$0x2240];
	v10 =	vadd.f32 v10, v5;
	[tilespmem:s10+$0x2200] =	vst v3;
	v3 =	vmul.f32 $1.131370830e+01, v11  }
0x57: {  	v4 =	vld [tilespmem:s10+$0x250];
	[tilespmem:s10+$0x210] =	vst v8;
	v8 =	vmul.f32 $1.131370830e+01, v12  }
0x58: {  	v5 =	vld [tilespmem:s10+$0x2250];
	[tilespmem:s10+$0x2210] =	vst v10;
	v10 =	vmul.f32 $1.131370830e+01, v13;
	v11 =	vadd.f32 v3, v6  }
0x59: {  	v63 =	vmul.f32 $1.131370830e+01, v14;
	v3 =	vld [tilespmem:s10+$0x260];
	v8 =	vadd.f32 v8, v6  }
0x5a: {  	v10 =	vadd.f32 v10, v7;
	[tilespmem:s10+$0x220] =	vst v11;
	v6 =	vld [tilespmem:s10+$0x2260];
	v11 =	vmul.f32 $1.131370830e+01, v15  }
0x5b: {  	s24 =	simm.s32 $0x200;
	v9 =	vmul.f32 $1.131370830e+01, v9;
	[tilespmem:s10+$0x2220] =	vst v8;
	v8 =	vadd.f32 v63, v7;
	v7 =	vld [tilespmem:s10+$0x270]  }
.LBB2_2:
0x5c: {  	p0 =	sne.s32 s24, $0x3E00;
	[tilespmem:s10+$0x230] =	vst v10;
	v10 =	vadd.f32 v11, v2;
	v4 =	vmul.f32 $1.131370830e+01, v4;
	v11 =	vld [tilespmem:s10+$0x2270]  }
0x5d: {  	s11 =	sshra.s32 s24, $0x2;
	[tilespmem:s10+$0x2230] =	vst v8;
	v2 =	vadd.f32 v9, v2;
	v5 =	vmul.f32 $1.131370830e+01, v5;
	v8 =	vld [tilespmem:s10+$0x8270]  }
0x5e: {  	v9 =	vld [tilespmem:s11+$0x8200];
	[tilespmem:s10+$0x240] =	vst v10;
	v4 =	vadd.f32 v4, v1;
	v3 =	vmul.f32 $1.131370830e+01, v3  }
0x5f: {  	v10 =	vld [tilespmem:s11+$0x8210];
	[tilespmem:s10+$0x2240] =	vst v2;
	v1 =	vadd.f32 v5, v1;
	v2 =	vmul.f32 $1.131370830e+01, v6  }
0x60: {  	v6 =	vld [tilespmem:s11+$0x8220];
	[tilespmem:s10+$0x250] =	vst v4;
	v3 =	vadd.f32 v3, v0;
	v4 =	vmul.f32 $1.131370830e+01, v7  }
0x61: {  	v7 =	vld [tilespmem:s11+$0x8230];
	[tilespmem:s10+$0x2250] =	vst v1;
	v0 =	vadd.f32 v2, v0;
	v5 =	vmul.f32 $1.131370830e+01, v11  }
0x62: {  	v2 =	vld [tilespmem:s11+$0x8240];
	[tilespmem:s10+$0x260] =	vst v3;
	v3 =	vadd.f32 v4, v8  }
0x63: {  	v1 =	vld [tilespmem:s11+$0x8250];
	[tilespmem:s10+$0x2260] =	vst v0;
	v4 =	vadd.f32 v5, v8  }
0x64: {  	v0 =	vld [tilespmem:s11+$0x8260];
	[tilespmem:s10+$0x270] =	vst v3  }
0x65: {  	v3 =	vld [tilespmem:s11+$0x200];
	[tilespmem:s10+$0x2270] =	vst v4;
	s10 =	smov.u32 s11  }
0x66: {  	v4 =	vld [tilespmem:s10+$0x2200]  }
0x67: {  	v5 =	vld [tilespmem:s10+$0x210]  }
0x68: {  	v8 =	vld [tilespmem:s10+$0x2210]  }
0x69: {  	v11 =	vld [tilespmem:s10+$0x220]  }
0x6a: {  	v3 =	vmul.f32 $1.131370830e+01, v3;
	v12 =	vld [tilespmem:s10+$0x2220]  }
0x6b: {  	v4 =	vmul.f32 $1.131370830e+01, v4;
	v13 =	vld [tilespmem:s10+$0x230]  }
0x6c: {  	v3 =	vadd.f32 v3, v9;
	v5 =	vmul.f32 $1.131370830e+01, v5;
	v14 =	vld [tilespmem:s10+$0x2230]  }
0x6d: {  	v4 =	vadd.f32 v4, v9;
	v8 =	vmul.f32 $1.131370830e+01, v8;
	v9 =	vld [tilespmem:s10+$0x240]  }
0x6e: {  	[tilespmem:s10+$0x200] =	vst v3;
	v3 =	vadd.f32 v5, v10;
	v5 =	vmul.f32 $1.131370830e+01, v11;
	v15 =	vld [tilespmem:s10+$0x2240]  }
.Ltmp0:
0x6f: {  	[tilespmem:s10+$0x2200] =	vst v4;
	v8 =	vadd.f32 v8, v10;
	v10 =	vmul.f32 $1.131370830e+01, v12;
	v4 =	vld [tilespmem:s10+$0x250];
	(pc) =	sbr.rel @p0 .LBB2_2-.Ltmp0, $4  }
0x70: {  	[tilespmem:s10+$0x210] =	vst v3;
	v11 =	vadd.f32 v5, v6;
	v12 =	vmul.f32 $1.131370830e+01, v13;
	v5 =	vld [tilespmem:s10+$0x2250]  }
0x71: {  	[tilespmem:s10+$0x2210] =	vst v8;
	v8 =	vadd.f32 v10, v6;
	v13 =	vmul.f32 $1.131370830e+01, v14;
	v3 =	vld [tilespmem:s10+$0x260]  }
0x72: {  	[tilespmem:s10+$0x220] =	vst v11;
	v10 =	vadd.f32 v12, v7;
	v11 =	vmul.f32 $1.131370830e+01, v9;
	v6 =	vld [tilespmem:s10+$0x2260]  }
0x73: {  	s24 =	sadd.s32 $0x200, s24;
	[tilespmem:s10+$0x2220] =	vst v8;
	v8 =	vadd.f32 v13, v7;
	v9 =	vmul.f32 $1.131370830e+01, v15;
	v7 =	vld [tilespmem:s10+$0x270]  }
0x74: {  	[tilespmem:s10+$0x230] =	vst v10;
	v10 =	vld [tilespmem:s10+$0x2270];
	v11 =	vadd.f32 v11, v2;
	v4 =	vmul.f32 $1.131370830e+01, v4  }
0x75: {  	[tilespmem:s10+$0x2230] =	vst v8;
	v2 =	vadd.f32 v9, v2;
	v5 =	vmul.f32 $1.131370830e+01, v5;
	v8 =	vld [tilespmem:s10+$0x8270]  }
0x76: {  	[tilespmem:s10+$0x240] =	vst v11;
	v4 =	vadd.f32 v4, v1;
	v3 =	vmul.f32 $1.131370830e+01, v3  }
0x77: {  	[tilespmem:s10+$0x2240] =	vst v2;
	v1 =	vadd.f32 v5, v1;
	v2 =	vmul.f32 $1.131370830e+01, v6  }
0x78: {  	[tilespmem:s10+$0x250] =	vst v4;
	v3 =	vadd.f32 v3, v0;
	v4 =	vmul.f32 $1.131370830e+01, v7  }
0x79: {  	[tilespmem:s10+$0x2250] =	vst v1;
	v0 =	vadd.f32 v2, v0;
	v1 =	vmul.f32 $1.131370830e+01, v10  }
0x7a: {  	[tilespmem:s10+$0x260] =	vst v3;
	v2 =	vadd.f32 v4, v8  }
0x7b: {  	[tilespmem:s10+$0x2260] =	vst v0;
	v0 =	vadd.f32 v1, v8  }
0x7c: {  	[tilespmem:s10+$0x270] =	vst v2  }
0x7d: {  	s11 =	simm.s32 $0x200;
	[tilespmem:s10+$0x2270] =	vst v0;
	s10 =	simm.s32 $0x0  }
0x7e: {  	[hbm4b:s9+s10] =	stream.linear.scatter [tilespmem:s11], [sflag:$0xB], $0x1000, $0x38;
	[tilespmem:$0xA200] =	vst v63  }
0x7f: {  	s24 =	rddreg [dreg:$0x9];
	s12 =	simm.s32 $0x2200  }
0x80: {  	[hbm4b:s24+s10] =	stream.linear.scatter [tilespmem:s12], [sflag:$0xB], $0x1000, $0x38;
	[tilespmem:$0xA200] =	vst v63  }
0x81: {  	_ =	swait.ge [sflag:s5], $0x1000  }
0x82: {  	[sflag:s5] =	ssyncset.done $0x0  }
0x83: {  	[sflag:s5] =	ssyncadd.s32 $0xFFFFF000  }
0x84: {  	_ =	swait.ge [sflag:s6], $0x1000  }
0x85: {  	[sflag:s6] =	ssyncset.done $0x0  }
0x86: {  	s10 =	simm.s32 $0x0;
	[sflag:s6] =	ssyncadd.s32 $0xFFFFF000  }
0x87: {  	v3 =	vld [tilespmem:s10+$0x8200]  }
0x88: {  	v5 =	vld [tilespmem:s10+$0x8210]  }
0x89: {  	v6 =	vld [tilespmem:s10+$0x8220]  }
0x8a: {  	v7 =	vld [tilespmem:s10+$0x8230]  }
0x8b: {  	v2 =	vld [tilespmem:s10+$0x8240]  }
0x8c: {  	v4 =	vld [tilespmem:s10+$0x4200]  }
0x8d: {  	v8 =	vld [tilespmem:s10+$0x6200]  }
0x8e: {  	v1 =	vld [tilespmem:s10+$0x8250]  }
0x8f: {  	v9 =	vld [tilespmem:s10+$0x4210]  }
0x90: {  	v10 =	vld [tilespmem:s10+$0x6210]  }
0x91: {  	v0 =	vld [tilespmem:s10+$0x8260]  }
0x92: {  	v11 =	vld [tilespmem:s10+$0x4220];
	v4 =	vmul.f32 $1.131370830e+01, v4;
	v8 =	vmul.f32 $1.131370830e+01, v8  }
0x93: {  	v12 =	vld [tilespmem:s10+$0x6220]  }
0x94: {  	v13 =	vld [tilespmem:s10+$0x4230];
	v4 =	vadd.f32 v4, v3;
	v3 =	vadd.f32 v8, v3;
	v8 =	vmul.f32 $1.131370830e+01, v9  }
0x95: {  	v14 =	vld [tilespmem:s10+$0x6230];
	v10 =	vmul.f32 $1.131370830e+01, v10  }
0x96: {  	v15 =	vld [tilespmem:s10+$0x4240];
	[tilespmem:s10+$0x4200] =	vst v4;
	v8 =	vadd.f32 v8, v5  }
0x97: {  	v9 =	vld [tilespmem:s10+$0x6240];
	v10 =	vadd.f32 v10, v5;
	[tilespmem:s10+$0x6200] =	vst v3;
	v3 =	vmul.f32 $1.131370830e+01, v11  }
0x98: {  	v4 =	vld [tilespmem:s10+$0x4250];
	[tilespmem:s10+$0x4210] =	vst v8;
	v8 =	vmul.f32 $1.131370830e+01, v12  }
0x99: {  	v5 =	vld [tilespmem:s10+$0x6250];
	[tilespmem:s10+$0x6210] =	vst v10;
	v10 =	vmul.f32 $1.131370830e+01, v13;
	v11 =	vadd.f32 v3, v6  }
0x9a: {  	v63 =	vmul.f32 $1.131370830e+01, v14;
	v3 =	vld [tilespmem:s10+$0x4260];
	v8 =	vadd.f32 v8, v6  }
0x9b: {  	v10 =	vadd.f32 v10, v7;
	[tilespmem:s10+$0x4220] =	vst v11;
	v6 =	vld [tilespmem:s10+$0x6260];
	v11 =	vmul.f32 $1.131370830e+01, v15  }
0x9c: {  	s24 =	simm.s32 $0x200;
	v9 =	vmul.f32 $1.131370830e+01, v9;
	[tilespmem:s10+$0x6220] =	vst v8;
	v8 =	vadd.f32 v63, v7;
	v7 =	vld [tilespmem:s10+$0x4270]  }
.LBB2_4:
0x9d: {  	p0 =	sne.s32 s24, $0x3E00;
	[tilespmem:s10+$0x4230] =	vst v10;
	v10 =	vadd.f32 v11, v2;
	v4 =	vmul.f32 $1.131370830e+01, v4;
	v11 =	vld [tilespmem:s10+$0x6270]  }
0x9e: {  	s11 =	sshra.s32 s24, $0x2;
	[tilespmem:s10+$0x6230] =	vst v8;
	v2 =	vadd.f32 v9, v2;
	v5 =	vmul.f32 $1.131370830e+01, v5;
	v8 =	vld [tilespmem:s10+$0x8270]  }
0x9f: {  	v9 =	vld [tilespmem:s11+$0x8200];
	[tilespmem:s10+$0x4240] =	vst v10;
	v4 =	vadd.f32 v4, v1;
	v3 =	vmul.f32 $1.131370830e+01, v3  }
0xa0: {  	v10 =	vld [tilespmem:s11+$0x8210];
	[tilespmem:s10+$0x6240] =	vst v2;
	v1 =	vadd.f32 v5, v1;
	v2 =	vmul.f32 $1.131370830e+01, v6  }
0xa1: {  	v6 =	vld [tilespmem:s11+$0x8220];
	[tilespmem:s10+$0x4250] =	vst v4;
	v3 =	vadd.f32 v3, v0;
	v4 =	vmul.f32 $1.131370830e+01, v7  }
0xa2: {  	v7 =	vld [tilespmem:s11+$0x8230];
	[tilespmem:s10+$0x6250] =	vst v1;
	v0 =	vadd.f32 v2, v0;
	v5 =	vmul.f32 $1.131370830e+01, v11  }
0xa3: {  	v2 =	vld [tilespmem:s11+$0x8240];
	[tilespmem:s10+$0x4260] =	vst v3;
	v3 =	vadd.f32 v4, v8  }
0xa4: {  	v1 =	vld [tilespmem:s11+$0x8250];
	[tilespmem:s10+$0x6260] =	vst v0;
	v4 =	vadd.f32 v5, v8  }
0xa5: {  	v0 =	vld [tilespmem:s11+$0x8260];
	[tilespmem:s10+$0x4270] =	vst v3  }
0xa6: {  	v3 =	vld [tilespmem:s11+$0x4200];
	[tilespmem:s10+$0x6270] =	vst v4;
	s10 =	smov.u32 s11  }
0xa7: {  	v4 =	vld [tilespmem:s10+$0x6200]  }
0xa8: {  	v5 =	vld [tilespmem:s10+$0x4210]  }
0xa9: {  	v8 =	vld [tilespmem:s10+$0x6210]  }
0xaa: {  	v11 =	vld [tilespmem:s10+$0x4220]  }
0xab: {  	v3 =	vmul.f32 $1.131370830e+01, v3;
	v12 =	vld [tilespmem:s10+$0x6220]  }
0xac: {  	v4 =	vmul.f32 $1.131370830e+01, v4;
	v13 =	vld [tilespmem:s10+$0x4230]  }
0xad: {  	v3 =	vadd.f32 v3, v9;
	v5 =	vmul.f32 $1.131370830e+01, v5;
	v14 =	vld [tilespmem:s10+$0x6230]  }
0xae: {  	v4 =	vadd.f32 v4, v9;
	v8 =	vmul.f32 $1.131370830e+01, v8;
	v9 =	vld [tilespmem:s10+$0x4240]  }
0xaf: {  	[tilespmem:s10+$0x4200] =	vst v3;
	v3 =	vadd.f32 v5, v10;
	v5 =	vmul.f32 $1.131370830e+01, v11;
	v15 =	vld [tilespmem:s10+$0x6240]  }
.Ltmp1:
0xb0: {  	[tilespmem:s10+$0x6200] =	vst v4;
	v8 =	vadd.f32 v8, v10;
	v10 =	vmul.f32 $1.131370830e+01, v12;
	v4 =	vld [tilespmem:s10+$0x4250];
	(pc) =	sbr.rel @p0 .LBB2_4-.Ltmp1, $4  }
0xb1: {  	[tilespmem:s10+$0x4210] =	vst v3;
	v11 =	vadd.f32 v5, v6;
	v12 =	vmul.f32 $1.131370830e+01, v13;
	v5 =	vld [tilespmem:s10+$0x6250]  }
0xb2: {  	[tilespmem:s10+$0x6210] =	vst v8;
	v8 =	vadd.f32 v10, v6;
	v13 =	vmul.f32 $1.131370830e+01, v14;
	v3 =	vld [tilespmem:s10+$0x4260]  }
0xb3: {  	[tilespmem:s10+$0x4220] =	vst v11;
	v10 =	vadd.f32 v12, v7;
	v11 =	vmul.f32 $1.131370830e+01, v9;
	v6 =	vld [tilespmem:s10+$0x6260]  }
0xb4: {  	s24 =	sadd.s32 $0x200, s24;
	[tilespmem:s10+$0x6220] =	vst v8;
	v8 =	vadd.f32 v13, v7;
	v9 =	vmul.f32 $1.131370830e+01, v15;
	v7 =	vld [tilespmem:s10+$0x4270]  }
0xb5: {  	[tilespmem:s10+$0x4230] =	vst v10;
	v10 =	vld [tilespmem:s10+$0x6270];
	v11 =	vadd.f32 v11, v2;
	v4 =	vmul.f32 $1.131370830e+01, v4  }
0xb6: {  	[tilespmem:s10+$0x6230] =	vst v8;
	v2 =	vadd.f32 v9, v2;
	v5 =	vmul.f32 $1.131370830e+01, v5;
	v8 =	vld [tilespmem:s10+$0x8270]  }
0xb7: {  	[tilespmem:s10+$0x4240] =	vst v11;
	v4 =	vadd.f32 v4, v1;
	v3 =	vmul.f32 $1.131370830e+01, v3  }
0xb8: {  	[tilespmem:s10+$0x6240] =	vst v2;
	v1 =	vadd.f32 v5, v1;
	v2 =	vmul.f32 $1.131370830e+01, v6  }
0xb9: {  	[tilespmem:s10+$0x4250] =	vst v4;
	v3 =	vadd.f32 v3, v0;
	v4 =	vmul.f32 $1.131370830e+01, v7  }
0xba: {  	[tilespmem:s10+$0x6250] =	vst v1;
	v0 =	vadd.f32 v2, v0;
	v1 =	vmul.f32 $1.131370830e+01, v10  }
0xbb: {  	[tilespmem:s10+$0x4260] =	vst v3;
	v2 =	vadd.f32 v4, v8  }
0xbc: {  	[tilespmem:s10+$0x6260] =	vst v0;
	v0 =	vadd.f32 v1, v8  }
0xbd: {  	[tilespmem:s10+$0x4270] =	vst v2  }
0xbe: {  	s12 =	simm.s32 $0x0;
	s11 =	rddreg [dreg:$0xa];
	[tilespmem:s10+$0x6270] =	vst v0  }
0xbf: {  	[hbm4b:s11+s12] =	stream.linear.scatter [tilespmem:s26], [sflag:$0xB], $0x1000, $0x38;
	[tilespmem:$0xA200] =	vst v63  }
0xc0: {  	s24 =	rddreg [dreg:$0xb]  }
0xc1: {  	[hbm4b:s24+s12] =	stream.linear.scatter [tilespmem:s28], [sflag:$0xB], $0x1000, $0x38;
	[tilespmem:$0xA200] =	vst v63  }
0xc2: {  	_ =	swait.ge [sflag:s7], $0x1000  }
0xc3: {  	[sflag:s7] =	ssyncset.done $0x0  }
0xc4: {  	[sflag:s7] =	ssyncadd.s32 $0xFFFFF000  }
0xc5: {  	_ =	swait.ge [sflag:s18], $0x1000  }
0xc6: {  	[sflag:s18] =	ssyncset.done $0x0  }
0xc7: {  	s10 =	simm.s32 $0x0;
	[sflag:s18] =	ssyncadd.s32 $0xFFFFF000  }
0xc8: {  	v3 =	vld [tilespmem:s10+$0x9200]  }
0xc9: {  	v5 =	vld [tilespmem:s10+$0x9210]  }
0xca: {  	v6 =	vld [tilespmem:s10+$0x9220]  }
0xcb: {  	v7 =	vld [tilespmem:s10+$0x9230]  }
0xcc: {  	v2 =	vld [tilespmem:s10+$0x9240]  }
0xcd: {  	v4 =	vld [tilespmem:s10+$0x1200]  }
0xce: {  	v8 =	vld [tilespmem:s10+$0x3200]  }
0xcf: {  	v1 =	vld [tilespmem:s10+$0x9250]  }
0xd0: {  	v9 =	vld [tilespmem:s10+$0x1210]  }
0xd1: {  	v10 =	vld [tilespmem:s10+$0x3210]  }
0xd2: {  	v0 =	vld [tilespmem:s10+$0x9260]  }
0xd3: {  	v11 =	vld [tilespmem:s10+$0x1220];
	v4 =	vmul.f32 $1.131370830e+01, v4;
	v8 =	vmul.f32 $1.131370830e+01, v8  }
0xd4: {  	v12 =	vld [tilespmem:s10+$0x3220]  }
0xd5: {  	v13 =	vld [tilespmem:s10+$0x1230];
	v4 =	vadd.f32 v4, v3;
	v3 =	vadd.f32 v8, v3;
	v8 =	vmul.f32 $1.131370830e+01, v9  }
0xd6: {  	v14 =	vld [tilespmem:s10+$0x3230];
	v10 =	vmul.f32 $1.131370830e+01, v10  }
0xd7: {  	v15 =	vld [tilespmem:s10+$0x1240];
	[tilespmem:s10+$0x1200] =	vst v4;
	v8 =	vadd.f32 v8, v5  }
0xd8: {  	v9 =	vld [tilespmem:s10+$0x3240];
	v10 =	vadd.f32 v10, v5;
	[tilespmem:s10+$0x3200] =	vst v3;
	v3 =	vmul.f32 $1.131370830e+01, v11  }
0xd9: {  	v4 =	vld [tilespmem:s10+$0x1250];
	[tilespmem:s10+$0x1210] =	vst v8;
	v8 =	vmul.f32 $1.131370830e+01, v12  }
0xda: {  	v5 =	vld [tilespmem:s10+$0x3250];
	[tilespmem:s10+$0x3210] =	vst v10;
	v10 =	vmul.f32 $1.131370830e+01, v13;
	v11 =	vadd.f32 v3, v6  }
0xdb: {  	v63 =	vmul.f32 $1.131370830e+01, v14;
	v3 =	vld [tilespmem:s10+$0x1260];
	v8 =	vadd.f32 v8, v6  }
0xdc: {  	v10 =	vadd.f32 v10, v7;
	[tilespmem:s10+$0x1220] =	vst v11;
	v6 =	vld [tilespmem:s10+$0x3260];
	v11 =	vmul.f32 $1.131370830e+01, v15  }
0xdd: {  	s24 =	simm.s32 $0x200;
	v9 =	vmul.f32 $1.131370830e+01, v9;
	[tilespmem:s10+$0x3220] =	vst v8;
	v8 =	vadd.f32 v63, v7;
	v7 =	vld [tilespmem:s10+$0x1270]  }
.LBB2_6:
0xde: {  	p0 =	sne.s32 s24, $0x3E00;
	[tilespmem:s10+$0x1230] =	vst v10;
	v10 =	vadd.f32 v11, v2;
	v4 =	vmul.f32 $1.131370830e+01, v4;
	v11 =	vld [tilespmem:s10+$0x3270]  }
0xdf: {  	s11 =	sshra.s32 s24, $0x2;
	[tilespmem:s10+$0x3230] =	vst v8;
	v2 =	vadd.f32 v9, v2;
	v5 =	vmul.f32 $1.131370830e+01, v5;
	v8 =	vld [tilespmem:s10+$0x9270]  }
0xe0: {  	v9 =	vld [tilespmem:s11+$0x9200];
	[tilespmem:s10+$0x1240] =	vst v10;
	v4 =	vadd.f32 v4, v1;
	v3 =	vmul.f32 $1.131370830e+01, v3  }
0xe1: {  	v10 =	vld [tilespmem:s11+$0x9210];
	[tilespmem:s10+$0x3240] =	vst v2;
	v1 =	vadd.f32 v5, v1;
	v2 =	vmul.f32 $1.131370830e+01, v6  }
0xe2: {  	v6 =	vld [tilespmem:s11+$0x9220];
	[tilespmem:s10+$0x1250] =	vst v4;
	v3 =	vadd.f32 v3, v0;
	v4 =	vmul.f32 $1.131370830e+01, v7  }
0xe3: {  	v7 =	vld [tilespmem:s11+$0x9230];
	[tilespmem:s10+$0x3250] =	vst v1;
	v0 =	vadd.f32 v2, v0;
	v5 =	vmul.f32 $1.131370830e+01, v11  }
0xe4: {  	v2 =	vld [tilespmem:s11+$0x9240];
	[tilespmem:s10+$0x1260] =	vst v3;
	v3 =	vadd.f32 v4, v8  }
0xe5: {  	v1 =	vld [tilespmem:s11+$0x9250];
	[tilespmem:s10+$0x3260] =	vst v0;
	v4 =	vadd.f32 v5, v8  }
0xe6: {  	v0 =	vld [tilespmem:s11+$0x9260];
	[tilespmem:s10+$0x1270] =	vst v3  }
0xe7: {  	v3 =	vld [tilespmem:s11+$0x1200];
	[tilespmem:s10+$0x3270] =	vst v4;
	s10 =	smov.u32 s11  }
0xe8: {  	v4 =	vld [tilespmem:s10+$0x3200]  }
0xe9: {  	v5 =	vld [tilespmem:s10+$0x1210]  }
0xea: {  	v8 =	vld [tilespmem:s10+$0x3210]  }
0xeb: {  	v11 =	vld [tilespmem:s10+$0x1220]  }
0xec: {  	v3 =	vmul.f32 $1.131370830e+01, v3;
	v12 =	vld [tilespmem:s10+$0x3220]  }
0xed: {  	v4 =	vmul.f32 $1.131370830e+01, v4;
	v13 =	vld [tilespmem:s10+$0x1230]  }
0xee: {  	v3 =	vadd.f32 v3, v9;
	v5 =	vmul.f32 $1.131370830e+01, v5;
	v14 =	vld [tilespmem:s10+$0x3230]  }
0xef: {  	v4 =	vadd.f32 v4, v9;
	v8 =	vmul.f32 $1.131370830e+01, v8;
	v9 =	vld [tilespmem:s10+$0x1240]  }
0xf0: {  	[tilespmem:s10+$0x1200] =	vst v3;
	v3 =	vadd.f32 v5, v10;
	v5 =	vmul.f32 $1.131370830e+01, v11;
	v15 =	vld [tilespmem:s10+$0x3240]  }
.Ltmp2:
0xf1: {  	[tilespmem:s10+$0x3200] =	vst v4;
	v8 =	vadd.f32 v8, v10;
	v10 =	vmul.f32 $1.131370830e+01, v12;
	v4 =	vld [tilespmem:s10+$0x1250];
	(pc) =	sbr.rel @p0 .LBB2_6-.Ltmp2, $4  }
0xf2: {  	[tilespmem:s10+$0x1210] =	vst v3;
	v11 =	vadd.f32 v5, v6;
	v12 =	vmul.f32 $1.131370830e+01, v13;
	v5 =	vld [tilespmem:s10+$0x3250]  }
0xf3: {  	[tilespmem:s10+$0x3210] =	vst v8;
	v8 =	vadd.f32 v10, v6;
	v13 =	vmul.f32 $1.131370830e+01, v14;
	v3 =	vld [tilespmem:s10+$0x1260]  }
0xf4: {  	[tilespmem:s10+$0x1220] =	vst v11;
	v10 =	vadd.f32 v12, v7;
	v11 =	vmul.f32 $1.131370830e+01, v9;
	v6 =	vld [tilespmem:s10+$0x3260]  }
0xf5: {  	s24 =	sadd.s32 $0x200, s24;
	[tilespmem:s10+$0x3220] =	vst v8;
	v8 =	vadd.f32 v13, v7;
	v9 =	vmul.f32 $1.131370830e+01, v15;
	v7 =	vld [tilespmem:s10+$0x1270]  }
0xf6: {  	[tilespmem:s10+$0x1230] =	vst v10;
	v10 =	vld [tilespmem:s10+$0x3270];
	v11 =	vadd.f32 v11, v2;
	v4 =	vmul.f32 $1.131370830e+01, v4  }
0xf7: {  	[tilespmem:s10+$0x3230] =	vst v8;
	v2 =	vadd.f32 v9, v2;
	v5 =	vmul.f32 $1.131370830e+01, v5;
	v8 =	vld [tilespmem:s10+$0x9270]  }
0xf8: {  	[tilespmem:s10+$0x1240] =	vst v11;
	v4 =	vadd.f32 v4, v1;
	v3 =	vmul.f32 $1.131370830e+01, v3  }
0xf9: {  	[tilespmem:s10+$0x3240] =	vst v2;
	v1 =	vadd.f32 v5, v1;
	v2 =	vmul.f32 $1.131370830e+01, v6  }
0xfa: {  	[tilespmem:s10+$0x1250] =	vst v4;
	v3 =	vadd.f32 v3, v0;
	v4 =	vmul.f32 $1.131370830e+01, v7  }
0xfb: {  	[tilespmem:s10+$0x3250] =	vst v1;
	v0 =	vadd.f32 v2, v0;
	v1 =	vmul.f32 $1.131370830e+01, v10  }
0xfc: {  	[tilespmem:s10+$0x1260] =	vst v3;
	v2 =	vadd.f32 v4, v8  }
0xfd: {  	[tilespmem:s10+$0x3260] =	vst v0;
	v0 =	vadd.f32 v1, v8  }
0xfe: {  	[tilespmem:s10+$0x1270] =	vst v2  }
0xff: {  	s24 =	simm.s32 $0x0;
	[tilespmem:s10+$0x3270] =	vst v0  }
0x100: {  	[hbm4b:s13+s24] =	stream.linear.scatter [tilespmem:s29], [sflag:$0xB], $0x1000, $0x38;
	[tilespmem:$0xA200] =	vst v63  }
0x101: {  	_ = 	snop  }
0x102: {  	[hbm4b:s14+s24] =	stream.linear.scatter [tilespmem:s31], [sflag:$0xB], $0x1000, $0x38;
	[tilespmem:$0xA200] =	vst v63  }
0x103: {  	_ =	swait.ge [sflag:s8], $0x1000  }
0x104: {  	[sflag:s8] =	ssyncset.done $0x0  }
0x105: {  	[sflag:s8] =	ssyncadd.s32 $0xFFFFF000  }
0x106: {  	_ =	swait.ge [sflag:s19], $0x1000  }
0x107: {  	[sflag:s19] =	ssyncset.done $0x0  }
0x108: {  	s10 =	simm.s32 $0x0;
	[sflag:s19] =	ssyncadd.s32 $0xFFFFF000  }
0x109: {  	v3 =	vld [tilespmem:s10+$0x9200]  }
0x10a: {  	v5 =	vld [tilespmem:s10+$0x9210]  }
0x10b: {  	v6 =	vld [tilespmem:s10+$0x9220]  }
0x10c: {  	v7 =	vld [tilespmem:s10+$0x9230]  }
0x10d: {  	v2 =	vld [tilespmem:s10+$0x9240]  }
0x10e: {  	v4 =	vld [tilespmem:s10+$0x5200]  }
0x10f: {  	v8 =	vld [tilespmem:s10+$0x7200]  }
0x110: {  	v1 =	vld [tilespmem:s10+$0x9250]  }
0x111: {  	v9 =	vld [tilespmem:s10+$0x5210]  }
0x112: {  	v10 =	vld [tilespmem:s10+$0x7210]  }
0x113: {  	v0 =	vld [tilespmem:s10+$0x9260]  }
0x114: {  	v11 =	vld [tilespmem:s10+$0x5220];
	v4 =	vmul.f32 $1.131370830e+01, v4;
	v8 =	vmul.f32 $1.131370830e+01, v8  }
0x115: {  	v12 =	vld [tilespmem:s10+$0x7220]  }
0x116: {  	v13 =	vld [tilespmem:s10+$0x5230];
	v4 =	vadd.f32 v4, v3;
	v3 =	vadd.f32 v8, v3;
	v8 =	vmul.f32 $1.131370830e+01, v9  }
0x117: {  	v14 =	vld [tilespmem:s10+$0x7230];
	v10 =	vmul.f32 $1.131370830e+01, v10  }
0x118: {  	v15 =	vld [tilespmem:s10+$0x5240];
	[tilespmem:s10+$0x5200] =	vst v4;
	v8 =	vadd.f32 v8, v5  }
0x119: {  	v9 =	vld [tilespmem:s10+$0x7240];
	v10 =	vadd.f32 v10, v5;
	[tilespmem:s10+$0x7200] =	vst v3;
	v3 =	vmul.f32 $1.131370830e+01, v11  }
0x11a: {  	v4 =	vld [tilespmem:s10+$0x5250];
	[tilespmem:s10+$0x5210] =	vst v8;
	v8 =	vmul.f32 $1.131370830e+01, v12  }
0x11b: {  	v5 =	vld [tilespmem:s10+$0x7250];
	[tilespmem:s10+$0x7210] =	vst v10;
	v10 =	vmul.f32 $1.131370830e+01, v13;
	v11 =	vadd.f32 v3, v6  }
0x11c: {  	v63 =	vmul.f32 $1.131370830e+01, v14;
	v3 =	vld [tilespmem:s10+$0x5260];
	v8 =	vadd.f32 v8, v6  }
0x11d: {  	v10 =	vadd.f32 v10, v7;
	[tilespmem:s10+$0x5220] =	vst v11;
	v6 =	vld [tilespmem:s10+$0x7260];
	v11 =	vmul.f32 $1.131370830e+01, v15  }
0x11e: {  	s24 =	simm.s32 $0x200;
	v9 =	vmul.f32 $1.131370830e+01, v9;
	[tilespmem:s10+$0x7220] =	vst v8;
	v8 =	vadd.f32 v63, v7;
	v7 =	vld [tilespmem:s10+$0x5270]  }
.LBB2_8:
0x11f: {  	p0 =	sne.s32 s24, $0x3E00;
	[tilespmem:s10+$0x5230] =	vst v10;
	v10 =	vadd.f32 v11, v2;
	v4 =	vmul.f32 $1.131370830e+01, v4;
	v11 =	vld [tilespmem:s10+$0x7270]  }
0x120: {  	s11 =	sshra.s32 s24, $0x2;
	[tilespmem:s10+$0x7230] =	vst v8;
	v2 =	vadd.f32 v9, v2;
	v5 =	vmul.f32 $1.131370830e+01, v5;
	v8 =	vld [tilespmem:s10+$0x9270]  }
0x121: {  	v9 =	vld [tilespmem:s11+$0x9200];
	[tilespmem:s10+$0x5240] =	vst v10;
	v4 =	vadd.f32 v4, v1;
	v3 =	vmul.f32 $1.131370830e+01, v3  }
0x122: {  	v10 =	vld [tilespmem:s11+$0x9210];
	[tilespmem:s10+$0x7240] =	vst v2;
	v1 =	vadd.f32 v5, v1;
	v2 =	vmul.f32 $1.131370830e+01, v6  }
0x123: {  	v6 =	vld [tilespmem:s11+$0x9220];
	[tilespmem:s10+$0x5250] =	vst v4;
	v3 =	vadd.f32 v3, v0;
	v4 =	vmul.f32 $1.131370830e+01, v7  }
0x124: {  	v7 =	vld [tilespmem:s11+$0x9230];
	[tilespmem:s10+$0x7250] =	vst v1;
	v0 =	vadd.f32 v2, v0;
	v5 =	vmul.f32 $1.131370830e+01, v11  }
0x125: {  	v2 =	vld [tilespmem:s11+$0x9240];
	[tilespmem:s10+$0x5260] =	vst v3;
	v3 =	vadd.f32 v4, v8  }
0x126: {  	v1 =	vld [tilespmem:s11+$0x9250];
	[tilespmem:s10+$0x7260] =	vst v0;
	v4 =	vadd.f32 v5, v8  }
0x127: {  	v0 =	vld [tilespmem:s11+$0x9260];
	[tilespmem:s10+$0x5270] =	vst v3  }
0x128: {  	v3 =	vld [tilespmem:s11+$0x5200];
	[tilespmem:s10+$0x7270] =	vst v4;
	s10 =	smov.u32 s11  }
0x129: {  	v4 =	vld [tilespmem:s10+$0x7200]  }
0x12a: {  	v5 =	vld [tilespmem:s10+$0x5210]  }
0x12b: {  	v8 =	vld [tilespmem:s10+$0x7210]  }
0x12c: {  	v11 =	vld [tilespmem:s10+$0x5220]  }
0x12d: {  	v3 =	vmul.f32 $1.131370830e+01, v3;
	v12 =	vld [tilespmem:s10+$0x7220]  }
0x12e: {  	v4 =	vmul.f32 $1.131370830e+01, v4;
	v13 =	vld [tilespmem:s10+$0x5230]  }
0x12f: {  	v3 =	vadd.f32 v3, v9;
	v5 =	vmul.f32 $1.131370830e+01, v5;
	v14 =	vld [tilespmem:s10+$0x7230]  }
0x130: {  	v4 =	vadd.f32 v4, v9;
	v8 =	vmul.f32 $1.131370830e+01, v8;
	v9 =	vld [tilespmem:s10+$0x5240]  }
0x131: {  	[tilespmem:s10+$0x5200] =	vst v3;
	v3 =	vadd.f32 v5, v10;
	v5 =	vmul.f32 $1.131370830e+01, v11;
	v15 =	vld [tilespmem:s10+$0x7240]  }
.Ltmp3:
0x132: {  	[tilespmem:s10+$0x7200] =	vst v4;
	v8 =	vadd.f32 v8, v10;
	v10 =	vmul.f32 $1.131370830e+01, v12;
	v4 =	vld [tilespmem:s10+$0x5250];
	(pc) =	sbr.rel @p0 .LBB2_8-.Ltmp3, $4  }
0x133: {  	[tilespmem:s10+$0x5210] =	vst v3;
	v11 =	vadd.f32 v5, v6;
	v12 =	vmul.f32 $1.131370830e+01, v13;
	v5 =	vld [tilespmem:s10+$0x7250]  }
0x134: {  	[tilespmem:s10+$0x7210] =	vst v8;
	v8 =	vadd.f32 v10, v6;
	v13 =	vmul.f32 $1.131370830e+01, v14;
	v3 =	vld [tilespmem:s10+$0x5260]  }
0x135: {  	[tilespmem:s10+$0x5220] =	vst v11;
	v10 =	vadd.f32 v12, v7;
	v11 =	vmul.f32 $1.131370830e+01, v9;
	v6 =	vld [tilespmem:s10+$0x7260]  }
0x136: {  	s24 =	sadd.s32 $0x200, s24;
	[tilespmem:s10+$0x7220] =	vst v8;
	v8 =	vadd.f32 v13, v7;
	v9 =	vmul.f32 $1.131370830e+01, v15;
	v7 =	vld [tilespmem:s10+$0x5270]  }
0x137: {  	[tilespmem:s10+$0x5230] =	vst v10;
	v54 =	vld [tilespmem:s10+$0x7270];
	v11 =	vadd.f32 v11, v2;
	v4 =	vmul.f32 $1.131370830e+01, v4  }
0x138: {  	v56 =	vld [tilespmem:s10+$0x9270];
	[tilespmem:s10+$0x7230] =	vst v8;
	v55 =	vadd.f32 v9, v2;
	v5 =	vmul.f32 $1.131370830e+01, v5  }
0x139: {  	[tilespmem:s10+$0x5240] =	vst v11;
	v4 =	vadd.f32 v4, v1;
	v3 =	vmul.f32 $1.131370830e+01, v3  }
0x13a: {  	[tilespmem:s10+$0x7240] =	vst v55;
	v57 =	vadd.f32 v5, v1;
	v58 =	vmul.f32 $1.131370830e+01, v6  }
0x13b: {  	[tilespmem:s10+$0x5250] =	vst v4;
	v3 =	vadd.f32 v3, v0;
	v59 =	vmul.f32 $1.131370830e+01, v7  }
0x13c: {  	[tilespmem:s10+$0x7250] =	vst v57;
	v60 =	vadd.f32 v58, v0;
	v61 =	vmul.f32 $1.131370830e+01, v54  }
0x13d: {  	[tilespmem:s10+$0x5260] =	vst v3;
	v62 =	vadd.f32 v59, v56  }
0x13e: {  	[tilespmem:s10+$0x7260] =	vst v60;
	v63 =	vadd.f32 v61, v56  }
0x13f: {  	[tilespmem:s10+$0x5270] =	vst v62  }
0x140: {  	[tilespmem:s10+$0x7270] =	vst v63  }
0x141: {  	[hbm4b:s15+s3] =	stream.linear.scatter [tilespmem:s2], [sflag:$0xB], $0x1000, $0x38;
	[tilespmem:$0xA200] =	vst v63  }
0x142: {  	_ = 	snop  }
0x143: {  	[hbm4b:s16+s3] =	stream.linear.scatter [tilespmem:s30], [sflag:$0xB], $0x1000, $0x38;
	[tilespmem:$0xA200] =	vst v63  }
0x144: {  	_ =	swait.ge [sflag:s20], $0x1000  }
0x145: {  	[sflag:s20] =	ssyncset.done $0x0  }
0x146: {  	[sflag:s20] =	ssyncadd.s32 $0xFFFFF000  }
0x147: {  	_ =	swait.ge [sflag:s20], $0x1000  }
0x148: {  	[sflag:s20] =	ssyncset.done $0x0  }
0x149: {  	[sflag:s20] =	ssyncadd.s32 $0xFFFFF000  }
0x14a: {  	_ =	swait.ge [sflag:s20], $0x1000  }
0x14b: {  	[sflag:s20] =	ssyncset.done $0x0  }
0x14c: {  	[sflag:s20] =	ssyncadd.s32 $0xFFFFF000  }
0x14d: {  	_ =	swait.ge [sflag:s20], $0x1000  }
0x14e: {  	[sflag:s20] =	ssyncset.done $0x0  }
0x14f: {  	[sflag:s20] =	ssyncadd.s32 $0xFFFFF000  }
0x150: {  	_ =	swait.ge [sflag:s20], $0x1000  }
0x151: {  	[sflag:s20] =	ssyncset.done $0x0  }
0x152: {  	[sflag:s20] =	ssyncadd.s32 $0xFFFFF000  }
0x153: {  	_ =	swait.ge [sflag:s20], $0x1000  }
0x154: {  	[sflag:s20] =	ssyncset.done $0x0  }
0x155: {  	s23 =	sadd.s32 $0x1, s23;
	[sflag:s20] =	ssyncadd.s32 $0xFFFFF000  }
0x156: {  	p0 =	sne.s32 s23, s17;
	_ =	swait.ge [sflag:s20], $0x1000  }
.Ltmp4:
0x157: {  	[sflag:s20] =	ssyncset.done $0x0;
	(pc) =	sbr.rel @p0 .LBB2_1-.Ltmp4, $4  }
0x158: {  	[sflag:s20] =	ssyncadd.s32 $0xFFFFF000  }
0x159: {  	_ =	swait.ge [sflag:s20], $0x1000  }
0x15a: {  	[sflag:s20] =	ssyncset.done $0x0  }
0x15b: {  	[sflag:s20] =	ssyncadd.s32 $0xFFFFF000  }
0x15c: {  	_ =	sfence.sel $0x180000  }
0x15d: {  	[bflag:$0x0] =	sbarrier.arrive $0xFFFF  }
0x15e: {  	_ =	strace $0x90000047  }
0x15f: {  	s0 =	stileid.u32;
	[bflag:$0x2] =	sbarrier.arrive $0xFFFF  }
0x160: {  	p0 =	sne.s32 s0, $0x0;
	s0 =	rddreg [dreg:$0x3]  }
0x161: {  	s0 =	sadd.s32 @!p0 $0x100000, s0  }
0x162: {  	[sflag:s0] =	ssyncadd.tile.s32 @!p0 $0x1;
	_ =	shalt  }
.Lfunc_end2:
_tile_overlayer_lowered:
.L_overlay_start_2:
0x163: {  	(tag) =	ssettag $0x2  }
0x164: {  	s0 =	rddreg [dreg:$0x0];
	s2 =	stileid.u32  }
0x165: {  	s1 =	rddreg [dreg:$0x1];
	p0 =	sne.s32 s2, $0x0  }
0x166: {  	s3 =	rddreg [dreg:$0x2];
	[bflag:$0x3] =	sbarrier.arrive $0xFFFF;
	s2 =	simm.s32 @!p0 $0x1C0C  }
0x167: {  	[timem:s3], [sflag:s2] =	dma.local @!p0 [hbm:s0], s1  }
0x168: {  	s0 =	simm.s32 @!p0 $0xC  }
0x169: {  	_ =	swait.ge @!p0 [sflag:s0], s1  }
0x16a: {  	s1 =	ssub.s32 @!p0 $0x0, s1;
	[sflag:s0] =	ssyncset.done @!p0 $0x0  }
0x16b: {  	[sflag:s0] =	ssyncadd.s32 @!p0 s1  }
0x16c: {  	[bflag:$0x3] =	sbarrier.arrive $0xFFFF  }
0x16d: {  	_ =	shalt  }

</sc_bundles>
